<compile_context>
chip_gen: v7x
topology: tpu7x:2x2x1
jax: 0.10.2.dev20260603
libtpu: 0.0.44.dev20260713+nightly
codegen_flags: <defaults>
</compile_context>

<pallas_src>
import dataclasses
import functools

import jax
import jax.numpy as jnp
from jax import lax
from jax.experimental import pallas as pl
from jax.experimental.pallas import tpu as pltpu
from jax.experimental.pallas import tpu_sc as plsc

_N = 10000
_T = 20000
_E = 320000
_C = 128
_OUT = 10

_NC = 2
_NS = 16
_NW = _NC * _NS

_NP = 10112
_ROWS_SUB = _NP // _NS
_XCH = 128
_XNCH = _NP // _XCH
_ECH = 128
_NCH = 81
_EPW = _NCH * _ECH
_EP = _EPW * _NW

_BLK = 1264
_GRID = _NP // _BLK



@functools.cache
def _get_mesh():
    return plsc.VectorSubcoreMesh(core_axis_name="c", subcore_axis_name="s",
                                  num_cores=_NC, num_subcores=_NS)


@functools.cache
def _get_gather_x_deg():
    @functools.partial(
        pl.kernel,
        out_type=[
            jax.ShapeDtypeStruct((_NP, _C), jnp.float32),
            jax.ShapeDtypeStruct((_NC * _NP,), jnp.float32),
        ],
        mesh=_get_mesh(),
        scratch_types=[
            pltpu.VMEM((_XCH,), jnp.int32),
            pltpu.VMEM((_XCH, _C), jnp.float32),
            pltpu.VMEM((_ECH,), jnp.int32),
            pltpu.VMEM((_ECH,), jnp.int32),
            pltpu.VMEM((_NP,), jnp.float32),
            pltpu.VMEM((_ROWS_SUB,), jnp.float32),
            pltpu.VMEM((_ROWS_SUB,), jnp.float32),
            pltpu.VMEM_SHARED((_NS * _NP,), jnp.float32),
            pltpu.SemaphoreType.DMA,
            pltpu.SemaphoreType.DMA,
            pltpu.SemaphoreType.DMA,
        ],
        compiler_params=dataclasses.replace(pltpu.CompilerParams(),
                                            needs_layout_passes=False),
    )
    def _sc_gather_x_deg(tbl_hbm, nidx_hbm, dst_hbm, x_hbm, deg_hbm,
                         idx_v, rows_v, d0, d1, hbuf, rbuf, abuf, hstage,
                         sem, isem0, isem1):
        cid = lax.axis_index("c")
        sid = lax.axis_index("s")
        wid = sid * _NC + cid

        z = jnp.zeros((16,), jnp.float32)
        o = jnp.ones((16,), jnp.float32)

        @pl.loop(0, _NP // 16)
        def _(i):
            hbuf[pl.ds(i * 16, 16)] = z

        for j in range(3):
            c = wid + j * _NW

            @pl.when(c < _XNCH)
            def _():
                off = c * _XCH
                pltpu.sync_copy(nidx_hbm.at[pl.ds(off, _XCH)], idx_v)
                pltpu.async_copy(tbl_hbm.at[idx_v], rows_v, sem).wait()
                pltpu.sync_copy(rows_v, x_hbm.at[pl.ds(off, _XCH)])

        ebase = wid * _EPW
        elast = ebase + _EPW - _ECH

        def load_dst(off, buf, isem):
            pltpu.async_copy(
                dst_hbm.at[pl.ds(lax.min(off, elast), _ECH)], buf, isem)

        load_dst(ebase, d0, isem0)
        load_dst(ebase + _ECH, d1, isem1)

        def hist_half(off, da, isa):
            pltpu.make_async_copy(dst_hbm.at[pl.ds(ebase, _ECH)], da,
                                  isa).wait()
            for j in range(_ECH // 16):
                plsc.addupdate_scatter(hbuf, [da[pl.ds(j * 16, 16)]], o)
            load_dst(off + 2 * _ECH, da, isa)

        @pl.loop(0, _NCH // 3)
        def _(i):
            off = ebase + 3 * i * _ECH
            hist_half(off, d0, isem0)
            hist_half(off + _ECH, d1, isem1)
            hist_half(off + 2 * _ECH, d0, isem0)

        pltpu.make_async_copy(dst_hbm.at[pl.ds(ebase, _ECH)], d0, isem0).wait()
        pltpu.make_async_copy(dst_hbm.at[pl.ds(ebase, _ECH)], d1, isem1).wait()

        pltpu.sync_copy(hbuf, hstage.at[pl.ds(sid * _NP, _NP)])
        plsc.subcore_barrier()

        rbase = sid * _ROWS_SUB

        @pl.loop(0, _ROWS_SUB // 16)
        def _(i):
            abuf[pl.ds(i * 16, 16)] = z

        @pl.loop(0, _NS)
        def _(k):
            pltpu.sync_copy(hstage.at[pl.ds(k * _NP + rbase, _ROWS_SUB)],
                            rbuf)
            for t in range(_ROWS_SUB // 16):
                sl = pl.ds(t * 16, 16)
                abuf[sl] = abuf[sl] + rbuf[sl]

        pltpu.sync_copy(abuf, deg_hbm.at[pl.ds(cid * _NP + rbase, _ROWS_SUB)])

    return _sc_gather_x_deg


@functools.cache
def _get_agg():
    @functools.partial(
        pl.kernel,
        out_type=jax.ShapeDtypeStruct((_NC * _NP, _C), jnp.float32),
        mesh=_get_mesh(),
        scratch_types=[
            [pltpu.VMEM((_ECH,), jnp.int32) for _ in range(3)],
            [pltpu.VMEM((_ECH,), jnp.int32) for _ in range(3)],
            [pltpu.VMEM((_ECH, _C), jnp.float32) for _ in range(3)],
            pltpu.VMEM_SHARED((_NP, _C), jnp.float32),
            [pltpu.SemaphoreType.DMA for _ in range(3)],
            [pltpu.SemaphoreType.DMA for _ in range(3)],
            [pltpu.SemaphoreType.DMA for _ in range(3)],
            pltpu.SemaphoreType.DMA,
        ],
    )
    def _sc_agg(src_hbm, dst_hbm, vals_hbm, zeros_hbm, acc_hbm,
                sv, dv, rv, acc, ssem, dsem, gsem, zsem):
        cid = lax.axis_index("c")
        sid = lax.axis_index("s")
        wid = sid * _NC + cid

        rbase = sid * _ROWS_SUB
        pltpu.async_copy(zeros_hbm.at[pl.ds(rbase, _ROWS_SUB)],
                         acc.at[pl.ds(rbase, _ROWS_SUB)], zsem)

        ebase = wid * _EPW
        elast = ebase + _EPW - _ECH

        def load_idx(off, k):
            o = lax.min(off, elast)
            pltpu.async_copy(src_hbm.at[pl.ds(o, _ECH)], sv[k], ssem[k])
            pltpu.async_copy(dst_hbm.at[pl.ds(o, _ECH)], dv[k], dsem[k])

        def wait(hbm, buf, sem):
            pltpu.make_async_copy(hbm.at[pl.ds(ebase, _ECH)], buf, sem).wait()

        def gather(k):
            pltpu.async_copy(vals_hbm.at[sv[k]], rv[k], gsem[k])

        for k in range(3):
            load_idx(ebase + k * _ECH, k)
        for k in range(2):
            wait(src_hbm, sv[k], ssem[k])
            gather(k)

        pltpu.make_async_copy(zeros_hbm.at[pl.ds(rbase, _ROWS_SUB)],
                              acc.at[pl.ds(rbase, _ROWS_SUB)], zsem).wait()
        plsc.subcore_barrier()

        def body(off, a, b, c):
            wait(src_hbm, sv[c], ssem[c])
            gather(c)
            pltpu.make_async_copy(vals_hbm.at[sv[a]], rv[a], gsem[a]).wait()
            wait(dst_hbm, dv[a], dsem[a])
            pltpu.sync_copy(rv[a], acc.at[dv[a]], add=True)
            load_idx(off + 3 * _ECH, a)

        @pl.loop(0, _NCH // 3)
        def _(i):
            off = ebase + 3 * i * _ECH
            body(off, 0, 1, 2)
            body(off + _ECH, 1, 2, 0)
            body(off + 2 * _ECH, 2, 0, 1)

        wait(src_hbm, sv[2], ssem[2])
        for k in range(3):
            wait(dst_hbm, dv[k], dsem[k])
        for k in range(2):
            pltpu.make_async_copy(vals_hbm.at[sv[k]], rv[k], gsem[k]).wait()

        plsc.subcore_barrier()
        obase = cid * _NP + rbase
        pltpu.sync_copy(acc.at[pl.ds(rbase, _ROWS_SUB)],
                        acc_hbm.at[pl.ds(obase, _ROWS_SUB)])

    return _sc_agg



def _tc_pre_body(x_ref, w_ref, b_ref, o_ref):
    o_ref[...] = (jnp.dot(x_ref[...], w_ref[...],
                          preferred_element_type=jnp.float32) + b_ref[...])


def _tc1_body(xr_ref, p0_ref, p1_ref, d0_ref, d1_ref, wn_ref, h_ref):
    deg = jnp.maximum(d0_ref[...] + d1_ref[...], 1.0)
    agg = (p0_ref[...] + p1_ref[...]) / deg
    h = xr_ref[...] + jnp.dot(agg, wn_ref[...],
                              preferred_element_type=jnp.float32)
    h_ref[...] = jnp.maximum(h, 0.0)


def _tc2_body(hr_ref, p0_ref, p1_ref, d0_ref, d1_ref, wn_ref,
              wh_ref, bh_ref, out_ref):
    deg = jnp.maximum(d0_ref[...] + d1_ref[...], 1.0)
    agg = (p0_ref[...] + p1_ref[...]) / deg
    h2 = hr_ref[...] + jnp.dot(agg, wn_ref[...],
                               preferred_element_type=jnp.float32)
    out_ref[...] = (jnp.dot(h2, wh_ref[...],
                            preferred_element_type=jnp.float32) + bh_ref[...])


def _row_specs():
    return [
        pl.BlockSpec((_BLK, _C), lambda i: (i, 0)),
        pl.BlockSpec((_BLK, _C), lambda i: (i, 0)),
        pl.BlockSpec((_BLK, _C), lambda i: (i + _GRID, 0)),
        pl.BlockSpec((_BLK, 1), lambda i: (i, 0)),
        pl.BlockSpec((_BLK, 1), lambda i: (i + _GRID, 0)),
        pl.BlockSpec((_C, _C), lambda i: (0, 0)),
    ]


_tc_pre = pl.pallas_call(
    _tc_pre_body,
    out_shape=jax.ShapeDtypeStruct((_NP, _C), jnp.float32),
    grid=(_GRID,),
    in_specs=[
        pl.BlockSpec((_BLK, _C), lambda i: (i, 0)),
        pl.BlockSpec((_C, _C), lambda i: (0, 0)),
        pl.BlockSpec((1, _C), lambda i: (0, 0)),
    ],
    out_specs=pl.BlockSpec((_BLK, _C), lambda i: (i, 0)),
)

_tc1 = pl.pallas_call(
    _tc1_body,
    out_shape=jax.ShapeDtypeStruct((_NP, _C), jnp.float32),
    grid=(_GRID,),
    in_specs=_row_specs(),
    out_specs=pl.BlockSpec((_BLK, _C), lambda i: (i, 0)),
)

_tc2 = pl.pallas_call(
    _tc2_body,
    out_shape=jax.ShapeDtypeStruct((_NP, _OUT), jnp.float32),
    grid=(_GRID,),
    in_specs=_row_specs() + [
        pl.BlockSpec((_C, _OUT), lambda i: (0, 0)),
        pl.BlockSpec((1, _OUT), lambda i: (0, 0)),
    ],
    out_specs=pl.BlockSpec((_BLK, _OUT), lambda i: (i, 0)),
)



def kernel(feat_table, node_idx, edge_index,
           W_root1, W_nbr1, b1, W_root2, W_nbr2, b2, W_head, b_head):
    pe = jnp.arange(_EP - _E, dtype=jnp.int32)
    nidx = jnp.concatenate(
        [node_idx, jnp.arange(_NP - _N, dtype=jnp.int32) % _T])
    src = jnp.concatenate([edge_index[0], pe % _N])
    dst = jnp.concatenate([edge_index[1], _N + pe % (_NP - _N)])
    zeros = jnp.zeros((_NP, _C), jnp.float32)

    x, deg = _get_gather_x_deg()(feat_table, nidx, dst)
    deg = deg.reshape(_NC * _NP, 1)
    xr = _tc_pre(x, W_root1, b1.reshape(1, _C))
    acc1 = _get_agg()(src, dst, x, zeros)
    h = _tc1(xr, acc1, acc1, deg, deg, W_nbr1)
    hr = _tc_pre(h, W_root2, b2.reshape(1, _C))
    acc2 = _get_agg()(src, dst, h, zeros)
    out = _tc2(hr, acc2, acc2, deg, deg, W_nbr2,
               W_head, b_head.reshape(1, _OUT))
    return out[:_N]

# --- scband reference (transcript-rebuilt; emitter-appended) ---
"""Pipeline reference for scband-model-58179626992415 (READ-ONLY COPY).

The authoritative reference and input builder live on the scoring server;
editing this copy changes nothing except your own understanding.
"""

import jax, jax.numpy as jnp
import numpy as np

N = 10000   # graph nodes (data.x rows)
T = 20000   # total encoded tuple rows across tables (union of x_dict)
E = 320000  # edges
C = 128     # channels
OUT = 10    # head out_channels


def setup_inputs(seed: int = 0) -> dict:
    key = jax.random.key(seed)
    ks = jax.random.split(key, 12)
    feat_table = jax.random.normal(ks[0], (T, C), dtype=jnp.float32)
    node_idx = jax.random.randint(ks[1], (N,), 0, T, dtype=jnp.int32)
    edge_index = jax.random.randint(ks[2], (2, E), 0, N, dtype=jnp.int32)
    s = 1.0 / np.sqrt(C)
    W_root1 = jax.random.normal(ks[3], (C, C), dtype=jnp.float32) * s
    W_nbr1 = jax.random.normal(ks[4], (C, C), dtype=jnp.float32) * s
    b1 = jnp.zeros((C,), dtype=jnp.float32)
    W_root2 = jax.random.normal(ks[5], (C, C), dtype=jnp.float32) * s
    W_nbr2 = jax.random.normal(ks[6], (C, C), dtype=jnp.float32) * s
    b2 = jnp.zeros((C,), dtype=jnp.float32)
    W_head = jax.random.normal(ks[7], (C, OUT), dtype=jnp.float32) * s
    b_head = jnp.zeros((OUT,), dtype=jnp.float32)
    return {
        "feat_table": feat_table, "node_idx": node_idx, "edge_index": edge_index,
        "W_root1": W_root1, "W_nbr1": W_nbr1, "b1": b1,
        "W_root2": W_root2, "W_nbr2": W_nbr2, "b2": b2,
        "W_head": W_head, "b_head": b_head,
    }


def reference(feat_table, node_idx, edge_index,
              W_root1, W_nbr1, b1, W_root2, W_nbr2, b2, W_head, b_head):
    # Encoder gather: per-node tuple lookup into encoded table features
    # (tensors_to_concat loop -> stack == row gather)
    x = jnp.take(feat_table, node_idx, axis=0)  # [N, C]
    src = edge_index[0]
    dst = edge_index[1]
    # mean-aggregation degree (clamped like PyG mean aggr)
    deg = jax.ops.segment_sum(jnp.ones((E,), jnp.float32), dst, num_segments=N)
    deg = jnp.clip(deg, 1.0, None)[:, None]  # [N, 1]
    # SAGEConv layer 1: W_root*x + W_nbr*mean(x_src -> dst), then ReLU
    agg1 = jax.ops.segment_sum(jnp.take(x, src, axis=0), dst, num_segments=N) / deg
    h = x @ W_root1 + agg1 @ W_nbr1 + b1
    h = jnp.maximum(h, 0.0)
    # SAGEConv layer 2 (no activation after last layer in GraphSAGE)
    agg2 = jax.ops.segment_sum(jnp.take(h, src, axis=0), dst, num_segments=N) / deg
    h2 = h @ W_root2 + agg2 @ W_nbr2 + b2
    # MLP head (num_layers=1 -> single linear)
    out = h2 @ W_head + b_head  # [N, OUT]
    return out

if __name__ == "__main__":
    import jax
    _d = setup_inputs()
    print(jax.jit(kernel)(*tuple(_d.values())))

</pallas_src>

<mosaic_0001>
#map = affine_map<(d0, d1) -> (0, 0)>
#map1 = affine_map<(d0, d1) -> (0)>
module attributes {stable_mosaic.version = 14 : i64} {
  func.func @_sc_gather_x_deg(%arg0: i32, %arg1: i32, %arg2: memref<20000x128xf32, #tpu.memory_space<hbm>>, %arg3: memref<10112xi32, #tpu.memory_space<hbm>>, %arg4: memref<331776xi32, #tpu.memory_space<hbm>>, %arg5: memref<10112x128xf32, #tpu.memory_space<hbm>>, %arg6: memref<20224xf32, #tpu.memory_space<hbm>>, %arg7: memref<128xi32, #tpu.memory_space<vmem>>, %arg8: memref<128x128xf32, #tpu.memory_space<vmem>>, %arg9: memref<128xi32, #tpu.memory_space<vmem>>, %arg10: memref<128xi32, #tpu.memory_space<vmem>>, %arg11: memref<10112xf32, #tpu.memory_space<vmem>>, %arg12: memref<632xf32, #tpu.memory_space<vmem>>, %arg13: memref<632xf32, #tpu.memory_space<vmem>>, %arg14: memref<161792xf32, #tpu.memory_space<vmem_shared>>, %arg15: memref<!tpu.dma_semaphore, #tpu.memory_space<semaphore_mem>>, %arg16: memref<!tpu.dma_semaphore, #tpu.memory_space<semaphore_mem>>, %arg17: memref<!tpu.dma_semaphore, #tpu.memory_space<semaphore_mem>>) attributes {dimension_semantics = [#tpu.dimension_semantics<core_parallel>, #tpu.dimension_semantics<subcore_parallel>], iteration_bounds = array<i64: 2, 16>, scalar_prefetch = 0 : i64, scratch_operands = 11 : i64, tpu.core_type = #tpu.core_type<sc_vector_subcore>, window_params = [{transform_indices = #map}, {transform_indices = #map1}, {transform_indices = #map1}, {transform_indices = #map}, {transform_indices = #map1}]} {
    %mul3A = arith.constant 2 : i32
    %mul3A_0 = arith.muli %arg1, %mul3A : i32
    %add3A = arith.addi %mul3A_0, %arg0 : i32
    %broadcast_in_dim3A = arith.constant 0.000000e+00 : f32
    %broadcast_in_dim3A_1 = vector.broadcast %broadcast_in_dim3A : f32 to vector<16xf32>
    %broadcast_in_dim3A_2 = arith.constant 1.000000e+00 : f32
    %broadcast_in_dim3A_3 = vector.broadcast %broadcast_in_dim3A_2 : f32 to vector<16xf32>
    %scan3A = arith.constant 0 : i32
    %scan3A_4 = arith.constant 632 : i32
    %scan3A_5 = arith.addi %scan3A, %scan3A_4 : i32
    %scan3A_6 = arith.constant 1 : i32
    scf.for %scan3A_62 = %scan3A to %scan3A_5 step %scan3A_6  : i32 {
      %mul3A_63 = arith.constant 1 : i32
      %mul3A_64 = arith.muli %scan3A_62, %mul3A_63 : i32
      %add3A_65 = arith.constant 0 : i32
      %add3A_66 = arith.addi %add3A_65, %mul3A_64 : i32
      %mul3A_67 = arith.constant 16 : i32
      %mul3A_68 = arith.muli %add3A_66, %mul3A_67 : i32
      %swap3A = arith.index_cast %mul3A_68 : i32 to index
      %swap3A_69 = tpu.vector_load %arg11[%swap3A] {strides = array<i32>} : memref<10112xf32, #tpu.memory_space<vmem>>, vector<16xf32>,
      tpu.vector_store %arg11[%swap3A], %broadcast_in_dim3A_1 {strides = array<i32>} : memref<10112xf32, #tpu.memory_space<vmem>>, vector<16xf32>,
    }
    %scan3A_7 = arith.constant 632 : i32
    %add3A_8 = arith.constant 0 : i32
    %add3A_9 = arith.addi %add3A, %add3A_8 : i32
    %lt3A = arith.constant 79 : i32
    %lt3A_10 = arith.cmpi slt, %add3A_9, %lt3A : i32
    %convert_element_type3A = arith.extui %lt3A_10 : i1 to i32
    %cond3A = arith.constant 0 : i32
    %cond3A_11 = arith.cmpi ne, %convert_element_type3A, %cond3A : i32
    scf.if %cond3A_11 {
      %mul3A_62 = arith.constant 128 : i32
      %mul3A_63 = arith.muli %add3A_9, %mul3A_62 : i32
      "tpu.region"() ({
        %run_scoped3A = tpu.sem_alloc : memref<!tpu.dma_semaphore, #tpu.memory_space<semaphore_mem>>
        %dma_start3A_70 = tpu.memref_slice %arg3[%mul3A_63] : memref<10112xi32, #tpu.memory_space<hbm>> -> memref<128xi32, #tpu.memory_space<hbm>>
        %dma_start3A_71 = tpu.memref_slice %arg3[%mul3A_63] : memref<10112xi32, #tpu.memory_space<hbm>> -> memref<128xi32, #tpu.memory_space<hbm>>
        tpu.enqueue_dma source(%dma_start3A_71 : memref<128xi32, #tpu.memory_space<hbm>>) target(%arg7 : memref<128xi32, #tpu.memory_space<vmem>>) target_semaphore(%run_scoped3A : memref<!tpu.dma_semaphore, #tpu.memory_space<semaphore_mem>>)
        %dma_wait3A_72 = tpu.memref_slice %arg3[%mul3A_63] : memref<10112xi32, #tpu.memory_space<hbm>> -> memref<128xi32, #tpu.memory_space<hbm>>
        %dma_wait3A_73 = tpu.memref_slice %arg3[%mul3A_63] : memref<10112xi32, #tpu.memory_space<hbm>> -> memref<128xi32, #tpu.memory_space<hbm>>
        tpu.wait_dma2 semaphore(%run_scoped3A : memref<!tpu.dma_semaphore, #tpu.memory_space<semaphore_mem>>) src(%dma_wait3A_73 : memref<128xi32, #tpu.memory_space<hbm>>) dst(%arg7 : memref<128xi32, #tpu.memory_space<vmem>>)
        tpu.yield
      }) : () -> ()
      %dma_start3A_64 = arith.constant 0 : i32
      %dma_start3A_65 = arith.constant 0 : i32
      %dma_start3A_66 = tpu.memref_slice %arg2[%dma_start3A_64, %dma_start3A_65] : memref<20000x128xf32, #tpu.memory_space<hbm>> -> memref<20000x128xf32, #tpu.memory_space<hbm>>
      tpu.enqueue_indirect_dma source(%dma_start3A_66 : memref<20000x128xf32, #tpu.memory_space<hbm>>) target(%arg8 : memref<128x128xf32, #tpu.memory_space<vmem>>) offsets(%arg7 : memref<128xi32, #tpu.memory_space<vmem>>) semaphore(%arg15 : memref<!tpu.dma_semaphore, #tpu.memory_space<semaphore_mem>>)
      %dma_wait3A_67 = arith.constant 0 : i32
      %dma_wait3A_68 = arith.constant 0 : i32
      %dma_wait3A_69 = tpu.memref_slice %arg2[%dma_wait3A_67, %dma_wait3A_68] : memref<20000x128xf32, #tpu.memory_space<hbm>> -> memref<20000x128xf32, #tpu.memory_space<hbm>>
      tpu.wait_indirect_dma semaphore(%arg15 : memref<!tpu.dma_semaphore, #tpu.memory_space<semaphore_mem>>) src(%dma_wait3A_69 : memref<20000x128xf32, #tpu.memory_space<hbm>>) dst(%arg8 : memref<128x128xf32, #tpu.memory_space<vmem>>)
      "tpu.region"() ({
        %run_scoped3A = tpu.sem_alloc : memref<!tpu.dma_semaphore, #tpu.memory_space<semaphore_mem>>
        %dma_start3A_70 = arith.constant 0 : i32
        %dma_start3A_71 = tpu.memref_slice %arg5[%mul3A_63, %dma_start3A_70] : memref<10112x128xf32, #tpu.memory_space<hbm>> -> memref<128x128xf32, #tpu.memory_space<hbm>>
        %dma_start3A_72 = arith.constant 0 : i32
        %dma_start3A_73 = tpu.memref_slice %arg5[%mul3A_63, %dma_start3A_72] : memref<10112x128xf32, #tpu.memory_space<hbm>> -> memref<128x128xf32, #tpu.memory_space<hbm>>
        tpu.enqueue_dma source(%arg8 : memref<128x128xf32, #tpu.memory_space<vmem>>) target(%dma_start3A_73 : memref<128x128xf32, #tpu.memory_space<hbm>>) target_semaphore(%run_scoped3A : memref<!tpu.dma_semaphore, #tpu.memory_space<semaphore_mem>>)
        %dma_wait3A_74 = arith.constant 0 : i32
        %dma_wait3A_75 = tpu.memref_slice %arg5[%mul3A_63, %dma_wait3A_74] : memref<10112x128xf32, #tpu.memory_space<hbm>> -> memref<128x128xf32, #tpu.memory_space<hbm>>
        %dma_wait3A_76 = arith.constant 0 : i32
        %dma_wait3A_77 = tpu.memref_slice %arg5[%mul3A_63, %dma_wait3A_76] : memref<10112x128xf32, #tpu.memory_space<hbm>> -> memref<128x128xf32, #tpu.memory_space<hbm>>
        tpu.wait_dma2 semaphore(%run_scoped3A : memref<!tpu.dma_semaphore, #tpu.memory_space<semaphore_mem>>) src(%arg8 : memref<128x128xf32, #tpu.memory_space<vmem>>) dst(%dma_wait3A_77 : memref<128x128xf32, #tpu.memory_space<hbm>>)
        tpu.yield
      }) : () -> ()
    } else {
    }
    %add3A_12 = arith.constant 32 : i32
    %add3A_13 = arith.addi %add3A, %add3A_12 : i32
    %lt3A_14 = arith.constant 79 : i32
    %lt3A_15 = arith.cmpi slt, %add3A_13, %lt3A_14 : i32
    %convert_element_type3A_16 = arith.extui %lt3A_15 : i1 to i32
    %cond3A_17 = arith.constant 0 : i32
    %cond3A_18 = arith.cmpi ne, %convert_element_type3A_16, %cond3A_17 : i32
    scf.if %cond3A_18 {
      %mul3A_62 = arith.constant 128 : i32
      %mul3A_63 = arith.muli %add3A_13, %mul3A_62 : i32
      "tpu.region"() ({
        %run_scoped3A = tpu.sem_alloc : memref<!tpu.dma_semaphore, #tpu.memory_space<semaphore_mem>>
        %dma_start3A_70 = tpu.memref_slice %arg3[%mul3A_63] : memref<10112xi32, #tpu.memory_space<hbm>> -> memref<128xi32, #tpu.memory_space<hbm>>
        %dma_start3A_71 = tpu.memref_slice %arg3[%mul3A_63] : memref<10112xi32, #tpu.memory_space<hbm>> -> memref<128xi32, #tpu.memory_space<hbm>>
        tpu.enqueue_dma source(%dma_start3A_71 : memref<128xi32, #tpu.memory_space<hbm>>) target(%arg7 : memref<128xi32, #tpu.memory_space<vmem>>) target_semaphore(%run_scoped3A : memref<!tpu.dma_semaphore, #tpu.memory_space<semaphore_mem>>)
        %dma_wait3A_72 = tpu.memref_slice %arg3[%mul3A_63] : memref<10112xi32, #tpu.memory_space<hbm>> -> memref<128xi32, #tpu.memory_space<hbm>>
        %dma_wait3A_73 = tpu.memref_slice %arg3[%mul3A_63] : memref<10112xi32, #tpu.memory_space<hbm>> -> memref<128xi32, #tpu.memory_space<hbm>>
        tpu.wait_dma2 semaphore(%run_scoped3A : memref<!tpu.dma_semaphore, #tpu.memory_space<semaphore_mem>>) src(%dma_wait3A_73 : memref<128xi32, #tpu.memory_space<hbm>>) dst(%arg7 : memref<128xi32, #tpu.memory_space<vmem>>)
        tpu.yield
      }) : () -> ()
      %dma_start3A_64 = arith.constant 0 : i32
      %dma_start3A_65 = arith.constant 0 : i32
      %dma_start3A_66 = tpu.memref_slice %arg2[%dma_start3A_64, %dma_start3A_65] : memref<20000x128xf32, #tpu.memory_space<hbm>> -> memref<20000x128xf32, #tpu.memory_space<hbm>>
      tpu.enqueue_indirect_dma source(%dma_start3A_66 : memref<20000x128xf32, #tpu.memory_space<hbm>>) target(%arg8 : memref<128x128xf32, #tpu.memory_space<vmem>>) offsets(%arg7 : memref<128xi32, #tpu.memory_space<vmem>>) semaphore(%arg15 : memref<!tpu.dma_semaphore, #tpu.memory_space<semaphore_mem>>)
      %dma_wait3A_67 = arith.constant 0 : i32
      %dma_wait3A_68 = arith.constant 0 : i32
      %dma_wait3A_69 = tpu.memref_slice %arg2[%dma_wait3A_67, %dma_wait3A_68] : memref<20000x128xf32, #tpu.memory_space<hbm>> -> memref<20000x128xf32, #tpu.memory_space<hbm>>
      tpu.wait_indirect_dma semaphore(%arg15 : memref<!tpu.dma_semaphore, #tpu.memory_space<semaphore_mem>>) src(%dma_wait3A_69 : memref<20000x128xf32, #tpu.memory_space<hbm>>) dst(%arg8 : memref<128x128xf32, #tpu.memory_space<vmem>>)
      "tpu.region"() ({
        %run_scoped3A = tpu.sem_alloc : memref<!tpu.dma_semaphore, #tpu.memory_space<semaphore_mem>>
        %dma_start3A_70 = arith.constant 0 : i32
        %dma_start3A_71 = tpu.memref_slice %arg5[%mul3A_63, %dma_start3A_70] : memref<10112x128xf32, #tpu.memory_space<hbm>> -> memref<128x128xf32, #tpu.memory_space<hbm>>
        %dma_start3A_72 = arith.constant 0 : i32
        %dma_start3A_73 = tpu.memref_slice %arg5[%mul3A_63, %dma_start3A_72] : memref<10112x128xf32, #tpu.memory_space<hbm>> -> memref<128x128xf32, #tpu.memory_space<hbm>>
        tpu.enqueue_dma source(%arg8 : memref<128x128xf32, #tpu.memory_space<vmem>>) target(%dma_start3A_73 : memref<128x128xf32, #tpu.memory_space<hbm>>) target_semaphore(%run_scoped3A : memref<!tpu.dma_semaphore, #tpu.memory_space<semaphore_mem>>)
        %dma_wait3A_74 = arith.constant 0 : i32
        %dma_wait3A_75 = tpu.memref_slice %arg5[%mul3A_63, %dma_wait3A_74] : memref<10112x128xf32, #tpu.memory_space<hbm>> -> memref<128x128xf32, #tpu.memory_space<hbm>>
        %dma_wait3A_76 = arith.constant 0 : i32
        %dma_wait3A_77 = tpu.memref_slice %arg5[%mul3A_63, %dma_wait3A_76] : memref<10112x128xf32, #tpu.memory_space<hbm>> -> memref<128x128xf32, #tpu.memory_space<hbm>>
        tpu.wait_dma2 semaphore(%run_scoped3A : memref<!tpu.dma_semaphore, #tpu.memory_space<semaphore_mem>>) src(%arg8 : memref<128x128xf32, #tpu.memory_space<vmem>>) dst(%dma_wait3A_77 : memref<128x128xf32, #tpu.memory_space<hbm>>)
        tpu.yield
      }) : () -> ()
    } else {
    }
    %add3A_19 = arith.constant 64 : i32
    %add3A_20 = arith.addi %add3A, %add3A_19 : i32
    %lt3A_21 = arith.constant 79 : i32
    %lt3A_22 = arith.cmpi slt, %add3A_20, %lt3A_21 : i32
    %convert_element_type3A_23 = arith.extui %lt3A_22 : i1 to i32
    %cond3A_24 = arith.constant 0 : i32
    %cond3A_25 = arith.cmpi ne, %convert_element_type3A_23, %cond3A_24 : i32
    scf.if %cond3A_25 {
      %mul3A_62 = arith.constant 128 : i32
      %mul3A_63 = arith.muli %add3A_20, %mul3A_62 : i32
      "tpu.region"() ({
        %run_scoped3A = tpu.sem_alloc : memref<!tpu.dma_semaphore, #tpu.memory_space<semaphore_mem>>
        %dma_start3A_70 = tpu.memref_slice %arg3[%mul3A_63] : memref<10112xi32, #tpu.memory_space<hbm>> -> memref<128xi32, #tpu.memory_space<hbm>>
        %dma_start3A_71 = tpu.memref_slice %arg3[%mul3A_63] : memref<10112xi32, #tpu.memory_space<hbm>> -> memref<128xi32, #tpu.memory_space<hbm>>
        tpu.enqueue_dma source(%dma_start3A_71 : memref<128xi32, #tpu.memory_space<hbm>>) target(%arg7 : memref<128xi32, #tpu.memory_space<vmem>>) target_semaphore(%run_scoped3A : memref<!tpu.dma_semaphore, #tpu.memory_space<semaphore_mem>>)
        %dma_wait3A_72 = tpu.memref_slice %arg3[%mul3A_63] : memref<10112xi32, #tpu.memory_space<hbm>> -> memref<128xi32, #tpu.memory_space<hbm>>
        %dma_wait3A_73 = tpu.memref_slice %arg3[%mul3A_63] : memref<10112xi32, #tpu.memory_space<hbm>> -> memref<128xi32, #tpu.memory_space<hbm>>
        tpu.wait_dma2 semaphore(%run_scoped3A : memref<!tpu.dma_semaphore, #tpu.memory_space<semaphore_mem>>) src(%dma_wait3A_73 : memref<128xi32, #tpu.memory_space<hbm>>) dst(%arg7 : memref<128xi32, #tpu.memory_space<vmem>>)
        tpu.yield
      }) : () -> ()
      %dma_start3A_64 = arith.constant 0 : i32
      %dma_start3A_65 = arith.constant 0 : i32
      %dma_start3A_66 = tpu.memref_slice %arg2[%dma_start3A_64, %dma_start3A_65] : memref<20000x128xf32, #tpu.memory_space<hbm>> -> memref<20000x128xf32, #tpu.memory_space<hbm>>
      tpu.enqueue_indirect_dma source(%dma_start3A_66 : memref<20000x128xf32, #tpu.memory_space<hbm>>) target(%arg8 : memref<128x128xf32, #tpu.memory_space<vmem>>) offsets(%arg7 : memref<128xi32, #tpu.memory_space<vmem>>) semaphore(%arg15 : memref<!tpu.dma_semaphore, #tpu.memory_space<semaphore_mem>>)
      %dma_wait3A_67 = arith.constant 0 : i32
      %dma_wait3A_68 = arith.constant 0 : i32
      %dma_wait3A_69 = tpu.memref_slice %arg2[%dma_wait3A_67, %dma_wait3A_68] : memref<20000x128xf32, #tpu.memory_space<hbm>> -> memref<20000x128xf32, #tpu.memory_space<hbm>>
      tpu.wait_indirect_dma semaphore(%arg15 : memref<!tpu.dma_semaphore, #tpu.memory_space<semaphore_mem>>) src(%dma_wait3A_69 : memref<20000x128xf32, #tpu.memory_space<hbm>>) dst(%arg8 : memref<128x128xf32, #tpu.memory_space<vmem>>)
      "tpu.region"() ({
        %run_scoped3A = tpu.sem_alloc : memref<!tpu.dma_semaphore, #tpu.memory_space<semaphore_mem>>
        %dma_start3A_70 = arith.constant 0 : i32
        %dma_start3A_71 = tpu.memref_slice %arg5[%mul3A_63, %dma_start3A_70] : memref<10112x128xf32, #tpu.memory_space<hbm>> -> memref<128x128xf32, #tpu.memory_space<hbm>>
        %dma_start3A_72 = arith.constant 0 : i32
        %dma_start3A_73 = tpu.memref_slice %arg5[%mul3A_63, %dma_start3A_72] : memref<10112x128xf32, #tpu.memory_space<hbm>> -> memref<128x128xf32, #tpu.memory_space<hbm>>
        tpu.enqueue_dma source(%arg8 : memref<128x128xf32, #tpu.memory_space<vmem>>) target(%dma_start3A_73 : memref<128x128xf32, #tpu.memory_space<hbm>>) target_semaphore(%run_scoped3A : memref<!tpu.dma_semaphore, #tpu.memory_space<semaphore_mem>>)
        %dma_wait3A_74 = arith.constant 0 : i32
        %dma_wait3A_75 = tpu.memref_slice %arg5[%mul3A_63, %dma_wait3A_74] : memref<10112x128xf32, #tpu.memory_space<hbm>> -> memref<128x128xf32, #tpu.memory_space<hbm>>
        %dma_wait3A_76 = arith.constant 0 : i32
        %dma_wait3A_77 = tpu.memref_slice %arg5[%mul3A_63, %dma_wait3A_76] : memref<10112x128xf32, #tpu.memory_space<hbm>> -> memref<128x128xf32, #tpu.memory_space<hbm>>
        tpu.wait_dma2 semaphore(%run_scoped3A : memref<!tpu.dma_semaphore, #tpu.memory_space<semaphore_mem>>) src(%arg8 : memref<128x128xf32, #tpu.memory_space<vmem>>) dst(%dma_wait3A_77 : memref<128x128xf32, #tpu.memory_space<hbm>>)
        tpu.yield
      }) : () -> ()
    } else {
    }
    %mul3A_26 = arith.constant 10368 : i32
    %mul3A_27 = arith.muli %add3A, %mul3A_26 : i32
    %add3A_28 = arith.constant 10368 : i32
    %add3A_29 = arith.addi %mul3A_27, %add3A_28 : i32
    %sub3A = arith.constant 128 : i32
    %sub3A_30 = arith.subi %add3A_29, %sub3A : i32
    %min3A = arith.minsi %mul3A_27, %sub3A_30 : i32
    %dma_start3A = tpu.memref_slice %arg4[%min3A] : memref<331776xi32, #tpu.memory_space<hbm>> -> memref<128xi32, #tpu.memory_space<hbm>>
    %dma_start3A_31 = tpu.memref_slice %arg4[%min3A] : memref<331776xi32, #tpu.memory_space<hbm>> -> memref<128xi32, #tpu.memory_space<hbm>>
    tpu.enqueue_dma source(%dma_start3A_31 : memref<128xi32, #tpu.memory_space<hbm>>) target(%arg9 : memref<128xi32, #tpu.memory_space<vmem>>) target_semaphore(%arg16 : memref<!tpu.dma_semaphore, #tpu.memory_space<semaphore_mem>>)
    %add3A_32 = arith.constant 128 : i32
    %add3A_33 = arith.addi %mul3A_27, %add3A_32 : i32
    %min3A_34 = arith.minsi %add3A_33, %sub3A_30 : i32
    %dma_start3A_35 = tpu.memref_slice %arg4[%min3A_34] : memref<331776xi32, #tpu.memory_space<hbm>> -> memref<128xi32, #tpu.memory_space<hbm>>
    %dma_start3A_36 = tpu.memref_slice %arg4[%min3A_34] : memref<331776xi32, #tpu.memory_space<hbm>> -> memref<128xi32, #tpu.memory_space<hbm>>
    tpu.enqueue_dma source(%dma_start3A_36 : memref<128xi32, #tpu.memory_space<hbm>>) target(%arg10 : memref<128xi32, #tpu.memory_space<vmem>>) target_semaphore(%arg17 : memref<!tpu.dma_semaphore, #tpu.memory_space<semaphore_mem>>)
    %scan3A_37 = arith.constant 0 : i32
    %scan3A_38 = arith.constant 27 : i32
    %scan3A_39 = arith.addi %scan3A_37, %scan3A_38 : i32
    %scan3A_40 = arith.constant 1 : i32
    scf.for %scan3A_62 = %scan3A_37 to %scan3A_39 step %scan3A_40  : i32 {
      %mul3A_63 = arith.constant 1 : i32
      %mul3A_64 = arith.muli %scan3A_62, %mul3A_63 : i32
      %add3A_65 = arith.constant 0 : i32
      %add3A_66 = arith.addi %add3A_65, %mul3A_64 : i32
      %mul3A_67 = arith.constant 3 : i32
      %mul3A_68 = arith.muli %mul3A_67, %add3A_66 : i32
      %mul3A_69 = arith.constant 128 : i32
      %mul3A_70 = arith.muli %mul3A_68, %mul3A_69 : i32
      %add3A_71 = arith.addi %mul3A_27, %mul3A_70 : i32
      %dma_wait3A_72 = tpu.memref_slice %arg4[%mul3A_27] : memref<331776xi32, #tpu.memory_space<hbm>> -> memref<128xi32, #tpu.memory_space<hbm>>
      %dma_wait3A_73 = tpu.memref_slice %arg4[%mul3A_27] : memref<331776xi32, #tpu.memory_space<hbm>> -> memref<128xi32, #tpu.memory_space<hbm>>
      tpu.wait_dma2 semaphore(%arg16 : memref<!tpu.dma_semaphore, #tpu.memory_space<semaphore_mem>>) src(%dma_wait3A_73 : memref<128xi32, #tpu.memory_space<hbm>>) dst(%arg9 : memref<128xi32, #tpu.memory_space<vmem>>)
      %get3A = arith.constant 0 : index
      %get3A_74 = tpu.vector_load %arg9[%get3A] {strides = array<i32>} : memref<128xi32, #tpu.memory_space<vmem>>, vector<16xi32>,
      tpu.vector_store_idx %arg11[%get3A_74], %broadcast_in_dim3A_3 {add = true} : memref<10112xf32, #tpu.memory_space<vmem>>[vector<16xi32>], vector<16xf32>,
      %get3A_75 = arith.constant 16 : index
      %get3A_76 = tpu.vector_load %arg9[%get3A_75] {strides = array<i32>} : memref<128xi32, #tpu.memory_space<vmem>>, vector<16xi32>,
      tpu.vector_store_idx %arg11[%get3A_76], %broadcast_in_dim3A_3 {add = true} : memref<10112xf32, #tpu.memory_space<vmem>>[vector<16xi32>], vector<16xf32>,
      %get3A_77 = arith.constant 32 : index
      %get3A_78 = tpu.vector_load %arg9[%get3A_77] {strides = array<i32>} : memref<128xi32, #tpu.memory_space<vmem>>, vector<16xi32>,
      tpu.vector_store_idx %arg11[%get3A_78], %broadcast_in_dim3A_3 {add = true} : memref<10112xf32, #tpu.memory_space<vmem>>[vector<16xi32>], vector<16xf32>,
      %get3A_79 = arith.constant 48 : index
      %get3A_80 = tpu.vector_load %arg9[%get3A_79] {strides = array<i32>} : memref<128xi32, #tpu.memory_space<vmem>>, vector<16xi32>,
      tpu.vector_store_idx %arg11[%get3A_80], %broadcast_in_dim3A_3 {add = true} : memref<10112xf32, #tpu.memory_space<vmem>>[vector<16xi32>], vector<16xf32>,
      %get3A_81 = arith.constant 64 : index
      %get3A_82 = tpu.vector_load %arg9[%get3A_81] {strides = array<i32>} : memref<128xi32, #tpu.memory_space<vmem>>, vector<16xi32>,
      tpu.vector_store_idx %arg11[%get3A_82], %broadcast_in_dim3A_3 {add = true} : memref<10112xf32, #tpu.memory_space<vmem>>[vector<16xi32>], vector<16xf32>,
      %get3A_83 = arith.constant 80 : index
      %get3A_84 = tpu.vector_load %arg9[%get3A_83] {strides = array<i32>} : memref<128xi32, #tpu.memory_space<vmem>>, vector<16xi32>,
      tpu.vector_store_idx %arg11[%get3A_84], %broadcast_in_dim3A_3 {add = true} : memref<10112xf32, #tpu.memory_space<vmem>>[vector<16xi32>], vector<16xf32>,
      %get3A_85 = arith.constant 96 : index
      %get3A_86 = tpu.vector_load %arg9[%get3A_85] {strides = array<i32>} : memref<128xi32, #tpu.memory_space<vmem>>, vector<16xi32>,
      tpu.vector_store_idx %arg11[%get3A_86], %broadcast_in_dim3A_3 {add = true} : memref<10112xf32, #tpu.memory_space<vmem>>[vector<16xi32>], vector<16xf32>,
      %get3A_87 = arith.constant 112 : index
      %get3A_88 = tpu.vector_load %arg9[%get3A_87] {strides = array<i32>} : memref<128xi32, #tpu.memory_space<vmem>>, vector<16xi32>,
      tpu.vector_store_idx %arg11[%get3A_88], %broadcast_in_dim3A_3 {add = true} : memref<10112xf32, #tpu.memory_space<vmem>>[vector<16xi32>], vector<16xf32>,
      %add3A_89 = arith.constant 256 : i32
      %add3A_90 = arith.addi %add3A_71, %add3A_89 : i32
      %min3A_91 = arith.minsi %add3A_90, %sub3A_30 : i32
      %dma_start3A_92 = tpu.memref_slice %arg4[%min3A_91] : memref<331776xi32, #tpu.memory_space<hbm>> -> memref<128xi32, #tpu.memory_space<hbm>>
      %dma_start3A_93 = tpu.memref_slice %arg4[%min3A_91] : memref<331776xi32, #tpu.memory_space<hbm>> -> memref<128xi32, #tpu.memory_space<hbm>>
      tpu.enqueue_dma source(%dma_start3A_93 : memref<128xi32, #tpu.memory_space<hbm>>) target(%arg9 : memref<128xi32, #tpu.memory_space<vmem>>) target_semaphore(%arg16 : memref<!tpu.dma_semaphore, #tpu.memory_space<semaphore_mem>>)
      %add3A_94 = arith.constant 128 : i32
      %add3A_95 = arith.addi %add3A_71, %add3A_94 : i32
      %dma_wait3A_96 = tpu.memref_slice %arg4[%mul3A_27] : memref<331776xi32, #tpu.memory_space<hbm>> -> memref<128xi32, #tpu.memory_space<hbm>>
      %dma_wait3A_97 = tpu.memref_slice %arg4[%mul3A_27] : memref<331776xi32, #tpu.memory_space<hbm>> -> memref<128xi32, #tpu.memory_space<hbm>>
      tpu.wait_dma2 semaphore(%arg17 : memref<!tpu.dma_semaphore, #tpu.memory_space<semaphore_mem>>) src(%dma_wait3A_97 : memref<128xi32, #tpu.memory_space<hbm>>) dst(%arg10 : memref<128xi32, #tpu.memory_space<vmem>>)
      %get3A_98 = arith.constant 0 : index
      %get3A_99 = tpu.vector_load %arg10[%get3A_98] {strides = array<i32>} : memref<128xi32, #tpu.memory_space<vmem>>, vector<16xi32>,
      tpu.vector_store_idx %arg11[%get3A_99], %broadcast_in_dim3A_3 {add = true} : memref<10112xf32, #tpu.memory_space<vmem>>[vector<16xi32>], vector<16xf32>,
      %get3A_100 = arith.constant 16 : index
      %get3A_101 = tpu.vector_load %arg10[%get3A_100] {strides = array<i32>} : memref<128xi32, #tpu.memory_space<vmem>>, vector<16xi32>,
      tpu.vector_store_idx %arg11[%get3A_101], %broadcast_in_dim3A_3 {add = true} : memref<10112xf32, #tpu.memory_space<vmem>>[vector<16xi32>], vector<16xf32>,
      %get3A_102 = arith.constant 32 : index
      %get3A_103 = tpu.vector_load %arg10[%get3A_102] {strides = array<i32>} : memref<128xi32, #tpu.memory_space<vmem>>, vector<16xi32>,
      tpu.vector_store_idx %arg11[%get3A_103], %broadcast_in_dim3A_3 {add = true} : memref<10112xf32, #tpu.memory_space<vmem>>[vector<16xi32>], vector<16xf32>,
      %get3A_104 = arith.constant 48 : index
      %get3A_105 = tpu.vector_load %arg10[%get3A_104] {strides = array<i32>} : memref<128xi32, #tpu.memory_space<vmem>>, vector<16xi32>,
      tpu.vector_store_idx %arg11[%get3A_105], %broadcast_in_dim3A_3 {add = true} : memref<10112xf32, #tpu.memory_space<vmem>>[vector<16xi32>], vector<16xf32>,
      %get3A_106 = arith.constant 64 : index
      %get3A_107 = tpu.vector_load %arg10[%get3A_106] {strides = array<i32>} : memref<128xi32, #tpu.memory_space<vmem>>, vector<16xi32>,
      tpu.vector_store_idx %arg11[%get3A_107], %broadcast_in_dim3A_3 {add = true} : memref<10112xf32, #tpu.memory_space<vmem>>[vector<16xi32>], vector<16xf32>,
      %get3A_108 = arith.constant 80 : index
      %get3A_109 = tpu.vector_load %arg10[%get3A_108] {strides = array<i32>} : memref<128xi32, #tpu.memory_space<vmem>>, vector<16xi32>,
      tpu.vector_store_idx %arg11[%get3A_109], %broadcast_in_dim3A_3 {add = true} : memref<10112xf32, #tpu.memory_space<vmem>>[vector<16xi32>], vector<16xf32>,
      %get3A_110 = arith.constant 96 : index
      %get3A_111 = tpu.vector_load %arg10[%get3A_110] {strides = array<i32>} : memref<128xi32, #tpu.memory_space<vmem>>, vector<16xi32>,
      tpu.vector_store_idx %arg11[%get3A_111], %broadcast_in_dim3A_3 {add = true} : memref<10112xf32, #tpu.memory_space<vmem>>[vector<16xi32>], vector<16xf32>,
      %get3A_112 = arith.constant 112 : index
      %get3A_113 = tpu.vector_load %arg10[%get3A_112] {strides = array<i32>} : memref<128xi32, #tpu.memory_space<vmem>>, vector<16xi32>,
      tpu.vector_store_idx %arg11[%get3A_113], %broadcast_in_dim3A_3 {add = true} : memref<10112xf32, #tpu.memory_space<vmem>>[vector<16xi32>], vector<16xf32>,
      %add3A_114 = arith.constant 256 : i32
      %add3A_115 = arith.addi %add3A_95, %add3A_114 : i32
      %min3A_116 = arith.minsi %add3A_115, %sub3A_30 : i32
      %dma_start3A_117 = tpu.memref_slice %arg4[%min3A_116] : memref<331776xi32, #tpu.memory_space<hbm>> -> memref<128xi32, #tpu.memory_space<hbm>>
      %dma_start3A_118 = tpu.memref_slice %arg4[%min3A_116] : memref<331776xi32, #tpu.memory_space<hbm>> -> memref<128xi32, #tpu.memory_space<hbm>>
      tpu.enqueue_dma source(%dma_start3A_118 : memref<128xi32, #tpu.memory_space<hbm>>) target(%arg10 : memref<128xi32, #tpu.memory_space<vmem>>) target_semaphore(%arg17 : memref<!tpu.dma_semaphore, #tpu.memory_space<semaphore_mem>>)
      %add3A_119 = arith.constant 256 : i32
      %add3A_120 = arith.addi %add3A_71, %add3A_119 : i32
      %dma_wait3A_121 = tpu.memref_slice %arg4[%mul3A_27] : memref<331776xi32, #tpu.memory_space<hbm>> -> memref<128xi32, #tpu.memory_space<hbm>>
      %dma_wait3A_122 = tpu.memref_slice %arg4[%mul3A_27] : memref<331776xi32, #tpu.memory_space<hbm>> -> memref<128xi32, #tpu.memory_space<hbm>>
      tpu.wait_dma2 semaphore(%arg16 : memref<!tpu.dma_semaphore, #tpu.memory_space<semaphore_mem>>) src(%dma_wait3A_122 : memref<128xi32, #tpu.memory_space<hbm>>) dst(%arg9 : memref<128xi32, #tpu.memory_space<vmem>>)
      %get3A_123 = arith.constant 0 : index
      %get3A_124 = tpu.vector_load %arg9[%get3A_123] {strides = array<i32>} : memref<128xi32, #tpu.memory_space<vmem>>, vector<16xi32>,
      tpu.vector_store_idx %arg11[%get3A_124], %broadcast_in_dim3A_3 {add = true} : memref<10112xf32, #tpu.memory_space<vmem>>[vector<16xi32>], vector<16xf32>,
      %get3A_125 = arith.constant 16 : index
      %get3A_126 = tpu.vector_load %arg9[%get3A_125] {strides = array<i32>} : memref<128xi32, #tpu.memory_space<vmem>>, vector<16xi32>,
      tpu.vector_store_idx %arg11[%get3A_126], %broadcast_in_dim3A_3 {add = true} : memref<10112xf32, #tpu.memory_space<vmem>>[vector<16xi32>], vector<16xf32>,
      %get3A_127 = arith.constant 32 : index
      %get3A_128 = tpu.vector_load %arg9[%get3A_127] {strides = array<i32>} : memref<128xi32, #tpu.memory_space<vmem>>, vector<16xi32>,
      tpu.vector_store_idx %arg11[%get3A_128], %broadcast_in_dim3A_3 {add = true} : memref<10112xf32, #tpu.memory_space<vmem>>[vector<16xi32>], vector<16xf32>,
      %get3A_129 = arith.constant 48 : index
      %get3A_130 = tpu.vector_load %arg9[%get3A_129] {strides = array<i32>} : memref<128xi32, #tpu.memory_space<vmem>>, vector<16xi32>,
      tpu.vector_store_idx %arg11[%get3A_130], %broadcast_in_dim3A_3 {add = true} : memref<10112xf32, #tpu.memory_space<vmem>>[vector<16xi32>], vector<16xf32>,
      %get3A_131 = arith.constant 64 : index
      %get3A_132 = tpu.vector_load %arg9[%get3A_131] {strides = array<i32>} : memref<128xi32, #tpu.memory_space<vmem>>, vector<16xi32>,
      tpu.vector_store_idx %arg11[%get3A_132], %broadcast_in_dim3A_3 {add = true} : memref<10112xf32, #tpu.memory_space<vmem>>[vector<16xi32>], vector<16xf32>,
      %get3A_133 = arith.constant 80 : index
      %get3A_134 = tpu.vector_load %arg9[%get3A_133] {strides = array<i32>} : memref<128xi32, #tpu.memory_space<vmem>>, vector<16xi32>,
      tpu.vector_store_idx %arg11[%get3A_134], %broadcast_in_dim3A_3 {add = true} : memref<10112xf32, #tpu.memory_space<vmem>>[vector<16xi32>], vector<16xf32>,
      %get3A_135 = arith.constant 96 : index
      %get3A_136 = tpu.vector_load %arg9[%get3A_135] {strides = array<i32>} : memref<128xi32, #tpu.memory_space<vmem>>, vector<16xi32>,
      tpu.vector_store_idx %arg11[%get3A_136], %broadcast_in_dim3A_3 {add = true} : memref<10112xf32, #tpu.memory_space<vmem>>[vector<16xi32>], vector<16xf32>,
      %get3A_137 = arith.constant 112 : index
      %get3A_138 = tpu.vector_load %arg9[%get3A_137] {strides = array<i32>} : memref<128xi32, #tpu.memory_space<vmem>>, vector<16xi32>,
      tpu.vector_store_idx %arg11[%get3A_138], %broadcast_in_dim3A_3 {add = true} : memref<10112xf32, #tpu.memory_space<vmem>>[vector<16xi32>], vector<16xf32>,
      %add3A_139 = arith.constant 256 : i32
      %add3A_140 = arith.addi %add3A_120, %add3A_139 : i32
      %min3A_141 = arith.minsi %add3A_140, %sub3A_30 : i32
      %dma_start3A_142 = tpu.memref_slice %arg4[%min3A_141] : memref<331776xi32, #tpu.memory_space<hbm>> -> memref<128xi32, #tpu.memory_space<hbm>>
      %dma_start3A_143 = tpu.memref_slice %arg4[%min3A_141] : memref<331776xi32, #tpu.memory_space<hbm>> -> memref<128xi32, #tpu.memory_space<hbm>>
      tpu.enqueue_dma source(%dma_start3A_143 : memref<128xi32, #tpu.memory_space<hbm>>) target(%arg9 : memref<128xi32, #tpu.memory_space<vmem>>) target_semaphore(%arg16 : memref<!tpu.dma_semaphore, #tpu.memory_space<semaphore_mem>>)
    }
    %scan3A_41 = arith.constant 27 : i32
    %dma_wait3A = tpu.memref_slice %arg4[%mul3A_27] : memref<331776xi32, #tpu.memory_space<hbm>> -> memref<128xi32, #tpu.memory_space<hbm>>
    %dma_wait3A_42 = tpu.memref_slice %arg4[%mul3A_27] : memref<331776xi32, #tpu.memory_space<hbm>> -> memref<128xi32, #tpu.memory_space<hbm>>
    tpu.wait_dma2 semaphore(%arg16 : memref<!tpu.dma_semaphore, #tpu.memory_space<semaphore_mem>>) src(%dma_wait3A_42 : memref<128xi32, #tpu.memory_space<hbm>>) dst(%arg9 : memref<128xi32, #tpu.memory_space<vmem>>)
    %dma_wait3A_43 = tpu.memref_slice %arg4[%mul3A_27] : memref<331776xi32, #tpu.memory_space<hbm>> -> memref<128xi32, #tpu.memory_space<hbm>>
    %dma_wait3A_44 = tpu.memref_slice %arg4[%mul3A_27] : memref<331776xi32, #tpu.memory_space<hbm>> -> memref<128xi32, #tpu.memory_space<hbm>>
    tpu.wait_dma2 semaphore(%arg17 : memref<!tpu.dma_semaphore, #tpu.memory_space<semaphore_mem>>) src(%dma_wait3A_44 : memref<128xi32, #tpu.memory_space<hbm>>) dst(%arg10 : memref<128xi32, #tpu.memory_space<vmem>>)
    %mul3A_45 = arith.constant 10112 : i32
    %mul3A_46 = arith.muli %arg1, %mul3A_45 : i32
    "tpu.region"() ({
      %run_scoped3A = tpu.sem_alloc : memref<!tpu.dma_semaphore, #tpu.memory_space<semaphore_mem>>
      %dma_start3A_62 = tpu.memref_slice %arg14[%mul3A_46] : memref<161792xf32, #tpu.memory_space<vmem_shared>> -> memref<10112xf32, #tpu.memory_space<vmem_shared>>
      %dma_start3A_63 = tpu.memref_slice %arg14[%mul3A_46] : memref<161792xf32, #tpu.memory_space<vmem_shared>> -> memref<10112xf32, #tpu.memory_space<vmem_shared>>
      tpu.enqueue_dma source(%arg11 : memref<10112xf32, #tpu.memory_space<vmem>>) target(%dma_start3A_63 : memref<10112xf32, #tpu.memory_space<vmem_shared>>) target_semaphore(%run_scoped3A : memref<!tpu.dma_semaphore, #tpu.memory_space<semaphore_mem>>)
      %dma_wait3A_64 = tpu.memref_slice %arg14[%mul3A_46] : memref<161792xf32, #tpu.memory_space<vmem_shared>> -> memref<10112xf32, #tpu.memory_space<vmem_shared>>
      %dma_wait3A_65 = tpu.memref_slice %arg14[%mul3A_46] : memref<161792xf32, #tpu.memory_space<vmem_shared>> -> memref<10112xf32, #tpu.memory_space<vmem_shared>>
      tpu.wait_dma2 semaphore(%run_scoped3A : memref<!tpu.dma_semaphore, #tpu.memory_space<semaphore_mem>>) src(%arg11 : memref<10112xf32, #tpu.memory_space<vmem>>) dst(%dma_wait3A_65 : memref<10112xf32, #tpu.memory_space<vmem_shared>>)
      tpu.yield
    }) : () -> ()
    %barrier3A = arith.constant 0 : index
    tpu.barrier barrier_id(%barrier3A)
    %mul3A_47 = arith.constant 632 : i32
    %mul3A_48 = arith.muli %arg1, %mul3A_47 : i32
    %scan3A_49 = arith.constant 0 : i32
    %scan3A_50 = arith.constant 39 : i32
    %scan3A_51 = arith.addi %scan3A_49, %scan3A_50 : i32
    %scan3A_52 = arith.constant 1 : i32
    scf.for %scan3A_62 = %scan3A_49 to %scan3A_51 step %scan3A_52  : i32 {
      %mul3A_63 = arith.constant 1 : i32
      %mul3A_64 = arith.muli %scan3A_62, %mul3A_63 : i32
      %add3A_65 = arith.constant 0 : i32
      %add3A_66 = arith.addi %add3A_65, %mul3A_64 : i32
      %mul3A_67 = arith.constant 16 : i32
      %mul3A_68 = arith.muli %add3A_66, %mul3A_67 : i32
      %swap3A = arith.index_cast %mul3A_68 : i32 to index
      %swap3A_69 = tpu.vector_load %arg13[%swap3A] {strides = array<i32>} : memref<632xf32, #tpu.memory_space<vmem>>, vector<16xf32>,
      tpu.vector_store %arg13[%swap3A], %broadcast_in_dim3A_1 {strides = array<i32>} : memref<632xf32, #tpu.memory_space<vmem>>, vector<16xf32>,
    }
    %scan3A_53 = arith.constant 39 : i32
    %scan3A_54 = arith.constant 0 : i32
    %scan3A_55 = arith.constant 16 : i32
    %scan3A_56 = arith.addi %scan3A_54, %scan3A_55 : i32
    %scan3A_57 = arith.constant 1 : i32
    scf.for %scan3A_62 = %scan3A_54 to %scan3A_56 step %scan3A_57  : i32 {
      %mul3A_63 = arith.constant 1 : i32
      %mul3A_64 = arith.muli %scan3A_62, %mul3A_63 : i32
      %add3A_65 = arith.constant 0 : i32
      %add3A_66 = arith.addi %add3A_65, %mul3A_64 : i32
      %mul3A_67 = arith.constant 10112 : i32
      %mul3A_68 = arith.muli %add3A_66, %mul3A_67 : i32
      %add3A_69 = arith.addi %mul3A_68, %mul3A_48 : i32
      "tpu.region"() ({
        %run_scoped3A = tpu.sem_alloc : memref<!tpu.dma_semaphore, #tpu.memory_space<semaphore_mem>>
        %dma_start3A_341 = tpu.memref_slice %arg14[%add3A_69] : memref<161792xf32, #tpu.memory_space<vmem_shared>> -> memref<632xf32, #tpu.memory_space<vmem_shared>>
        %dma_start3A_342 = tpu.memref_slice %arg14[%add3A_69] : memref<161792xf32, #tpu.memory_space<vmem_shared>> -> memref<632xf32, #tpu.memory_space<vmem_shared>>
        tpu.enqueue_dma source(%dma_start3A_342 : memref<632xf32, #tpu.memory_space<vmem_shared>>) target(%arg12 : memref<632xf32, #tpu.memory_space<vmem>>) target_semaphore(%run_scoped3A : memref<!tpu.dma_semaphore, #tpu.memory_space<semaphore_mem>>)
        %dma_wait3A_343 = tpu.memref_slice %arg14[%add3A_69] : memref<161792xf32, #tpu.memory_space<vmem_shared>> -> memref<632xf32, #tpu.memory_space<vmem_shared>>
        %dma_wait3A_344 = tpu.memref_slice %arg14[%add3A_69] : memref<161792xf32, #tpu.memory_space<vmem_shared>> -> memref<632xf32, #tpu.memory_space<vmem_shared>>
        tpu.wait_dma2 semaphore(%run_scoped3A : memref<!tpu.dma_semaphore, #tpu.memory_space<semaphore_mem>>) src(%dma_wait3A_344 : memref<632xf32, #tpu.memory_space<vmem_shared>>) dst(%arg12 : memref<632xf32, #tpu.memory_space<vmem>>)
        tpu.yield
      }) : () -> ()
      %get3A = arith.constant 0 : index
      %get3A_70 = tpu.vector_load %arg13[%get3A] {strides = array<i32>} : memref<632xf32, #tpu.memory_space<vmem>>, vector<16xf32>,
      %get3A_71 = arith.constant 0 : index
      %get3A_72 = tpu.vector_load %arg12[%get3A_71] {strides = array<i32>} : memref<632xf32, #tpu.memory_space<vmem>>, vector<16xf32>,
      %add3A_73 = arith.addf %get3A_70, %get3A_72 : vector<16xf32>
      %swap3A = arith.constant 0 : index
      %swap3A_74 = tpu.vector_load %arg13[%swap3A] {strides = array<i32>} : memref<632xf32, #tpu.memory_space<vmem>>, vector<16xf32>,
      tpu.vector_store %arg13[%swap3A], %add3A_73 {strides = array<i32>} : memref<632xf32, #tpu.memory_space<vmem>>, vector<16xf32>,
      %get3A_75 = arith.constant 16 : index
      %get3A_76 = tpu.vector_load %arg13[%get3A_75] {strides = array<i32>} : memref<632xf32, #tpu.memory_space<vmem>>, vector<16xf32>,
      %get3A_77 = arith.constant 16 : index
      %get3A_78 = tpu.vector_load %arg12[%get3A_77] {strides = array<i32>} : memref<632xf32, #tpu.memory_space<vmem>>, vector<16xf32>,
      %add3A_79 = arith.addf %get3A_76, %get3A_78 : vector<16xf32>
      %swap3A_80 = arith.constant 16 : index
      %swap3A_81 = tpu.vector_load %arg13[%swap3A_80] {strides = array<i32>} : memref<632xf32, #tpu.memory_space<vmem>>, vector<16xf32>,
      tpu.vector_store %arg13[%swap3A_80], %add3A_79 {strides = array<i32>} : memref<632xf32, #tpu.memory_space<vmem>>, vector<16xf32>,
      %get3A_82 = arith.constant 32 : index
      %get3A_83 = tpu.vector_load %arg13[%get3A_82] {strides = array<i32>} : memref<632xf32, #tpu.memory_space<vmem>>, vector<16xf32>,
      %get3A_84 = arith.constant 32 : index
      %get3A_85 = tpu.vector_load %arg12[%get3A_84] {strides = array<i32>} : memref<632xf32, #tpu.memory_space<vmem>>, vector<16xf32>,
      %add3A_86 = arith.addf %get3A_83, %get3A_85 : vector<16xf32>
      %swap3A_87 = arith.constant 32 : index
      %swap3A_88 = tpu.vector_load %arg13[%swap3A_87] {strides = array<i32>} : memref<632xf32, #tpu.memory_space<vmem>>, vector<16xf32>,
      tpu.vector_store %arg13[%swap3A_87], %add3A_86 {strides = array<i32>} : memref<632xf32, #tpu.memory_space<vmem>>, vector<16xf32>,
      %get3A_89 = arith.constant 48 : index
      %get3A_90 = tpu.vector_load %arg13[%get3A_89] {strides = array<i32>} : memref<632xf32, #tpu.memory_space<vmem>>, vector<16xf32>,
      %get3A_91 = arith.constant 48 : index
      %get3A_92 = tpu.vector_load %arg12[%get3A_91] {strides = array<i32>} : memref<632xf32, #tpu.memory_space<vmem>>, vector<16xf32>,
      %add3A_93 = arith.addf %get3A_90, %get3A_92 : vector<16xf32>
      %swap3A_94 = arith.constant 48 : index
      %swap3A_95 = tpu.vector_load %arg13[%swap3A_94] {strides = array<i32>} : memref<632xf32, #tpu.memory_space<vmem>>, vector<16xf32>,
      tpu.vector_store %arg13[%swap3A_94], %add3A_93 {strides = array<i32>} : memref<632xf32, #tpu.memory_space<vmem>>, vector<16xf32>,
      %get3A_96 = arith.constant 64 : index
      %get3A_97 = tpu.vector_load %arg13[%get3A_96] {strides = array<i32>} : memref<632xf32, #tpu.memory_space<vmem>>, vector<16xf32>,
      %get3A_98 = arith.constant 64 : index
      %get3A_99 = tpu.vector_load %arg12[%get3A_98] {strides = array<i32>} : memref<632xf32, #tpu.memory_space<vmem>>, vector<16xf32>,
      %add3A_100 = arith.addf %get3A_97, %get3A_99 : vector<16xf32>
      %swap3A_101 = arith.constant 64 : index
      %swap3A_102 = tpu.vector_load %arg13[%swap3A_101] {strides = array<i32>} : memref<632xf32, #tpu.memory_space<vmem>>, vector<16xf32>,
      tpu.vector_store %arg13[%swap3A_101], %add3A_100 {strides = array<i32>} : memref<632xf32, #tpu.memory_space<vmem>>, vector<16xf32>,
      %get3A_103 = arith.constant 80 : index
      %get3A_104 = tpu.vector_load %arg13[%get3A_103] {strides = array<i32>} : memref<632xf32, #tpu.memory_space<vmem>>, vector<16xf32>,
      %get3A_105 = arith.constant 80 : index
      %get3A_106 = tpu.vector_load %arg12[%get3A_105] {strides = array<i32>} : memref<632xf32, #tpu.memory_space<vmem>>, vector<16xf32>,
      %add3A_107 = arith.addf %get3A_104, %get3A_106 : vector<16xf32>
      %swap3A_108 = arith.constant 80 : index
      %swap3A_109 = tpu.vector_load %arg13[%swap3A_108] {strides = array<i32>} : memref<632xf32, #tpu.memory_space<vmem>>, vector<16xf32>,
      tpu.vector_store %arg13[%swap3A_108], %add3A_107 {strides = array<i32>} : memref<632xf32, #tpu.memory_space<vmem>>, vector<16xf32>,
      %get3A_110 = arith.constant 96 : index
      %get3A_111 = tpu.vector_load %arg13[%get3A_110] {strides = array<i32>} : memref<632xf32, #tpu.memory_space<vmem>>, vector<16xf32>,
      %get3A_112 = arith.constant 96 : index
      %get3A_113 = tpu.vector_load %arg12[%get3A_112] {strides = array<i32>} : memref<632xf32, #tpu.memory_space<vmem>>, vector<16xf32>,
      %add3A_114 = arith.addf %get3A_111, %get3A_113 : vector<16xf32>
      %swap3A_115 = arith.constant 96 : index
      %swap3A_116 = tpu.vector_load %arg13[%swap3A_115] {strides = array<i32>} : memref<632xf32, #tpu.memory_space<vmem>>, vector<16xf32>,
      tpu.vector_store %arg13[%swap3A_115], %add3A_114 {strides = array<i32>} : memref<632xf32, #tpu.memory_space<vmem>>, vector<16xf32>,
      %get3A_117 = arith.constant 112 : index
      %get3A_118 = tpu.vector_load %arg13[%get3A_117] {strides = array<i32>} : memref<632xf32, #tpu.memory_space<vmem>>, vector<16xf32>,
      %get3A_119 = arith.constant 112 : index
      %get3A_120 = tpu.vector_load %arg12[%get3A_119] {strides = array<i32>} : memref<632xf32, #tpu.memory_space<vmem>>, vector<16xf32>,
      %add3A_121 = arith.addf %get3A_118, %get3A_120 : vector<16xf32>
      %swap3A_122 = arith.constant 112 : index
      %swap3A_123 = tpu.vector_load %arg13[%swap3A_122] {strides = array<i32>} : memref<632xf32, #tpu.memory_space<vmem>>, vector<16xf32>,
      tpu.vector_store %arg13[%swap3A_122], %add3A_121 {strides = array<i32>} : memref<632xf32, #tpu.memory_space<vmem>>, vector<16xf32>,
      %get3A_124 = arith.constant 128 : index
      %get3A_125 = tpu.vector_load %arg13[%get3A_124] {strides = array<i32>} : memref<632xf32, #tpu.memory_space<vmem>>, vector<16xf32>,
      %get3A_126 = arith.constant 128 : index
      %get3A_127 = tpu.vector_load %arg12[%get3A_126] {strides = array<i32>} : memref<632xf32, #tpu.memory_space<vmem>>, vector<16xf32>,
      %add3A_128 = arith.addf %get3A_125, %get3A_127 : vector<16xf32>
      %swap3A_129 = arith.constant 128 : index
      %swap3A_130 = tpu.vector_load %arg13[%swap3A_129] {strides = array<i32>} : memref<632xf32, #tpu.memory_space<vmem>>, vector<16xf32>,
      tpu.vector_store %arg13[%swap3A_129], %add3A_128 {strides = array<i32>} : memref<632xf32, #tpu.memory_space<vmem>>, vector<16xf32>,
      %get3A_131 = arith.constant 144 : index
      %get3A_132 = tpu.vector_load %arg13[%get3A_131] {strides = array<i32>} : memref<632xf32, #tpu.memory_space<vmem>>, vector<16xf32>,
      %get3A_133 = arith.constant 144 : index
      %get3A_134 = tpu.vector_load %arg12[%get3A_133] {strides = array<i32>} : memref<632xf32, #tpu.memory_space<vmem>>, vector<16xf32>,
      %add3A_135 = arith.addf %get3A_132, %get3A_134 : vector<16xf32>
      %swap3A_136 = arith.constant 144 : index
      %swap3A_137 = tpu.vector_load %arg13[%swap3A_136] {strides = array<i32>} : memref<632xf32, #tpu.memory_space<vmem>>, vector<16xf32>,
      tpu.vector_store %arg13[%swap3A_136], %add3A_135 {strides = array<i32>} : memref<632xf32, #tpu.memory_space<vmem>>, vector<16xf32>,
      %get3A_138 = arith.constant 160 : index
      %get3A_139 = tpu.vector_load %arg13[%get3A_138] {strides = array<i32>} : memref<632xf32, #tpu.memory_space<vmem>>, vector<16xf32>,
      %get3A_140 = arith.constant 160 : index
      %get3A_141 = tpu.vector_load %arg12[%get3A_140] {strides = array<i32>} : memref<632xf32, #tpu.memory_space<vmem>>, vector<16xf32>,
      %add3A_142 = arith.addf %get3A_139, %get3A_141 : vector<16xf32>
      %swap3A_143 = arith.constant 160 : index
      %swap3A_144 = tpu.vector_load %arg13[%swap3A_143] {strides = array<i32>} : memref<632xf32, #tpu.memory_space<vmem>>, vector<16xf32>,
      tpu.vector_store %arg13[%swap3A_143], %add3A_142 {strides = array<i32>} : memref<632xf32, #tpu.memory_space<vmem>>, vector<16xf32>,
      %get3A_145 = arith.constant 176 : index
      %get3A_146 = tpu.vector_load %arg13[%get3A_145] {strides = array<i32>} : memref<632xf32, #tpu.memory_space<vmem>>, vector<16xf32>,
      %get3A_147 = arith.constant 176 : index
      %get3A_148 = tpu.vector_load %arg12[%get3A_147] {strides = array<i32>} : memref<632xf32, #tpu.memory_space<vmem>>, vector<16xf32>,
      %add3A_149 = arith.addf %get3A_146, %get3A_148 : vector<16xf32>
      %swap3A_150 = arith.constant 176 : index
      %swap3A_151 = tpu.vector_load %arg13[%swap3A_150] {strides = array<i32>} : memref<632xf32, #tpu.memory_space<vmem>>, vector<16xf32>,
      tpu.vector_store %arg13[%swap3A_150], %add3A_149 {strides = array<i32>} : memref<632xf32, #tpu.memory_space<vmem>>, vector<16xf32>,
      %get3A_152 = arith.constant 192 : index
      %get3A_153 = tpu.vector_load %arg13[%get3A_152] {strides = array<i32>} : memref<632xf32, #tpu.memory_space<vmem>>, vector<16xf32>,
      %get3A_154 = arith.constant 192 : index
      %get3A_155 = tpu.vector_load %arg12[%get3A_154] {strides = array<i32>} : memref<632xf32, #tpu.memory_space<vmem>>, vector<16xf32>,
      %add3A_156 = arith.addf %get3A_153, %get3A_155 : vector<16xf32>
      %swap3A_157 = arith.constant 192 : index
      %swap3A_158 = tpu.vector_load %arg13[%swap3A_157] {strides = array<i32>} : memref<632xf32, #tpu.memory_space<vmem>>, vector<16xf32>,
      tpu.vector_store %arg13[%swap3A_157], %add3A_156 {strides = array<i32>} : memref<632xf32, #tpu.memory_space<vmem>>, vector<16xf32>,
      %get3A_159 = arith.constant 208 : index
      %get3A_160 = tpu.vector_load %arg13[%get3A_159] {strides = array<i32>} : memref<632xf32, #tpu.memory_space<vmem>>, vector<16xf32>,
      %get3A_161 = arith.constant 208 : index
      %get3A_162 = tpu.vector_load %arg12[%get3A_161] {strides = array<i32>} : memref<632xf32, #tpu.memory_space<vmem>>, vector<16xf32>,
      %add3A_163 = arith.addf %get3A_160, %get3A_162 : vector<16xf32>
      %swap3A_164 = arith.constant 208 : index
      %swap3A_165 = tpu.vector_load %arg13[%swap3A_164] {strides = array<i32>} : memref<632xf32, #tpu.memory_space<vmem>>, vector<16xf32>,
      tpu.vector_store %arg13[%swap3A_164], %add3A_163 {strides = array<i32>} : memref<632xf32, #tpu.memory_space<vmem>>, vector<16xf32>,
      %get3A_166 = arith.constant 224 : index
      %get3A_167 = tpu.vector_load %arg13[%get3A_166] {strides = array<i32>} : memref<632xf32, #tpu.memory_space<vmem>>, vector<16xf32>,
      %get3A_168 = arith.constant 224 : index
      %get3A_169 = tpu.vector_load %arg12[%get3A_168] {strides = array<i32>} : memref<632xf32, #tpu.memory_space<vmem>>, vector<16xf32>,
      %add3A_170 = arith.addf %get3A_167, %get3A_169 : vector<16xf32>
      %swap3A_171 = arith.constant 224 : index
      %swap3A_172 = tpu.vector_load %arg13[%swap3A_171] {strides = array<i32>} : memref<632xf32, #tpu.memory_space<vmem>>, vector<16xf32>,
      tpu.vector_store %arg13[%swap3A_171], %add3A_170 {strides = array<i32>} : memref<632xf32, #tpu.memory_space<vmem>>, vector<16xf32>,
      %get3A_173 = arith.constant 240 : index
      %get3A_174 = tpu.vector_load %arg13[%get3A_173] {strides = array<i32>} : memref<632xf32, #tpu.memory_space<vmem>>, vector<16xf32>,
      %get3A_175 = arith.constant 240 : index
      %get3A_176 = tpu.vector_load %arg12[%get3A_175] {strides = array<i32>} : memref<632xf32, #tpu.memory_space<vmem>>, vector<16xf32>,
      %add3A_177 = arith.addf %get3A_174, %get3A_176 : vector<16xf32>
      %swap3A_178 = arith.constant 240 : index
      %swap3A_179 = tpu.vector_load %arg13[%swap3A_178] {strides = array<i32>} : memref<632xf32, #tpu.memory_space<vmem>>, vector<16xf32>,
      tpu.vector_store %arg13[%swap3A_178], %add3A_177 {strides = array<i32>} : memref<632xf32, #tpu.memory_space<vmem>>, vector<16xf32>,
      %get3A_180 = arith.constant 256 : index
      %get3A_181 = tpu.vector_load %arg13[%get3A_180] {strides = array<i32>} : memref<632xf32, #tpu.memory_space<vmem>>, vector<16xf32>,
      %get3A_182 = arith.constant 256 : index
      %get3A_183 = tpu.vector_load %arg12[%get3A_182] {strides = array<i32>} : memref<632xf32, #tpu.memory_space<vmem>>, vector<16xf32>,
      %add3A_184 = arith.addf %get3A_181, %get3A_183 : vector<16xf32>
      %swap3A_185 = arith.constant 256 : index
      %swap3A_186 = tpu.vector_load %arg13[%swap3A_185] {strides = array<i32>} : memref<632xf32, #tpu.memory_space<vmem>>, vector<16xf32>,
      tpu.vector_store %arg13[%swap3A_185], %add3A_184 {strides = array<i32>} : memref<632xf32, #tpu.memory_space<vmem>>, vector<16xf32>,
      %get3A_187 = arith.constant 272 : index
      %get3A_188 = tpu.vector_load %arg13[%get3A_187] {strides = array<i32>} : memref<632xf32, #tpu.memory_space<vmem>>, vector<16xf32>,
      %get3A_189 = arith.constant 272 : index
      %get3A_190 = tpu.vector_load %arg12[%get3A_189] {strides = array<i32>} : memref<632xf32, #tpu.memory_space<vmem>>, vector<16xf32>,
      %add3A_191 = arith.addf %get3A_188, %get3A_190 : vector<16xf32>
      %swap3A_192 = arith.constant 272 : index
      %swap3A_193 = tpu.vector_load %arg13[%swap3A_192] {strides = array<i32>} : memref<632xf32, #tpu.memory_space<vmem>>, vector<16xf32>,
      tpu.vector_store %arg13[%swap3A_192], %add3A_191 {strides = array<i32>} : memref<632xf32, #tpu.memory_space<vmem>>, vector<16xf32>,
      %get3A_194 = arith.constant 288 : index
      %get3A_195 = tpu.vector_load %arg13[%get3A_194] {strides = array<i32>} : memref<632xf32, #tpu.memory_space<vmem>>, vector<16xf32>,
      %get3A_196 = arith.constant 288 : index
      %get3A_197 = tpu.vector_load %arg12[%get3A_196] {strides = array<i32>} : memref<632xf32, #tpu.memory_space<vmem>>, vector<16xf32>,
      %add3A_198 = arith.addf %get3A_195, %get3A_197 : vector<16xf32>
      %swap3A_199 = arith.constant 288 : index
      %swap3A_200 = tpu.vector_load %arg13[%swap3A_199] {strides = array<i32>} : memref<632xf32, #tpu.memory_space<vmem>>, vector<16xf32>,
      tpu.vector_store %arg13[%swap3A_199], %add3A_198 {strides = array<i32>} : memref<632xf32, #tpu.memory_space<vmem>>, vector<16xf32>,
      %get3A_201 = arith.constant 304 : index
      %get3A_202 = tpu.vector_load %arg13[%get3A_201] {strides = array<i32>} : memref<632xf32, #tpu.memory_space<vmem>>, vector<16xf32>,
      %get3A_203 = arith.constant 304 : index
      %get3A_204 = tpu.vector_load %arg12[%get3A_203] {strides = array<i32>} : memref<632xf32, #tpu.memory_space<vmem>>, vector<16xf32>,
      %add3A_205 = arith.addf %get3A_202, %get3A_204 : vector<16xf32>
      %swap3A_206 = arith.constant 304 : index
      %swap3A_207 = tpu.vector_load %arg13[%swap3A_206] {strides = array<i32>} : memref<632xf32, #tpu.memory_space<vmem>>, vector<16xf32>,
      tpu.vector_store %arg13[%swap3A_206], %add3A_205 {strides = array<i32>} : memref<632xf32, #tpu.memory_space<vmem>>, vector<16xf32>,
      %get3A_208 = arith.constant 320 : index
      %get3A_209 = tpu.vector_load %arg13[%get3A_208] {strides = array<i32>} : memref<632xf32, #tpu.memory_space<vmem>>, vector<16xf32>,
      %get3A_210 = arith.constant 320 : index
      %get3A_211 = tpu.vector_load %arg12[%get3A_210] {strides = array<i32>} : memref<632xf32, #tpu.memory_space<vmem>>, vector<16xf32>,
      %add3A_212 = arith.addf %get3A_209, %get3A_211 : vector<16xf32>
      %swap3A_213 = arith.constant 320 : index
      %swap3A_214 = tpu.vector_load %arg13[%swap3A_213] {strides = array<i32>} : memref<632xf32, #tpu.memory_space<vmem>>, vector<16xf32>,
      tpu.vector_store %arg13[%swap3A_213], %add3A_212 {strides = array<i32>} : memref<632xf32, #tpu.memory_space<vmem>>, vector<16xf32>,
      %get3A_215 = arith.constant 336 : index
      %get3A_216 = tpu.vector_load %arg13[%get3A_215] {strides = array<i32>} : memref<632xf32, #tpu.memory_space<vmem>>, vector<16xf32>,
      %get3A_217 = arith.constant 336 : index
      %get3A_218 = tpu.vector_load %arg12[%get3A_217] {strides = array<i32>} : memref<632xf32, #tpu.memory_space<vmem>>, vector<16xf32>,
      %add3A_219 = arith.addf %get3A_216, %get3A_218 : vector<16xf32>
      %swap3A_220 = arith.constant 336 : index
      %swap3A_221 = tpu.vector_load %arg13[%swap3A_220] {strides = array<i32>} : memref<632xf32, #tpu.memory_space<vmem>>, vector<16xf32>,
      tpu.vector_store %arg13[%swap3A_220], %add3A_219 {strides = array<i32>} : memref<632xf32, #tpu.memory_space<vmem>>, vector<16xf32>,
      %get3A_222 = arith.constant 352 : index
      %get3A_223 = tpu.vector_load %arg13[%get3A_222] {strides = array<i32>} : memref<632xf32, #tpu.memory_space<vmem>>, vector<16xf32>,
      %get3A_224 = arith.constant 352 : index
      %get3A_225 = tpu.vector_load %arg12[%get3A_224] {strides = array<i32>} : memref<632xf32, #tpu.memory_space<vmem>>, vector<16xf32>,
      %add3A_226 = arith.addf %get3A_223, %get3A_225 : vector<16xf32>
      %swap3A_227 = arith.constant 352 : index
      %swap3A_228 = tpu.vector_load %arg13[%swap3A_227] {strides = array<i32>} : memref<632xf32, #tpu.memory_space<vmem>>, vector<16xf32>,
      tpu.vector_store %arg13[%swap3A_227], %add3A_226 {strides = array<i32>} : memref<632xf32, #tpu.memory_space<vmem>>, vector<16xf32>,
      %get3A_229 = arith.constant 368 : index
      %get3A_230 = tpu.vector_load %arg13[%get3A_229] {strides = array<i32>} : memref<632xf32, #tpu.memory_space<vmem>>, vector<16xf32>,
      %get3A_231 = arith.constant 368 : index
      %get3A_232 = tpu.vector_load %arg12[%get3A_231] {strides = array<i32>} : memref<632xf32, #tpu.memory_space<vmem>>, vector<16xf32>,
      %add3A_233 = arith.addf %get3A_230, %get3A_232 : vector<16xf32>
      %swap3A_234 = arith.constant 368 : index
      %swap3A_235 = tpu.vector_load %arg13[%swap3A_234] {strides = array<i32>} : memref<632xf32, #tpu.memory_space<vmem>>, vector<16xf32>,
      tpu.vector_store %arg13[%swap3A_234], %add3A_233 {strides = array<i32>} : memref<632xf32, #tpu.memory_space<vmem>>, vector<16xf32>,
      %get3A_236 = arith.constant 384 : index
      %get3A_237 = tpu.vector_load %arg13[%get3A_236] {strides = array<i32>} : memref<632xf32, #tpu.memory_space<vmem>>, vector<16xf32>,
      %get3A_238 = arith.constant 384 : index
      %get3A_239 = tpu.vector_load %arg12[%get3A_238] {strides = array<i32>} : memref<632xf32, #tpu.memory_space<vmem>>, vector<16xf32>,
      %add3A_240 = arith.addf %get3A_237, %get3A_239 : vector<16xf32>
      %swap3A_241 = arith.constant 384 : index
      %swap3A_242 = tpu.vector_load %arg13[%swap3A_241] {strides = array<i32>} : memref<632xf32, #tpu.memory_space<vmem>>, vector<16xf32>,
      tpu.vector_store %arg13[%swap3A_241], %add3A_240 {strides = array<i32>} : memref<632xf32, #tpu.memory_space<vmem>>, vector<16xf32>,
      %get3A_243 = arith.constant 400 : index
      %get3A_244 = tpu.vector_load %arg13[%get3A_243] {strides = array<i32>} : memref<632xf32, #tpu.memory_space<vmem>>, vector<16xf32>,
      %get3A_245 = arith.constant 400 : index
      %get3A_246 = tpu.vector_load %arg12[%get3A_245] {strides = array<i32>} : memref<632xf32, #tpu.memory_space<vmem>>, vector<16xf32>,
      %add3A_247 = arith.addf %get3A_244, %get3A_246 : vector<16xf32>
      %swap3A_248 = arith.constant 400 : index
      %swap3A_249 = tpu.vector_load %arg13[%swap3A_248] {strides = array<i32>} : memref<632xf32, #tpu.memory_space<vmem>>, vector<16xf32>,
      tpu.vector_store %arg13[%swap3A_248], %add3A_247 {strides = array<i32>} : memref<632xf32, #tpu.memory_space<vmem>>, vector<16xf32>,
      %get3A_250 = arith.constant 416 : index
      %get3A_251 = tpu.vector_load %arg13[%get3A_250] {strides = array<i32>} : memref<632xf32, #tpu.memory_space<vmem>>, vector<16xf32>,
      %get3A_252 = arith.constant 416 : index
      %get3A_253 = tpu.vector_load %arg12[%get3A_252] {strides = array<i32>} : memref<632xf32, #tpu.memory_space<vmem>>, vector<16xf32>,
      %add3A_254 = arith.addf %get3A_251, %get3A_253 : vector<16xf32>
      %swap3A_255 = arith.constant 416 : index
      %swap3A_256 = tpu.vector_load %arg13[%swap3A_255] {strides = array<i32>} : memref<632xf32, #tpu.memory_space<vmem>>, vector<16xf32>,
      tpu.vector_store %arg13[%swap3A_255], %add3A_254 {strides = array<i32>} : memref<632xf32, #tpu.memory_space<vmem>>, vector<16xf32>,
      %get3A_257 = arith.constant 432 : index
      %get3A_258 = tpu.vector_load %arg13[%get3A_257] {strides = array<i32>} : memref<632xf32, #tpu.memory_space<vmem>>, vector<16xf32>,
      %get3A_259 = arith.constant 432 : index
      %get3A_260 = tpu.vector_load %arg12[%get3A_259] {strides = array<i32>} : memref<632xf32, #tpu.memory_space<vmem>>, vector<16xf32>,
      %add3A_261 = arith.addf %get3A_258, %get3A_260 : vector<16xf32>
      %swap3A_262 = arith.constant 432 : index
      %swap3A_263 = tpu.vector_load %arg13[%swap3A_262] {strides = array<i32>} : memref<632xf32, #tpu.memory_space<vmem>>, vector<16xf32>,
      tpu.vector_store %arg13[%swap3A_262], %add3A_261 {strides = array<i32>} : memref<632xf32, #tpu.memory_space<vmem>>, vector<16xf32>,
      %get3A_264 = arith.constant 448 : index
      %get3A_265 = tpu.vector_load %arg13[%get3A_264] {strides = array<i32>} : memref<632xf32, #tpu.memory_space<vmem>>, vector<16xf32>,
      %get3A_266 = arith.constant 448 : index
      %get3A_267 = tpu.vector_load %arg12[%get3A_266] {strides = array<i32>} : memref<632xf32, #tpu.memory_space<vmem>>, vector<16xf32>,
      %add3A_268 = arith.addf %get3A_265, %get3A_267 : vector<16xf32>
      %swap3A_269 = arith.constant 448 : index
      %swap3A_270 = tpu.vector_load %arg13[%swap3A_269] {strides = array<i32>} : memref<632xf32, #tpu.memory_space<vmem>>, vector<16xf32>,
      tpu.vector_store %arg13[%swap3A_269], %add3A_268 {strides = array<i32>} : memref<632xf32, #tpu.memory_space<vmem>>, vector<16xf32>,
      %get3A_271 = arith.constant 464 : index
      %get3A_272 = tpu.vector_load %arg13[%get3A_271] {strides = array<i32>} : memref<632xf32, #tpu.memory_space<vmem>>, vector<16xf32>,
      %get3A_273 = arith.constant 464 : index
      %get3A_274 = tpu.vector_load %arg12[%get3A_273] {strides = array<i32>} : memref<632xf32, #tpu.memory_space<vmem>>, vector<16xf32>,
      %add3A_275 = arith.addf %get3A_272, %get3A_274 : vector<16xf32>
      %swap3A_276 = arith.constant 464 : index
      %swap3A_277 = tpu.vector_load %arg13[%swap3A_276] {strides = array<i32>} : memref<632xf32, #tpu.memory_space<vmem>>, vector<16xf32>,
      tpu.vector_store %arg13[%swap3A_276], %add3A_275 {strides = array<i32>} : memref<632xf32, #tpu.memory_space<vmem>>, vector<16xf32>,
      %get3A_278 = arith.constant 480 : index
      %get3A_279 = tpu.vector_load %arg13[%get3A_278] {strides = array<i32>} : memref<632xf32, #tpu.memory_space<vmem>>, vector<16xf32>,
      %get3A_280 = arith.constant 480 : index
      %get3A_281 = tpu.vector_load %arg12[%get3A_280] {strides = array<i32>} : memref<632xf32, #tpu.memory_space<vmem>>, vector<16xf32>,
      %add3A_282 = arith.addf %get3A_279, %get3A_281 : vector<16xf32>
      %swap3A_283 = arith.constant 480 : index
      %swap3A_284 = tpu.vector_load %arg13[%swap3A_283] {strides = array<i32>} : memref<632xf32, #tpu.memory_space<vmem>>, vector<16xf32>,
      tpu.vector_store %arg13[%swap3A_283], %add3A_282 {strides = array<i32>} : memref<632xf32, #tpu.memory_space<vmem>>, vector<16xf32>,
      %get3A_285 = arith.constant 496 : index
      %get3A_286 = tpu.vector_load %arg13[%get3A_285] {strides = array<i32>} : memref<632xf32, #tpu.memory_space<vmem>>, vector<16xf32>,
      %get3A_287 = arith.constant 496 : index
      %get3A_288 = tpu.vector_load %arg12[%get3A_287] {strides = array<i32>} : memref<632xf32, #tpu.memory_space<vmem>>, vector<16xf32>,
      %add3A_289 = arith.addf %get3A_286, %get3A_288 : vector<16xf32>
      %swap3A_290 = arith.constant 496 : index
      %swap3A_291 = tpu.vector_load %arg13[%swap3A_290] {strides = array<i32>} : memref<632xf32, #tpu.memory_space<vmem>>, vector<16xf32>,
      tpu.vector_store %arg13[%swap3A_290], %add3A_289 {strides = array<i32>} : memref<632xf32, #tpu.memory_space<vmem>>, vector<16xf32>,
      %get3A_292 = arith.constant 512 : index
      %get3A_293 = tpu.vector_load %arg13[%get3A_292] {strides = array<i32>} : memref<632xf32, #tpu.memory_space<vmem>>, vector<16xf32>,
      %get3A_294 = arith.constant 512 : index
      %get3A_295 = tpu.vector_load %arg12[%get3A_294] {strides = array<i32>} : memref<632xf32, #tpu.memory_space<vmem>>, vector<16xf32>,
      %add3A_296 = arith.addf %get3A_293, %get3A_295 : vector<16xf32>
      %swap3A_297 = arith.constant 512 : index
      %swap3A_298 = tpu.vector_load %arg13[%swap3A_297] {strides = array<i32>} : memref<632xf32, #tpu.memory_space<vmem>>, vector<16xf32>,
      tpu.vector_store %arg13[%swap3A_297], %add3A_296 {strides = array<i32>} : memref<632xf32, #tpu.memory_space<vmem>>, vector<16xf32>,
      %get3A_299 = arith.constant 528 : index
      %get3A_300 = tpu.vector_load %arg13[%get3A_299] {strides = array<i32>} : memref<632xf32, #tpu.memory_space<vmem>>, vector<16xf32>,
      %get3A_301 = arith.constant 528 : index
      %get3A_302 = tpu.vector_load %arg12[%get3A_301] {strides = array<i32>} : memref<632xf32, #tpu.memory_space<vmem>>, vector<16xf32>,
      %add3A_303 = arith.addf %get3A_300, %get3A_302 : vector<16xf32>
      %swap3A_304 = arith.constant 528 : index
      %swap3A_305 = tpu.vector_load %arg13[%swap3A_304] {strides = array<i32>} : memref<632xf32, #tpu.memory_space<vmem>>, vector<16xf32>,
      tpu.vector_store %arg13[%swap3A_304], %add3A_303 {strides = array<i32>} : memref<632xf32, #tpu.memory_space<vmem>>, vector<16xf32>,
      %get3A_306 = arith.constant 544 : index
      %get3A_307 = tpu.vector_load %arg13[%get3A_306] {strides = array<i32>} : memref<632xf32, #tpu.memory_space<vmem>>, vector<16xf32>,
      %get3A_308 = arith.constant 544 : index
      %get3A_309 = tpu.vector_load %arg12[%get3A_308] {strides = array<i32>} : memref<632xf32, #tpu.memory_space<vmem>>, vector<16xf32>,
      %add3A_310 = arith.addf %get3A_307, %get3A_309 : vector<16xf32>
      %swap3A_311 = arith.constant 544 : index
      %swap3A_312 = tpu.vector_load %arg13[%swap3A_311] {strides = array<i32>} : memref<632xf32, #tpu.memory_space<vmem>>, vector<16xf32>,
      tpu.vector_store %arg13[%swap3A_311], %add3A_310 {strides = array<i32>} : memref<632xf32, #tpu.memory_space<vmem>>, vector<16xf32>,
      %get3A_313 = arith.constant 560 : index
      %get3A_314 = tpu.vector_load %arg13[%get3A_313] {strides = array<i32>} : memref<632xf32, #tpu.memory_space<vmem>>, vector<16xf32>,
      %get3A_315 = arith.constant 560 : index
      %get3A_316 = tpu.vector_load %arg12[%get3A_315] {strides = array<i32>} : memref<632xf32, #tpu.memory_space<vmem>>, vector<16xf32>,
      %add3A_317 = arith.addf %get3A_314, %get3A_316 : vector<16xf32>
      %swap3A_318 = arith.constant 560 : index
      %swap3A_319 = tpu.vector_load %arg13[%swap3A_318] {strides = array<i32>} : memref<632xf32, #tpu.memory_space<vmem>>, vector<16xf32>,
      tpu.vector_store %arg13[%swap3A_318], %add3A_317 {strides = array<i32>} : memref<632xf32, #tpu.memory_space<vmem>>, vector<16xf32>,
      %get3A_320 = arith.constant 576 : index
      %get3A_321 = tpu.vector_load %arg13[%get3A_320] {strides = array<i32>} : memref<632xf32, #tpu.memory_space<vmem>>, vector<16xf32>,
      %get3A_322 = arith.constant 576 : index
      %get3A_323 = tpu.vector_load %arg12[%get3A_322] {strides = array<i32>} : memref<632xf32, #tpu.memory_space<vmem>>, vector<16xf32>,
      %add3A_324 = arith.addf %get3A_321, %get3A_323 : vector<16xf32>
      %swap3A_325 = arith.constant 576 : index
      %swap3A_326 = tpu.vector_load %arg13[%swap3A_325] {strides = array<i32>} : memref<632xf32, #tpu.memory_space<vmem>>, vector<16xf32>,
      tpu.vector_store %arg13[%swap3A_325], %add3A_324 {strides = array<i32>} : memref<632xf32, #tpu.memory_space<vmem>>, vector<16xf32>,
      %get3A_327 = arith.constant 592 : index
      %get3A_328 = tpu.vector_load %arg13[%get3A_327] {strides = array<i32>} : memref<632xf32, #tpu.memory_space<vmem>>, vector<16xf32>,
      %get3A_329 = arith.constant 592 : index
      %get3A_330 = tpu.vector_load %arg12[%get3A_329] {strides = array<i32>} : memref<632xf32, #tpu.memory_space<vmem>>, vector<16xf32>,
      %add3A_331 = arith.addf %get3A_328, %get3A_330 : vector<16xf32>
      %swap3A_332 = arith.constant 592 : index
      %swap3A_333 = tpu.vector_load %arg13[%swap3A_332] {strides = array<i32>} : memref<632xf32, #tpu.memory_space<vmem>>, vector<16xf32>,
      tpu.vector_store %arg13[%swap3A_332], %add3A_331 {strides = array<i32>} : memref<632xf32, #tpu.memory_space<vmem>>, vector<16xf32>,
      %get3A_334 = arith.constant 608 : index
      %get3A_335 = tpu.vector_load %arg13[%get3A_334] {strides = array<i32>} : memref<632xf32, #tpu.memory_space<vmem>>, vector<16xf32>,
      %get3A_336 = arith.constant 608 : index
      %get3A_337 = tpu.vector_load %arg12[%get3A_336] {strides = array<i32>} : memref<632xf32, #tpu.memory_space<vmem>>, vector<16xf32>,
      %add3A_338 = arith.addf %get3A_335, %get3A_337 : vector<16xf32>
      %swap3A_339 = arith.constant 608 : index
      %swap3A_340 = tpu.vector_load %arg13[%swap3A_339] {strides = array<i32>} : memref<632xf32, #tpu.memory_space<vmem>>, vector<16xf32>,
      tpu.vector_store %arg13[%swap3A_339], %add3A_338 {strides = array<i32>} : memref<632xf32, #tpu.memory_space<vmem>>, vector<16xf32>,
    }
    %scan3A_58 = arith.constant 16 : i32
    %mul3A_59 = arith.constant 10112 : i32
    %mul3A_60 = arith.muli %arg0, %mul3A_59 : i32
    %add3A_61 = arith.addi %mul3A_60, %mul3A_48 : i32
    "tpu.region"() ({
      %run_scoped3A = tpu.sem_alloc : memref<!tpu.dma_semaphore, #tpu.memory_space<semaphore_mem>>
      %dma_start3A_62 = tpu.memref_slice %arg6[%add3A_61] : memref<20224xf32, #tpu.memory_space<hbm>> -> memref<632xf32, #tpu.memory_space<hbm>>
      %dma_start3A_63 = tpu.memref_slice %arg6[%add3A_61] : memref<20224xf32, #tpu.memory_space<hbm>> -> memref<632xf32, #tpu.memory_space<hbm>>
      tpu.enqueue_dma source(%arg13 : memref<632xf32, #tpu.memory_space<vmem>>) target(%dma_start3A_63 : memref<632xf32, #tpu.memory_space<hbm>>) target_semaphore(%run_scoped3A : memref<!tpu.dma_semaphore, #tpu.memory_space<semaphore_mem>>)
      %dma_wait3A_64 = tpu.memref_slice %arg6[%add3A_61] : memref<20224xf32, #tpu.memory_space<hbm>> -> memref<632xf32, #tpu.memory_space<hbm>>
      %dma_wait3A_65 = tpu.memref_slice %arg6[%add3A_61] : memref<20224xf32, #tpu.memory_space<hbm>> -> memref<632xf32, #tpu.memory_space<hbm>>
      tpu.wait_dma2 semaphore(%run_scoped3A : memref<!tpu.dma_semaphore, #tpu.memory_space<semaphore_mem>>) src(%arg13 : memref<632xf32, #tpu.memory_space<vmem>>) dst(%dma_wait3A_65 : memref<632xf32, #tpu.memory_space<hbm>>)
      tpu.yield
    }) : () -> ()
    return
  }
}

#map = affine_map<(d0, d1) -> (0)>
#map1 = affine_map<(d0, d1) -> (0, 0)>
module attributes {stable_mosaic.version = 14 : i64} {
  func.func @_sc_agg(%arg0: i32, %arg1: i32, %arg2: memref<331776xi32, #tpu.memory_space<hbm>>, %arg3: memref<331776xi32, #tpu.memory_space<hbm>>, %arg4: memref<10112x128xf32, #tpu.memory_space<hbm>>, %arg5: memref<10112x128xf32, #tpu.memory_space<hbm>>, %arg6: memref<20224x128xf32, #tpu.memory_space<hbm>>, %arg7: memref<128xi32, #tpu.memory_space<vmem>>, %arg8: memref<128xi32, #tpu.memory_space<vmem>>, %arg9: memref<128xi32, #tpu.memory_space<vmem>>, %arg10: memref<128xi32, #tpu.memory_space<vmem>>, %arg11: memref<128xi32, #tpu.memory_space<vmem>>, %arg12: memref<128xi32, #tpu.memory_space<vmem>>, %arg13: memref<128x128xf32, #tpu.memory_space<vmem>>, %arg14: memref<128x128xf32, #tpu.memory_space<vmem>>, %arg15: memref<128x128xf32, #tpu.memory_space<vmem>>, %arg16: memref<10112x128xf32, #tpu.memory_space<vmem_shared>>, %arg17: memref<!tpu.dma_semaphore, #tpu.memory_space<semaphore_mem>>, %arg18: memref<!tpu.dma_semaphore, #tpu.memory_space<semaphore_mem>>, %arg19: memref<!tpu.dma_semaphore, #tpu.memory_space<semaphore_mem>>, %arg20: memref<!tpu.dma_semaphore, #tpu.memory_space<semaphore_mem>>, %arg21: memref<!tpu.dma_semaphore, #tpu.memory_space<semaphore_mem>>, %arg22: memref<!tpu.dma_semaphore, #tpu.memory_space<semaphore_mem>>, %arg23: memref<!tpu.dma_semaphore, #tpu.memory_space<semaphore_mem>>, %arg24: memref<!tpu.dma_semaphore, #tpu.memory_space<semaphore_mem>>, %arg25: memref<!tpu.dma_semaphore, #tpu.memory_space<semaphore_mem>>, %arg26: memref<!tpu.dma_semaphore, #tpu.memory_space<semaphore_mem>>) attributes {dimension_semantics = [#tpu.dimension_semantics<core_parallel>, #tpu.dimension_semantics<subcore_parallel>], iteration_bounds = array<i64: 2, 16>, scalar_prefetch = 0 : i64, scratch_operands = 20 : i64, tpu.core_type = #tpu.core_type<sc_vector_subcore>, window_params = [{transform_indices = #map}, {transform_indices = #map}, {transform_indices = #map1}, {transform_indices = #map1}, {transform_indices = #map1}]} {
    %mul3A = arith.constant 2 : i32
    %mul3A_0 = arith.muli %arg1, %mul3A : i32
    %add3A = arith.addi %mul3A_0, %arg0 : i32
    %mul3A_1 = arith.constant 632 : i32
    %mul3A_2 = arith.muli %arg1, %mul3A_1 : i32
    %dma_start3A = arith.constant 0 : i32
    %dma_start3A_3 = tpu.memref_slice %arg16[%mul3A_2, %dma_start3A] : memref<10112x128xf32, #tpu.memory_space<vmem_shared>> -> memref<632x128xf32, #tpu.memory_space<vmem_shared>>
    %dma_start3A_4 = arith.constant 0 : i32
    %dma_start3A_5 = tpu.memref_slice %arg5[%mul3A_2, %dma_start3A_4] : memref<10112x128xf32, #tpu.memory_space<hbm>> -> memref<632x128xf32, #tpu.memory_space<hbm>>
    tpu.enqueue_dma source(%dma_start3A_5 : memref<632x128xf32, #tpu.memory_space<hbm>>) target(%dma_start3A_3 : memref<632x128xf32, #tpu.memory_space<vmem_shared>>) target_semaphore(%arg26 : memref<!tpu.dma_semaphore, #tpu.memory_space<semaphore_mem>>)
    %mul3A_6 = arith.constant 10368 : i32
    %mul3A_7 = arith.muli %add3A, %mul3A_6 : i32
    %add3A_8 = arith.constant 10368 : i32
    %add3A_9 = arith.addi %mul3A_7, %add3A_8 : i32
    %sub3A = arith.constant 128 : i32
    %sub3A_10 = arith.subi %add3A_9, %sub3A : i32
    %add3A_11 = arith.constant 0 : i32
    %add3A_12 = arith.addi %mul3A_7, %add3A_11 : i32
    %min3A = arith.minsi %add3A_12, %sub3A_10 : i32
    %dma_start3A_13 = tpu.memref_slice %arg2[%min3A] : memref<331776xi32, #tpu.memory_space<hbm>> -> memref<128xi32, #tpu.memory_space<hbm>>
    %dma_start3A_14 = tpu.memref_slice %arg2[%min3A] : memref<331776xi32, #tpu.memory_space<hbm>> -> memref<128xi32, #tpu.memory_space<hbm>>
    tpu.enqueue_dma source(%dma_start3A_14 : memref<128xi32, #tpu.memory_space<hbm>>) target(%arg7 : memref<128xi32, #tpu.memory_space<vmem>>) target_semaphore(%arg17 : memref<!tpu.dma_semaphore, #tpu.memory_space<semaphore_mem>>)
    %dma_start3A_15 = tpu.memref_slice %arg3[%min3A] : memref<331776xi32, #tpu.memory_space<hbm>> -> memref<128xi32, #tpu.memory_space<hbm>>
    %dma_start3A_16 = tpu.memref_slice %arg3[%min3A] : memref<331776xi32, #tpu.memory_space<hbm>> -> memref<128xi32, #tpu.memory_space<hbm>>
    tpu.enqueue_dma source(%dma_start3A_16 : memref<128xi32, #tpu.memory_space<hbm>>) target(%arg10 : memref<128xi32, #tpu.memory_space<vmem>>) target_semaphore(%arg20 : memref<!tpu.dma_semaphore, #tpu.memory_space<semaphore_mem>>)
    %add3A_17 = arith.constant 128 : i32
    %add3A_18 = arith.addi %mul3A_7, %add3A_17 : i32
    %min3A_19 = arith.minsi %add3A_18, %sub3A_10 : i32
    %dma_start3A_20 = tpu.memref_slice %arg2[%min3A_19] : memref<331776xi32, #tpu.memory_space<hbm>> -> memref<128xi32, #tpu.memory_space<hbm>>
    %dma_start3A_21 = tpu.memref_slice %arg2[%min3A_19] : memref<331776xi32, #tpu.memory_space<hbm>> -> memref<128xi32, #tpu.memory_space<hbm>>
    tpu.enqueue_dma source(%dma_start3A_21 : memref<128xi32, #tpu.memory_space<hbm>>) target(%arg8 : memref<128xi32, #tpu.memory_space<vmem>>) target_semaphore(%arg18 : memref<!tpu.dma_semaphore, #tpu.memory_space<semaphore_mem>>)
    %dma_start3A_22 = tpu.memref_slice %arg3[%min3A_19] : memref<331776xi32, #tpu.memory_space<hbm>> -> memref<128xi32, #tpu.memory_space<hbm>>
    %dma_start3A_23 = tpu.memref_slice %arg3[%min3A_19] : memref<331776xi32, #tpu.memory_space<hbm>> -> memref<128xi32, #tpu.memory_space<hbm>>
    tpu.enqueue_dma source(%dma_start3A_23 : memref<128xi32, #tpu.memory_space<hbm>>) target(%arg11 : memref<128xi32, #tpu.memory_space<vmem>>) target_semaphore(%arg21 : memref<!tpu.dma_semaphore, #tpu.memory_space<semaphore_mem>>)
    %add3A_24 = arith.constant 256 : i32
    %add3A_25 = arith.addi %mul3A_7, %add3A_24 : i32
    %min3A_26 = arith.minsi %add3A_25, %sub3A_10 : i32
    %dma_start3A_27 = tpu.memref_slice %arg2[%min3A_26] : memref<331776xi32, #tpu.memory_space<hbm>> -> memref<128xi32, #tpu.memory_space<hbm>>
    %dma_start3A_28 = tpu.memref_slice %arg2[%min3A_26] : memref<331776xi32, #tpu.memory_space<hbm>> -> memref<128xi32, #tpu.memory_space<hbm>>
    tpu.enqueue_dma source(%dma_start3A_28 : memref<128xi32, #tpu.memory_space<hbm>>) target(%arg9 : memref<128xi32, #tpu.memory_space<vmem>>) target_semaphore(%arg19 : memref<!tpu.dma_semaphore, #tpu.memory_space<semaphore_mem>>)
    %dma_start3A_29 = tpu.memref_slice %arg3[%min3A_26] : memref<331776xi32, #tpu.memory_space<hbm>> -> memref<128xi32, #tpu.memory_space<hbm>>
    %dma_start3A_30 = tpu.memref_slice %arg3[%min3A_26] : memref<331776xi32, #tpu.memory_space<hbm>> -> memref<128xi32, #tpu.memory_space<hbm>>
    tpu.enqueue_dma source(%dma_start3A_30 : memref<128xi32, #tpu.memory_space<hbm>>) target(%arg12 : memref<128xi32, #tpu.memory_space<vmem>>) target_semaphore(%arg22 : memref<!tpu.dma_semaphore, #tpu.memory_space<semaphore_mem>>)
    %dma_wait3A = tpu.memref_slice %arg2[%mul3A_7] : memref<331776xi32, #tpu.memory_space<hbm>> -> memref<128xi32, #tpu.memory_space<hbm>>
    %dma_wait3A_31 = tpu.memref_slice %arg2[%mul3A_7] : memref<331776xi32, #tpu.memory_space<hbm>> -> memref<128xi32, #tpu.memory_space<hbm>>
    tpu.wait_dma2 semaphore(%arg17 : memref<!tpu.dma_semaphore, #tpu.memory_space<semaphore_mem>>) src(%dma_wait3A_31 : memref<128xi32, #tpu.memory_space<hbm>>) dst(%arg7 : memref<128xi32, #tpu.memory_space<vmem>>)
    %dma_start3A_32 = arith.constant 0 : i32
    %dma_start3A_33 = arith.constant 0 : i32
    %dma_start3A_34 = tpu.memref_slice %arg4[%dma_start3A_32, %dma_start3A_33] : memref<10112x128xf32, #tpu.memory_space<hbm>> -> memref<10112x128xf32, #tpu.memory_space<hbm>>
    tpu.enqueue_indirect_dma source(%dma_start3A_34 : memref<10112x128xf32, #tpu.memory_space<hbm>>) target(%arg13 : memref<128x128xf32, #tpu.memory_space<vmem>>) offsets(%arg7 : memref<128xi32, #tpu.memory_space<vmem>>) semaphore(%arg23 : memref<!tpu.dma_semaphore, #tpu.memory_space<semaphore_mem>>)
    %dma_wait3A_35 = tpu.memref_slice %arg2[%mul3A_7] : memref<331776xi32, #tpu.memory_space<hbm>> -> memref<128xi32, #tpu.memory_space<hbm>>
    %dma_wait3A_36 = tpu.memref_slice %arg2[%mul3A_7] : memref<331776xi32, #tpu.memory_space<hbm>> -> memref<128xi32, #tpu.memory_space<hbm>>
    tpu.wait_dma2 semaphore(%arg18 : memref<!tpu.dma_semaphore, #tpu.memory_space<semaphore_mem>>) src(%dma_wait3A_36 : memref<128xi32, #tpu.memory_space<hbm>>) dst(%arg8 : memref<128xi32, #tpu.memory_space<vmem>>)
    %dma_start3A_37 = arith.constant 0 : i32
    %dma_start3A_38 = arith.constant 0 : i32
    %dma_start3A_39 = tpu.memref_slice %arg4[%dma_start3A_37, %dma_start3A_38] : memref<10112x128xf32, #tpu.memory_space<hbm>> -> memref<10112x128xf32, #tpu.memory_space<hbm>>
    tpu.enqueue_indirect_dma source(%dma_start3A_39 : memref<10112x128xf32, #tpu.memory_space<hbm>>) target(%arg14 : memref<128x128xf32, #tpu.memory_space<vmem>>) offsets(%arg8 : memref<128xi32, #tpu.memory_space<vmem>>) semaphore(%arg24 : memref<!tpu.dma_semaphore, #tpu.memory_space<semaphore_mem>>)
    %dma_wait3A_40 = arith.constant 0 : i32
    %dma_wait3A_41 = tpu.memref_slice %arg16[%mul3A_2, %dma_wait3A_40] : memref<10112x128xf32, #tpu.memory_space<vmem_shared>> -> memref<632x128xf32, #tpu.memory_space<vmem_shared>>
    %dma_wait3A_42 = arith.constant 0 : i32
    %dma_wait3A_43 = tpu.memref_slice %arg5[%mul3A_2, %dma_wait3A_42] : memref<10112x128xf32, #tpu.memory_space<hbm>> -> memref<632x128xf32, #tpu.memory_space<hbm>>
    tpu.wait_dma2 semaphore(%arg26 : memref<!tpu.dma_semaphore, #tpu.memory_space<semaphore_mem>>) src(%dma_wait3A_43 : memref<632x128xf32, #tpu.memory_space<hbm>>) dst(%dma_wait3A_41 : memref<632x128xf32, #tpu.memory_space<vmem_shared>>)
    %barrier3A = arith.constant 0 : index
    tpu.barrier barrier_id(%barrier3A)
    %scan3A = arith.constant 0 : i32
    %scan3A_44 = arith.constant 27 : i32
    %scan3A_45 = arith.addi %scan3A, %scan3A_44 : i32
    %scan3A_46 = arith.constant 1 : i32
    scf.for %scan3A_66 = %scan3A to %scan3A_45 step %scan3A_46  : i32 {
      %mul3A_67 = arith.constant 1 : i32
      %mul3A_68 = arith.muli %scan3A_66, %mul3A_67 : i32
      %add3A_69 = arith.constant 0 : i32
      %add3A_70 = arith.addi %add3A_69, %mul3A_68 : i32
      %mul3A_71 = arith.constant 3 : i32
      %mul3A_72 = arith.muli %mul3A_71, %add3A_70 : i32
      %mul3A_73 = arith.constant 128 : i32
      %mul3A_74 = arith.muli %mul3A_72, %mul3A_73 : i32
      %add3A_75 = arith.addi %mul3A_7, %mul3A_74 : i32
      %dma_wait3A_76 = tpu.memref_slice %arg2[%mul3A_7] : memref<331776xi32, #tpu.memory_space<hbm>> -> memref<128xi32, #tpu.memory_space<hbm>>
      %dma_wait3A_77 = tpu.memref_slice %arg2[%mul3A_7] : memref<331776xi32, #tpu.memory_space<hbm>> -> memref<128xi32, #tpu.memory_space<hbm>>
      tpu.wait_dma2 semaphore(%arg19 : memref<!tpu.dma_semaphore, #tpu.memory_space<semaphore_mem>>) src(%dma_wait3A_77 : memref<128xi32, #tpu.memory_space<hbm>>) dst(%arg9 : memref<128xi32, #tpu.memory_space<vmem>>)
      %dma_start3A_78 = arith.constant 0 : i32
      %dma_start3A_79 = arith.constant 0 : i32
      %dma_start3A_80 = tpu.memref_slice %arg4[%dma_start3A_78, %dma_start3A_79] : memref<10112x128xf32, #tpu.memory_space<hbm>> -> memref<10112x128xf32, #tpu.memory_space<hbm>>
      tpu.enqueue_indirect_dma source(%dma_start3A_80 : memref<10112x128xf32, #tpu.memory_space<hbm>>) target(%arg15 : memref<128x128xf32, #tpu.memory_space<vmem>>) offsets(%arg9 : memref<128xi32, #tpu.memory_space<vmem>>) semaphore(%arg25 : memref<!tpu.dma_semaphore, #tpu.memory_space<semaphore_mem>>)
      %dma_wait3A_81 = arith.constant 0 : i32
      %dma_wait3A_82 = arith.constant 0 : i32
      %dma_wait3A_83 = tpu.memref_slice %arg4[%dma_wait3A_81, %dma_wait3A_82] : memref<10112x128xf32, #tpu.memory_space<hbm>> -> memref<10112x128xf32, #tpu.memory_space<hbm>>
      tpu.wait_indirect_dma semaphore(%arg23 : memref<!tpu.dma_semaphore, #tpu.memory_space<semaphore_mem>>) src(%dma_wait3A_83 : memref<10112x128xf32, #tpu.memory_space<hbm>>) dst(%arg13 : memref<128x128xf32, #tpu.memory_space<vmem>>)
      %dma_wait3A_84 = tpu.memref_slice %arg3[%mul3A_7] : memref<331776xi32, #tpu.memory_space<hbm>> -> memref<128xi32, #tpu.memory_space<hbm>>
      %dma_wait3A_85 = tpu.memref_slice %arg3[%mul3A_7] : memref<331776xi32, #tpu.memory_space<hbm>> -> memref<128xi32, #tpu.memory_space<hbm>>
      tpu.wait_dma2 semaphore(%arg20 : memref<!tpu.dma_semaphore, #tpu.memory_space<semaphore_mem>>) src(%dma_wait3A_85 : memref<128xi32, #tpu.memory_space<hbm>>) dst(%arg10 : memref<128xi32, #tpu.memory_space<vmem>>)
      "tpu.region"() ({
        %run_scoped3A = tpu.sem_alloc : memref<!tpu.dma_semaphore, #tpu.memory_space<semaphore_mem>>
        %dma_start3A_131 = arith.constant 0 : i32
        %dma_start3A_132 = arith.constant 0 : i32
        %dma_start3A_133 = tpu.memref_slice %arg16[%dma_start3A_131, %dma_start3A_132] : memref<10112x128xf32, #tpu.memory_space<vmem_shared>> -> memref<10112x128xf32, #tpu.memory_space<vmem_shared>>
        tpu.enqueue_indirect_dma source(%arg13 : memref<128x128xf32, #tpu.memory_space<vmem>>) target(%dma_start3A_133 : memref<10112x128xf32, #tpu.memory_space<vmem_shared>>) offsets(%arg10 : memref<128xi32, #tpu.memory_space<vmem>>) semaphore(%run_scoped3A : memref<!tpu.dma_semaphore, #tpu.memory_space<semaphore_mem>>) {add = true}
        %dma_wait3A_134 = arith.constant 0 : i32
        %dma_wait3A_135 = arith.constant 0 : i32
        %dma_wait3A_136 = tpu.memref_slice %arg16[%dma_wait3A_134, %dma_wait3A_135] : memref<10112x128xf32, #tpu.memory_space<vmem_shared>> -> memref<10112x128xf32, #tpu.memory_space<vmem_shared>>
        tpu.wait_indirect_dma semaphore(%run_scoped3A : memref<!tpu.dma_semaphore, #tpu.memory_space<semaphore_mem>>) src(%arg13 : memref<128x128xf32, #tpu.memory_space<vmem>>) dst(%dma_wait3A_136 : memref<10112x128xf32, #tpu.memory_space<vmem_shared>>)
        tpu.yield
      }) : () -> ()
      %add3A_86 = arith.constant 384 : i32
      %add3A_87 = arith.addi %add3A_75, %add3A_86 : i32
      %min3A_88 = arith.minsi %add3A_87, %sub3A_10 : i32
      %dma_start3A_89 = tpu.memref_slice %arg2[%min3A_88] : memref<331776xi32, #tpu.memory_space<hbm>> -> memref<128xi32, #tpu.memory_space<hbm>>
      %dma_start3A_90 = tpu.memref_slice %arg2[%min3A_88] : memref<331776xi32, #tpu.memory_space<hbm>> -> memref<128xi32, #tpu.memory_space<hbm>>
      tpu.enqueue_dma source(%dma_start3A_90 : memref<128xi32, #tpu.memory_space<hbm>>) target(%arg7 : memref<128xi32, #tpu.memory_space<vmem>>) target_semaphore(%arg17 : memref<!tpu.dma_semaphore, #tpu.memory_space<semaphore_mem>>)
      %dma_start3A_91 = tpu.memref_slice %arg3[%min3A_88] : memref<331776xi32, #tpu.memory_space<hbm>> -> memref<128xi32, #tpu.memory_space<hbm>>
      %dma_start3A_92 = tpu.memref_slice %arg3[%min3A_88] : memref<331776xi32, #tpu.memory_space<hbm>> -> memref<128xi32, #tpu.memory_space<hbm>>
      tpu.enqueue_dma source(%dma_start3A_92 : memref<128xi32, #tpu.memory_space<hbm>>) target(%arg10 : memref<128xi32, #tpu.memory_space<vmem>>) target_semaphore(%arg20 : memref<!tpu.dma_semaphore, #tpu.memory_space<semaphore_mem>>)
      %add3A_93 = arith.constant 128 : i32
      %add3A_94 = arith.addi %add3A_75, %add3A_93 : i32
      %dma_wait3A_95 = tpu.memref_slice %arg2[%mul3A_7] : memref<331776xi32, #tpu.memory_space<hbm>> -> memref<128xi32, #tpu.memory_space<hbm>>
      %dma_wait3A_96 = tpu.memref_slice %arg2[%mul3A_7] : memref<331776xi32, #tpu.memory_space<hbm>> -> memref<128xi32, #tpu.memory_space<hbm>>
      tpu.wait_dma2 semaphore(%arg17 : memref<!tpu.dma_semaphore, #tpu.memory_space<semaphore_mem>>) src(%dma_wait3A_96 : memref<128xi32, #tpu.memory_space<hbm>>) dst(%arg7 : memref<128xi32, #tpu.memory_space<vmem>>)
      %dma_start3A_97 = arith.constant 0 : i32
      %dma_start3A_98 = arith.constant 0 : i32
      %dma_start3A_99 = tpu.memref_slice %arg4[%dma_start3A_97, %dma_start3A_98] : memref<10112x128xf32, #tpu.memory_space<hbm>> -> memref<10112x128xf32, #tpu.memory_space<hbm>>
      tpu.enqueue_indirect_dma source(%dma_start3A_99 : memref<10112x128xf32, #tpu.memory_space<hbm>>) target(%arg13 : memref<128x128xf32, #tpu.memory_space<vmem>>) offsets(%arg7 : memref<128xi32, #tpu.memory_space<vmem>>) semaphore(%arg23 : memref<!tpu.dma_semaphore, #tpu.memory_space<semaphore_mem>>)
      %dma_wait3A_100 = arith.constant 0 : i32
      %dma_wait3A_101 = arith.constant 0 : i32
      %dma_wait3A_102 = tpu.memref_slice %arg4[%dma_wait3A_100, %dma_wait3A_101] : memref<10112x128xf32, #tpu.memory_space<hbm>> -> memref<10112x128xf32, #tpu.memory_space<hbm>>
      tpu.wait_indirect_dma semaphore(%arg24 : memref<!tpu.dma_semaphore, #tpu.memory_space<semaphore_mem>>) src(%dma_wait3A_102 : memref<10112x128xf32, #tpu.memory_space<hbm>>) dst(%arg14 : memref<128x128xf32, #tpu.memory_space<vmem>>)
      %dma_wait3A_103 = tpu.memref_slice %arg3[%mul3A_7] : memref<331776xi32, #tpu.memory_space<hbm>> -> memref<128xi32, #tpu.memory_space<hbm>>
      %dma_wait3A_104 = tpu.memref_slice %arg3[%mul3A_7] : memref<331776xi32, #tpu.memory_space<hbm>> -> memref<128xi32, #tpu.memory_space<hbm>>
      tpu.wait_dma2 semaphore(%arg21 : memref<!tpu.dma_semaphore, #tpu.memory_space<semaphore_mem>>) src(%dma_wait3A_104 : memref<128xi32, #tpu.memory_space<hbm>>) dst(%arg11 : memref<128xi32, #tpu.memory_space<vmem>>)
      "tpu.region"() ({
        %run_scoped3A = tpu.sem_alloc : memref<!tpu.dma_semaphore, #tpu.memory_space<semaphore_mem>>
        %dma_start3A_131 = arith.constant 0 : i32
        %dma_start3A_132 = arith.constant 0 : i32
        %dma_start3A_133 = tpu.memref_slice %arg16[%dma_start3A_131, %dma_start3A_132] : memref<10112x128xf32, #tpu.memory_space<vmem_shared>> -> memref<10112x128xf32, #tpu.memory_space<vmem_shared>>
        tpu.enqueue_indirect_dma source(%arg14 : memref<128x128xf32, #tpu.memory_space<vmem>>) target(%dma_start3A_133 : memref<10112x128xf32, #tpu.memory_space<vmem_shared>>) offsets(%arg11 : memref<128xi32, #tpu.memory_space<vmem>>) semaphore(%run_scoped3A : memref<!tpu.dma_semaphore, #tpu.memory_space<semaphore_mem>>) {add = true}
        %dma_wait3A_134 = arith.constant 0 : i32
        %dma_wait3A_135 = arith.constant 0 : i32
        %dma_wait3A_136 = tpu.memref_slice %arg16[%dma_wait3A_134, %dma_wait3A_135] : memref<10112x128xf32, #tpu.memory_space<vmem_shared>> -> memref<10112x128xf32, #tpu.memory_space<vmem_shared>>
        tpu.wait_indirect_dma semaphore(%run_scoped3A : memref<!tpu.dma_semaphore, #tpu.memory_space<semaphore_mem>>) src(%arg14 : memref<128x128xf32, #tpu.memory_space<vmem>>) dst(%dma_wait3A_136 : memref<10112x128xf32, #tpu.memory_space<vmem_shared>>)
        tpu.yield
      }) : () -> ()
      %add3A_105 = arith.constant 384 : i32
      %add3A_106 = arith.addi %add3A_94, %add3A_105 : i32
      %min3A_107 = arith.minsi %add3A_106, %sub3A_10 : i32
      %dma_start3A_108 = tpu.memref_slice %arg2[%min3A_107] : memref<331776xi32, #tpu.memory_space<hbm>> -> memref<128xi32, #tpu.memory_space<hbm>>
      %dma_start3A_109 = tpu.memref_slice %arg2[%min3A_107] : memref<331776xi32, #tpu.memory_space<hbm>> -> memref<128xi32, #tpu.memory_space<hbm>>
      tpu.enqueue_dma source(%dma_start3A_109 : memref<128xi32, #tpu.memory_space<hbm>>) target(%arg8 : memref<128xi32, #tpu.memory_space<vmem>>) target_semaphore(%arg18 : memref<!tpu.dma_semaphore, #tpu.memory_space<semaphore_mem>>)
      %dma_start3A_110 = tpu.memref_slice %arg3[%min3A_107] : memref<331776xi32, #tpu.memory_space<hbm>> -> memref<128xi32, #tpu.memory_space<hbm>>
      %dma_start3A_111 = tpu.memref_slice %arg3[%min3A_107] : memref<331776xi32, #tpu.memory_space<hbm>> -> memref<128xi32, #tpu.memory_space<hbm>>
      tpu.enqueue_dma source(%dma_start3A_111 : memref<128xi32, #tpu.memory_space<hbm>>) target(%arg11 : memref<128xi32, #tpu.memory_space<vmem>>) target_semaphore(%arg21 : memref<!tpu.dma_semaphore, #tpu.memory_space<semaphore_mem>>)
      %add3A_112 = arith.constant 256 : i32
      %add3A_113 = arith.addi %add3A_75, %add3A_112 : i32
      %dma_wait3A_114 = tpu.memref_slice %arg2[%mul3A_7] : memref<331776xi32, #tpu.memory_space<hbm>> -> memref<128xi32, #tpu.memory_space<hbm>>
      %dma_wait3A_115 = tpu.memref_slice %arg2[%mul3A_7] : memref<331776xi32, #tpu.memory_space<hbm>> -> memref<128xi32, #tpu.memory_space<hbm>>
      tpu.wait_dma2 semaphore(%arg18 : memref<!tpu.dma_semaphore, #tpu.memory_space<semaphore_mem>>) src(%dma_wait3A_115 : memref<128xi32, #tpu.memory_space<hbm>>) dst(%arg8 : memref<128xi32, #tpu.memory_space<vmem>>)
      %dma_start3A_116 = arith.constant 0 : i32
      %dma_start3A_117 = arith.constant 0 : i32
      %dma_start3A_118 = tpu.memref_slice %arg4[%dma_start3A_116, %dma_start3A_117] : memref<10112x128xf32, #tpu.memory_space<hbm>> -> memref<10112x128xf32, #tpu.memory_space<hbm>>
      tpu.enqueue_indirect_dma source(%dma_start3A_118 : memref<10112x128xf32, #tpu.memory_space<hbm>>) target(%arg14 : memref<128x128xf32, #tpu.memory_space<vmem>>) offsets(%arg8 : memref<128xi32, #tpu.memory_space<vmem>>) semaphore(%arg24 : memref<!tpu.dma_semaphore, #tpu.memory_space<semaphore_mem>>)
      %dma_wait3A_119 = arith.constant 0 : i32
      %dma_wait3A_120 = arith.constant 0 : i32
      %dma_wait3A_121 = tpu.memref_slice %arg4[%dma_wait3A_119, %dma_wait3A_120] : memref<10112x128xf32, #tpu.memory_space<hbm>> -> memref<10112x128xf32, #tpu.memory_space<hbm>>
      tpu.wait_indirect_dma semaphore(%arg25 : memref<!tpu.dma_semaphore, #tpu.memory_space<semaphore_mem>>) src(%dma_wait3A_121 : memref<10112x128xf32, #tpu.memory_space<hbm>>) dst(%arg15 : memref<128x128xf32, #tpu.memory_space<vmem>>)
      %dma_wait3A_122 = tpu.memref_slice %arg3[%mul3A_7] : memref<331776xi32, #tpu.memory_space<hbm>> -> memref<128xi32, #tpu.memory_space<hbm>>
      %dma_wait3A_123 = tpu.memref_slice %arg3[%mul3A_7] : memref<331776xi32, #tpu.memory_space<hbm>> -> memref<128xi32, #tpu.memory_space<hbm>>
      tpu.wait_dma2 semaphore(%arg22 : memref<!tpu.dma_semaphore, #tpu.memory_space<semaphore_mem>>) src(%dma_wait3A_123 : memref<128xi32, #tpu.memory_space<hbm>>) dst(%arg12 : memref<128xi32, #tpu.memory_space<vmem>>)
      "tpu.region"() ({
        %run_scoped3A = tpu.sem_alloc : memref<!tpu.dma_semaphore, #tpu.memory_space<semaphore_mem>>
        %dma_start3A_131 = arith.constant 0 : i32
        %dma_start3A_132 = arith.constant 0 : i32
        %dma_start3A_133 = tpu.memref_slice %arg16[%dma_start3A_131, %dma_start3A_132] : memref<10112x128xf32, #tpu.memory_space<vmem_shared>> -> memref<10112x128xf32, #tpu.memory_space<vmem_shared>>
        tpu.enqueue_indirect_dma source(%arg15 : memref<128x128xf32, #tpu.memory_space<vmem>>) target(%dma_start3A_133 : memref<10112x128xf32, #tpu.memory_space<vmem_shared>>) offsets(%arg12 : memref<128xi32, #tpu.memory_space<vmem>>) semaphore(%run_scoped3A : memref<!tpu.dma_semaphore, #tpu.memory_space<semaphore_mem>>) {add = true}
        %dma_wait3A_134 = arith.constant 0 : i32
        %dma_wait3A_135 = arith.constant 0 : i32
        %dma_wait3A_136 = tpu.memref_slice %arg16[%dma_wait3A_134, %dma_wait3A_135] : memref<10112x128xf32, #tpu.memory_space<vmem_shared>> -> memref<10112x128xf32, #tpu.memory_space<vmem_shared>>
        tpu.wait_indirect_dma semaphore(%run_scoped3A : memref<!tpu.dma_semaphore, #tpu.memory_space<semaphore_mem>>) src(%arg15 : memref<128x128xf32, #tpu.memory_space<vmem>>) dst(%dma_wait3A_136 : memref<10112x128xf32, #tpu.memory_space<vmem_shared>>)
        tpu.yield
      }) : () -> ()
      %add3A_124 = arith.constant 384 : i32
      %add3A_125 = arith.addi %add3A_113, %add3A_124 : i32
      %min3A_126 = arith.minsi %add3A_125, %sub3A_10 : i32
      %dma_start3A_127 = tpu.memref_slice %arg2[%min3A_126] : memref<331776xi32, #tpu.memory_space<hbm>> -> memref<128xi32, #tpu.memory_space<hbm>>
      %dma_start3A_128 = tpu.memref_slice %arg2[%min3A_126] : memref<331776xi32, #tpu.memory_space<hbm>> -> memref<128xi32, #tpu.memory_space<hbm>>
      tpu.enqueue_dma source(%dma_start3A_128 : memref<128xi32, #tpu.memory_space<hbm>>) target(%arg9 : memref<128xi32, #tpu.memory_space<vmem>>) target_semaphore(%arg19 : memref<!tpu.dma_semaphore, #tpu.memory_space<semaphore_mem>>)
      %dma_start3A_129 = tpu.memref_slice %arg3[%min3A_126] : memref<331776xi32, #tpu.memory_space<hbm>> -> memref<128xi32, #tpu.memory_space<hbm>>
      %dma_start3A_130 = tpu.memref_slice %arg3[%min3A_126] : memref<331776xi32, #tpu.memory_space<hbm>> -> memref<128xi32, #tpu.memory_space<hbm>>
      tpu.enqueue_dma source(%dma_start3A_130 : memref<128xi32, #tpu.memory_space<hbm>>) target(%arg12 : memref<128xi32, #tpu.memory_space<vmem>>) target_semaphore(%arg22 : memref<!tpu.dma_semaphore, #tpu.memory_space<semaphore_mem>>)
    }
    %scan3A_47 = arith.constant 27 : i32
    %dma_wait3A_48 = tpu.memref_slice %arg2[%mul3A_7] : memref<331776xi32, #tpu.memory_space<hbm>> -> memref<128xi32, #tpu.memory_space<hbm>>
    %dma_wait3A_49 = tpu.memref_slice %arg2[%mul3A_7] : memref<331776xi32, #tpu.memory_space<hbm>> -> memref<128xi32, #tpu.memory_space<hbm>>
    tpu.wait_dma2 semaphore(%arg19 : memref<!tpu.dma_semaphore, #tpu.memory_space<semaphore_mem>>) src(%dma_wait3A_49 : memref<128xi32, #tpu.memory_space<hbm>>) dst(%arg9 : memref<128xi32, #tpu.memory_space<vmem>>)
    %dma_wait3A_50 = tpu.memref_slice %arg3[%mul3A_7] : memref<331776xi32, #tpu.memory_space<hbm>> -> memref<128xi32, #tpu.memory_space<hbm>>
    %dma_wait3A_51 = tpu.memref_slice %arg3[%mul3A_7] : memref<331776xi32, #tpu.memory_space<hbm>> -> memref<128xi32, #tpu.memory_space<hbm>>
    tpu.wait_dma2 semaphore(%arg20 : memref<!tpu.dma_semaphore, #tpu.memory_space<semaphore_mem>>) src(%dma_wait3A_51 : memref<128xi32, #tpu.memory_space<hbm>>) dst(%arg10 : memref<128xi32, #tpu.memory_space<vmem>>)
    %dma_wait3A_52 = tpu.memref_slice %arg3[%mul3A_7] : memref<331776xi32, #tpu.memory_space<hbm>> -> memref<128xi32, #tpu.memory_space<hbm>>
    %dma_wait3A_53 = tpu.memref_slice %arg3[%mul3A_7] : memref<331776xi32, #tpu.memory_space<hbm>> -> memref<128xi32, #tpu.memory_space<hbm>>
    tpu.wait_dma2 semaphore(%arg21 : memref<!tpu.dma_semaphore, #tpu.memory_space<semaphore_mem>>) src(%dma_wait3A_53 : memref<128xi32, #tpu.memory_space<hbm>>) dst(%arg11 : memref<128xi32, #tpu.memory_space<vmem>>)
    %dma_wait3A_54 = tpu.memref_slice %arg3[%mul3A_7] : memref<331776xi32, #tpu.memory_space<hbm>> -> memref<128xi32, #tpu.memory_space<hbm>>
    %dma_wait3A_55 = tpu.memref_slice %arg3[%mul3A_7] : memref<331776xi32, #tpu.memory_space<hbm>> -> memref<128xi32, #tpu.memory_space<hbm>>
    tpu.wait_dma2 semaphore(%arg22 : memref<!tpu.dma_semaphore, #tpu.memory_space<semaphore_mem>>) src(%dma_wait3A_55 : memref<128xi32, #tpu.memory_space<hbm>>) dst(%arg12 : memref<128xi32, #tpu.memory_space<vmem>>)
    %dma_wait3A_56 = arith.constant 0 : i32
    %dma_wait3A_57 = arith.constant 0 : i32
    %dma_wait3A_58 = tpu.memref_slice %arg4[%dma_wait3A_56, %dma_wait3A_57] : memref<10112x128xf32, #tpu.memory_space<hbm>> -> memref<10112x128xf32, #tpu.memory_space<hbm>>
    tpu.wait_indirect_dma semaphore(%arg23 : memref<!tpu.dma_semaphore, #tpu.memory_space<semaphore_mem>>) src(%dma_wait3A_58 : memref<10112x128xf32, #tpu.memory_space<hbm>>) dst(%arg13 : memref<128x128xf32, #tpu.memory_space<vmem>>)
    %dma_wait3A_59 = arith.constant 0 : i32
    %dma_wait3A_60 = arith.constant 0 : i32
    %dma_wait3A_61 = tpu.memref_slice %arg4[%dma_wait3A_59, %dma_wait3A_60] : memref<10112x128xf32, #tpu.memory_space<hbm>> -> memref<10112x128xf32, #tpu.memory_space<hbm>>
    tpu.wait_indirect_dma semaphore(%arg24 : memref<!tpu.dma_semaphore, #tpu.memory_space<semaphore_mem>>) src(%dma_wait3A_61 : memref<10112x128xf32, #tpu.memory_space<hbm>>) dst(%arg14 : memref<128x128xf32, #tpu.memory_space<vmem>>)
    %barrier3A_62 = arith.constant 0 : index
    tpu.barrier barrier_id(%barrier3A_62)
    %mul3A_63 = arith.constant 10112 : i32
    %mul3A_64 = arith.muli %arg0, %mul3A_63 : i32
    %add3A_65 = arith.addi %mul3A_64, %mul3A_2 : i32
    "tpu.region"() ({
      %run_scoped3A = tpu.sem_alloc : memref<!tpu.dma_semaphore, #tpu.memory_space<semaphore_mem>>
      %dma_start3A_66 = arith.constant 0 : i32
      %dma_start3A_67 = tpu.memref_slice %arg6[%add3A_65, %dma_start3A_66] : memref<20224x128xf32, #tpu.memory_space<hbm>> -> memref<632x128xf32, #tpu.memory_space<hbm>>
      %dma_start3A_68 = arith.constant 0 : i32
      %dma_start3A_69 = tpu.memref_slice %arg16[%mul3A_2, %dma_start3A_68] : memref<10112x128xf32, #tpu.memory_space<vmem_shared>> -> memref<632x128xf32, #tpu.memory_space<vmem_shared>>
      tpu.enqueue_dma source(%dma_start3A_69 : memref<632x128xf32, #tpu.memory_space<vmem_shared>>) target(%dma_start3A_67 : memref<632x128xf32, #tpu.memory_space<hbm>>) target_semaphore(%run_scoped3A : memref<!tpu.dma_semaphore, #tpu.memory_space<semaphore_mem>>)
      %dma_wait3A_70 = arith.constant 0 : i32
      %dma_wait3A_71 = tpu.memref_slice %arg6[%add3A_65, %dma_wait3A_70] : memref<20224x128xf32, #tpu.memory_space<hbm>> -> memref<632x128xf32, #tpu.memory_space<hbm>>
      %dma_wait3A_72 = arith.constant 0 : i32
      %dma_wait3A_73 = tpu.memref_slice %arg16[%mul3A_2, %dma_wait3A_72] : memref<10112x128xf32, #tpu.memory_space<vmem_shared>> -> memref<632x128xf32, #tpu.memory_space<vmem_shared>>
      tpu.wait_dma2 semaphore(%run_scoped3A : memref<!tpu.dma_semaphore, #tpu.memory_space<semaphore_mem>>) src(%dma_wait3A_73 : memref<632x128xf32, #tpu.memory_space<vmem_shared>>) dst(%dma_wait3A_71 : memref<632x128xf32, #tpu.memory_space<hbm>>)
      tpu.yield
    }) : () -> ()
    return
  }
}

#map = affine_map<(d0, d1) -> (0)>
#map1 = affine_map<(d0, d1) -> (0, 0)>
module attributes {stable_mosaic.version = 14 : i64} {
  func.func @_sc_agg(%arg0: i32, %arg1: i32, %arg2: memref<331776xi32, #tpu.memory_space<hbm>>, %arg3: memref<331776xi32, #tpu.memory_space<hbm>>, %arg4: memref<10112x128xf32, #tpu.memory_space<hbm>>, %arg5: memref<10112x128xf32, #tpu.memory_space<hbm>>, %arg6: memref<20224x128xf32, #tpu.memory_space<hbm>>, %arg7: memref<128xi32, #tpu.memory_space<vmem>>, %arg8: memref<128xi32, #tpu.memory_space<vmem>>, %arg9: memref<128xi32, #tpu.memory_space<vmem>>, %arg10: memref<128xi32, #tpu.memory_space<vmem>>, %arg11: memref<128xi32, #tpu.memory_space<vmem>>, %arg12: memref<128xi32, #tpu.memory_space<vmem>>, %arg13: memref<128x128xf32, #tpu.memory_space<vmem>>, %arg14: memref<128x128xf32, #tpu.memory_space<vmem>>, %arg15: memref<128x128xf32, #tpu.memory_space<vmem>>, %arg16: memref<10112x128xf32, #tpu.memory_space<vmem_shared>>, %arg17: memref<!tpu.dma_semaphore, #tpu.memory_space<semaphore_mem>>, %arg18: memref<!tpu.dma_semaphore, #tpu.memory_space<semaphore_mem>>, %arg19: memref<!tpu.dma_semaphore, #tpu.memory_space<semaphore_mem>>, %arg20: memref<!tpu.dma_semaphore, #tpu.memory_space<semaphore_mem>>, %arg21: memref<!tpu.dma_semaphore, #tpu.memory_space<semaphore_mem>>, %arg22: memref<!tpu.dma_semaphore, #tpu.memory_space<semaphore_mem>>, %arg23: memref<!tpu.dma_semaphore, #tpu.memory_space<semaphore_mem>>, %arg24: memref<!tpu.dma_semaphore, #tpu.memory_space<semaphore_mem>>, %arg25: memref<!tpu.dma_semaphore, #tpu.memory_space<semaphore_mem>>, %arg26: memref<!tpu.dma_semaphore, #tpu.memory_space<semaphore_mem>>) attributes {dimension_semantics = [#tpu.dimension_semantics<core_parallel>, #tpu.dimension_semantics<subcore_parallel>], iteration_bounds = array<i64: 2, 16>, scalar_prefetch = 0 : i64, scratch_operands = 20 : i64, tpu.core_type = #tpu.core_type<sc_vector_subcore>, window_params = [{transform_indices = #map}, {transform_indices = #map}, {transform_indices = #map1}, {transform_indices = #map1}, {transform_indices = #map1}]} {
    %mul3A = arith.constant 2 : i32
    %mul3A_0 = arith.muli %arg1, %mul3A : i32
    %add3A = arith.addi %mul3A_0, %arg0 : i32
    %mul3A_1 = arith.constant 632 : i32
    %mul3A_2 = arith.muli %arg1, %mul3A_1 : i32
    %dma_start3A = arith.constant 0 : i32
    %dma_start3A_3 = tpu.memref_slice %arg16[%mul3A_2, %dma_start3A] : memref<10112x128xf32, #tpu.memory_space<vmem_shared>> -> memref<632x128xf32, #tpu.memory_space<vmem_shared>>
    %dma_start3A_4 = arith.constant 0 : i32
    %dma_start3A_5 = tpu.memref_slice %arg5[%mul3A_2, %dma_start3A_4] : memref<10112x128xf32, #tpu.memory_space<hbm>> -> memref<632x128xf32, #tpu.memory_space<hbm>>
    tpu.enqueue_dma source(%dma_start3A_5 : memref<632x128xf32, #tpu.memory_space<hbm>>) target(%dma_start3A_3 : memref<632x128xf32, #tpu.memory_space<vmem_shared>>) target_semaphore(%arg26 : memref<!tpu.dma_semaphore, #tpu.memory_space<semaphore_mem>>)
    %mul3A_6 = arith.constant 10368 : i32
    %mul3A_7 = arith.muli %add3A, %mul3A_6 : i32
    %add3A_8 = arith.constant 10368 : i32
    %add3A_9 = arith.addi %mul3A_7, %add3A_8 : i32
    %sub3A = arith.constant 128 : i32
    %sub3A_10 = arith.subi %add3A_9, %sub3A : i32
    %add3A_11 = arith.constant 0 : i32
    %add3A_12 = arith.addi %mul3A_7, %add3A_11 : i32
    %min3A = arith.minsi %add3A_12, %sub3A_10 : i32
    %dma_start3A_13 = tpu.memref_slice %arg2[%min3A] : memref<331776xi32, #tpu.memory_space<hbm>> -> memref<128xi32, #tpu.memory_space<hbm>>
    %dma_start3A_14 = tpu.memref_slice %arg2[%min3A] : memref<331776xi32, #tpu.memory_space<hbm>> -> memref<128xi32, #tpu.memory_space<hbm>>
    tpu.enqueue_dma source(%dma_start3A_14 : memref<128xi32, #tpu.memory_space<hbm>>) target(%arg7 : memref<128xi32, #tpu.memory_space<vmem>>) target_semaphore(%arg17 : memref<!tpu.dma_semaphore, #tpu.memory_space<semaphore_mem>>)
    %dma_start3A_15 = tpu.memref_slice %arg3[%min3A] : memref<331776xi32, #tpu.memory_space<hbm>> -> memref<128xi32, #tpu.memory_space<hbm>>
    %dma_start3A_16 = tpu.memref_slice %arg3[%min3A] : memref<331776xi32, #tpu.memory_space<hbm>> -> memref<128xi32, #tpu.memory_space<hbm>>
    tpu.enqueue_dma source(%dma_start3A_16 : memref<128xi32, #tpu.memory_space<hbm>>) target(%arg10 : memref<128xi32, #tpu.memory_space<vmem>>) target_semaphore(%arg20 : memref<!tpu.dma_semaphore, #tpu.memory_space<semaphore_mem>>)
    %add3A_17 = arith.constant 128 : i32
    %add3A_18 = arith.addi %mul3A_7, %add3A_17 : i32
    %min3A_19 = arith.minsi %add3A_18, %sub3A_10 : i32
    %dma_start3A_20 = tpu.memref_slice %arg2[%min3A_19] : memref<331776xi32, #tpu.memory_space<hbm>> -> memref<128xi32, #tpu.memory_space<hbm>>
    %dma_start3A_21 = tpu.memref_slice %arg2[%min3A_19] : memref<331776xi32, #tpu.memory_space<hbm>> -> memref<128xi32, #tpu.memory_space<hbm>>
    tpu.enqueue_dma source(%dma_start3A_21 : memref<128xi32, #tpu.memory_space<hbm>>) target(%arg8 : memref<128xi32, #tpu.memory_space<vmem>>) target_semaphore(%arg18 : memref<!tpu.dma_semaphore, #tpu.memory_space<semaphore_mem>>)
    %dma_start3A_22 = tpu.memref_slice %arg3[%min3A_19] : memref<331776xi32, #tpu.memory_space<hbm>> -> memref<128xi32, #tpu.memory_space<hbm>>
    %dma_start3A_23 = tpu.memref_slice %arg3[%min3A_19] : memref<331776xi32, #tpu.memory_space<hbm>> -> memref<128xi32, #tpu.memory_space<hbm>>
    tpu.enqueue_dma source(%dma_start3A_23 : memref<128xi32, #tpu.memory_space<hbm>>) target(%arg11 : memref<128xi32, #tpu.memory_space<vmem>>) target_semaphore(%arg21 : memref<!tpu.dma_semaphore, #tpu.memory_space<semaphore_mem>>)
    %add3A_24 = arith.constant 256 : i32
    %add3A_25 = arith.addi %mul3A_7, %add3A_24 : i32
    %min3A_26 = arith.minsi %add3A_25, %sub3A_10 : i32
    %dma_start3A_27 = tpu.memref_slice %arg2[%min3A_26] : memref<331776xi32, #tpu.memory_space<hbm>> -> memref<128xi32, #tpu.memory_space<hbm>>
    %dma_start3A_28 = tpu.memref_slice %arg2[%min3A_26] : memref<331776xi32, #tpu.memory_space<hbm>> -> memref<128xi32, #tpu.memory_space<hbm>>
    tpu.enqueue_dma source(%dma_start3A_28 : memref<128xi32, #tpu.memory_space<hbm>>) target(%arg9 : memref<128xi32, #tpu.memory_space<vmem>>) target_semaphore(%arg19 : memref<!tpu.dma_semaphore, #tpu.memory_space<semaphore_mem>>)
    %dma_start3A_29 = tpu.memref_slice %arg3[%min3A_26] : memref<331776xi32, #tpu.memory_space<hbm>> -> memref<128xi32, #tpu.memory_space<hbm>>
    %dma_start3A_30 = tpu.memref_slice %arg3[%min3A_26] : memref<331776xi32, #tpu.memory_space<hbm>> -> memref<128xi32, #tpu.memory_space<hbm>>
    tpu.enqueue_dma source(%dma_start3A_30 : memref<128xi32, #tpu.memory_space<hbm>>) target(%arg12 : memref<128xi32, #tpu.memory_space<vmem>>) target_semaphore(%arg22 : memref<!tpu.dma_semaphore, #tpu.memory_space<semaphore_mem>>)
    %dma_wait3A = tpu.memref_slice %arg2[%mul3A_7] : memref<331776xi32, #tpu.memory_space<hbm>> -> memref<128xi32, #tpu.memory_space<hbm>>
    %dma_wait3A_31 = tpu.memref_slice %arg2[%mul3A_7] : memref<331776xi32, #tpu.memory_space<hbm>> -> memref<128xi32, #tpu.memory_space<hbm>>
    tpu.wait_dma2 semaphore(%arg17 : memref<!tpu.dma_semaphore, #tpu.memory_space<semaphore_mem>>) src(%dma_wait3A_31 : memref<128xi32, #tpu.memory_space<hbm>>) dst(%arg7 : memref<128xi32, #tpu.memory_space<vmem>>)
    %dma_start3A_32 = arith.constant 0 : i32
    %dma_start3A_33 = arith.constant 0 : i32
    %dma_start3A_34 = tpu.memref_slice %arg4[%dma_start3A_32, %dma_start3A_33] : memref<10112x128xf32, #tpu.memory_space<hbm>> -> memref<10112x128xf32, #tpu.memory_space<hbm>>
    tpu.enqueue_indirect_dma source(%dma_start3A_34 : memref<10112x128xf32, #tpu.memory_space<hbm>>) target(%arg13 : memref<128x128xf32, #tpu.memory_space<vmem>>) offsets(%arg7 : memref<128xi32, #tpu.memory_space<vmem>>) semaphore(%arg23 : memref<!tpu.dma_semaphore, #tpu.memory_space<semaphore_mem>>)
    %dma_wait3A_35 = tpu.memref_slice %arg2[%mul3A_7] : memref<331776xi32, #tpu.memory_space<hbm>> -> memref<128xi32, #tpu.memory_space<hbm>>
    %dma_wait3A_36 = tpu.memref_slice %arg2[%mul3A_7] : memref<331776xi32, #tpu.memory_space<hbm>> -> memref<128xi32, #tpu.memory_space<hbm>>
    tpu.wait_dma2 semaphore(%arg18 : memref<!tpu.dma_semaphore, #tpu.memory_space<semaphore_mem>>) src(%dma_wait3A_36 : memref<128xi32, #tpu.memory_space<hbm>>) dst(%arg8 : memref<128xi32, #tpu.memory_space<vmem>>)
    %dma_start3A_37 = arith.constant 0 : i32
    %dma_start3A_38 = arith.constant 0 : i32
    %dma_start3A_39 = tpu.memref_slice %arg4[%dma_start3A_37, %dma_start3A_38] : memref<10112x128xf32, #tpu.memory_space<hbm>> -> memref<10112x128xf32, #tpu.memory_space<hbm>>
    tpu.enqueue_indirect_dma source(%dma_start3A_39 : memref<10112x128xf32, #tpu.memory_space<hbm>>) target(%arg14 : memref<128x128xf32, #tpu.memory_space<vmem>>) offsets(%arg8 : memref<128xi32, #tpu.memory_space<vmem>>) semaphore(%arg24 : memref<!tpu.dma_semaphore, #tpu.memory_space<semaphore_mem>>)
    %dma_wait3A_40 = arith.constant 0 : i32
    %dma_wait3A_41 = tpu.memref_slice %arg16[%mul3A_2, %dma_wait3A_40] : memref<10112x128xf32, #tpu.memory_space<vmem_shared>> -> memref<632x128xf32, #tpu.memory_space<vmem_shared>>
    %dma_wait3A_42 = arith.constant 0 : i32
    %dma_wait3A_43 = tpu.memref_slice %arg5[%mul3A_2, %dma_wait3A_42] : memref<10112x128xf32, #tpu.memory_space<hbm>> -> memref<632x128xf32, #tpu.memory_space<hbm>>
    tpu.wait_dma2 semaphore(%arg26 : memref<!tpu.dma_semaphore, #tpu.memory_space<semaphore_mem>>) src(%dma_wait3A_43 : memref<632x128xf32, #tpu.memory_space<hbm>>) dst(%dma_wait3A_41 : memref<632x128xf32, #tpu.memory_space<vmem_shared>>)
    %barrier3A = arith.constant 0 : index
    tpu.barrier barrier_id(%barrier3A)
    %scan3A = arith.constant 0 : i32
    %scan3A_44 = arith.constant 27 : i32
    %scan3A_45 = arith.addi %scan3A, %scan3A_44 : i32
    %scan3A_46 = arith.constant 1 : i32
    scf.for %scan3A_66 = %scan3A to %scan3A_45 step %scan3A_46  : i32 {
      %mul3A_67 = arith.constant 1 : i32
      %mul3A_68 = arith.muli %scan3A_66, %mul3A_67 : i32
      %add3A_69 = arith.constant 0 : i32
      %add3A_70 = arith.addi %add3A_69, %mul3A_68 : i32
      %mul3A_71 = arith.constant 3 : i32
      %mul3A_72 = arith.muli %mul3A_71, %add3A_70 : i32
      %mul3A_73 = arith.constant 128 : i32
      %mul3A_74 = arith.muli %mul3A_72, %mul3A_73 : i32
      %add3A_75 = arith.addi %mul3A_7, %mul3A_74 : i32
      %dma_wait3A_76 = tpu.memref_slice %arg2[%mul3A_7] : memref<331776xi32, #tpu.memory_space<hbm>> -> memref<128xi32, #tpu.memory_space<hbm>>
      %dma_wait3A_77 = tpu.memref_slice %arg2[%mul3A_7] : memref<331776xi32, #tpu.memory_space<hbm>> -> memref<128xi32, #tpu.memory_space<hbm>>
      tpu.wait_dma2 semaphore(%arg19 : memref<!tpu.dma_semaphore, #tpu.memory_space<semaphore_mem>>) src(%dma_wait3A_77 : memref<128xi32, #tpu.memory_space<hbm>>) dst(%arg9 : memref<128xi32, #tpu.memory_space<vmem>>)
      %dma_start3A_78 = arith.constant 0 : i32
      %dma_start3A_79 = arith.constant 0 : i32
      %dma_start3A_80 = tpu.memref_slice %arg4[%dma_start3A_78, %dma_start3A_79] : memref<10112x128xf32, #tpu.memory_space<hbm>> -> memref<10112x128xf32, #tpu.memory_space<hbm>>
      tpu.enqueue_indirect_dma source(%dma_start3A_80 : memref<10112x128xf32, #tpu.memory_space<hbm>>) target(%arg15 : memref<128x128xf32, #tpu.memory_space<vmem>>) offsets(%arg9 : memref<128xi32, #tpu.memory_space<vmem>>) semaphore(%arg25 : memref<!tpu.dma_semaphore, #tpu.memory_space<semaphore_mem>>)
      %dma_wait3A_81 = arith.constant 0 : i32
      %dma_wait3A_82 = arith.constant 0 : i32
      %dma_wait3A_83 = tpu.memref_slice %arg4[%dma_wait3A_81, %dma_wait3A_82] : memref<10112x128xf32, #tpu.memory_space<hbm>> -> memref<10112x128xf32, #tpu.memory_space<hbm>>
      tpu.wait_indirect_dma semaphore(%arg23 : memref<!tpu.dma_semaphore, #tpu.memory_space<semaphore_mem>>) src(%dma_wait3A_83 : memref<10112x128xf32, #tpu.memory_space<hbm>>) dst(%arg13 : memref<128x128xf32, #tpu.memory_space<vmem>>)
      %dma_wait3A_84 = tpu.memref_slice %arg3[%mul3A_7] : memref<331776xi32, #tpu.memory_space<hbm>> -> memref<128xi32, #tpu.memory_space<hbm>>
      %dma_wait3A_85 = tpu.memref_slice %arg3[%mul3A_7] : memref<331776xi32, #tpu.memory_space<hbm>> -> memref<128xi32, #tpu.memory_space<hbm>>
      tpu.wait_dma2 semaphore(%arg20 : memref<!tpu.dma_semaphore, #tpu.memory_space<semaphore_mem>>) src(%dma_wait3A_85 : memref<128xi32, #tpu.memory_space<hbm>>) dst(%arg10 : memref<128xi32, #tpu.memory_space<vmem>>)
      "tpu.region"() ({
        %run_scoped3A = tpu.sem_alloc : memref<!tpu.dma_semaphore, #tpu.memory_space<semaphore_mem>>
        %dma_start3A_131 = arith.constant 0 : i32
        %dma_start3A_132 = arith.constant 0 : i32
        %dma_start3A_133 = tpu.memref_slice %arg16[%dma_start3A_131, %dma_start3A_132] : memref<10112x128xf32, #tpu.memory_space<vmem_shared>> -> memref<10112x128xf32, #tpu.memory_space<vmem_shared>>
        tpu.enqueue_indirect_dma source(%arg13 : memref<128x128xf32, #tpu.memory_space<vmem>>) target(%dma_start3A_133 : memref<10112x128xf32, #tpu.memory_space<vmem_shared>>) offsets(%arg10 : memref<128xi32, #tpu.memory_space<vmem>>) semaphore(%run_scoped3A : memref<!tpu.dma_semaphore, #tpu.memory_space<semaphore_mem>>) {add = true}
        %dma_wait3A_134 = arith.constant 0 : i32
        %dma_wait3A_135 = arith.constant 0 : i32
        %dma_wait3A_136 = tpu.memref_slice %arg16[%dma_wait3A_134, %dma_wait3A_135] : memref<10112x128xf32, #tpu.memory_space<vmem_shared>> -> memref<10112x128xf32, #tpu.memory_space<vmem_shared>>
        tpu.wait_indirect_dma semaphore(%run_scoped3A : memref<!tpu.dma_semaphore, #tpu.memory_space<semaphore_mem>>) src(%arg13 : memref<128x128xf32, #tpu.memory_space<vmem>>) dst(%dma_wait3A_136 : memref<10112x128xf32, #tpu.memory_space<vmem_shared>>)
        tpu.yield
      }) : () -> ()
      %add3A_86 = arith.constant 384 : i32
      %add3A_87 = arith.addi %add3A_75, %add3A_86 : i32
      %min3A_88 = arith.minsi %add3A_87, %sub3A_10 : i32
      %dma_start3A_89 = tpu.memref_slice %arg2[%min3A_88] : memref<331776xi32, #tpu.memory_space<hbm>> -> memref<128xi32, #tpu.memory_space<hbm>>
      %dma_start3A_90 = tpu.memref_slice %arg2[%min3A_88] : memref<331776xi32, #tpu.memory_space<hbm>> -> memref<128xi32, #tpu.memory_space<hbm>>
      tpu.enqueue_dma source(%dma_start3A_90 : memref<128xi32, #tpu.memory_space<hbm>>) target(%arg7 : memref<128xi32, #tpu.memory_space<vmem>>) target_semaphore(%arg17 : memref<!tpu.dma_semaphore, #tpu.memory_space<semaphore_mem>>)
      %dma_start3A_91 = tpu.memref_slice %arg3[%min3A_88] : memref<331776xi32, #tpu.memory_space<hbm>> -> memref<128xi32, #tpu.memory_space<hbm>>
      %dma_start3A_92 = tpu.memref_slice %arg3[%min3A_88] : memref<331776xi32, #tpu.memory_space<hbm>> -> memref<128xi32, #tpu.memory_space<hbm>>
      tpu.enqueue_dma source(%dma_start3A_92 : memref<128xi32, #tpu.memory_space<hbm>>) target(%arg10 : memref<128xi32, #tpu.memory_space<vmem>>) target_semaphore(%arg20 : memref<!tpu.dma_semaphore, #tpu.memory_space<semaphore_mem>>)
      %add3A_93 = arith.constant 128 : i32
      %add3A_94 = arith.addi %add3A_75, %add3A_93 : i32
      %dma_wait3A_95 = tpu.memref_slice %arg2[%mul3A_7] : memref<331776xi32, #tpu.memory_space<hbm>> -> memref<128xi32, #tpu.memory_space<hbm>>
      %dma_wait3A_96 = tpu.memref_slice %arg2[%mul3A_7] : memref<331776xi32, #tpu.memory_space<hbm>> -> memref<128xi32, #tpu.memory_space<hbm>>
      tpu.wait_dma2 semaphore(%arg17 : memref<!tpu.dma_semaphore, #tpu.memory_space<semaphore_mem>>) src(%dma_wait3A_96 : memref<128xi32, #tpu.memory_space<hbm>>) dst(%arg7 : memref<128xi32, #tpu.memory_space<vmem>>)
      %dma_start3A_97 = arith.constant 0 : i32
      %dma_start3A_98 = arith.constant 0 : i32
      %dma_start3A_99 = tpu.memref_slice %arg4[%dma_start3A_97, %dma_start3A_98] : memref<10112x128xf32, #tpu.memory_space<hbm>> -> memref<10112x128xf32, #tpu.memory_space<hbm>>
      tpu.enqueue_indirect_dma source(%dma_start3A_99 : memref<10112x128xf32, #tpu.memory_space<hbm>>) target(%arg13 : memref<128x128xf32, #tpu.memory_space<vmem>>) offsets(%arg7 : memref<128xi32, #tpu.memory_space<vmem>>) semaphore(%arg23 : memref<!tpu.dma_semaphore, #tpu.memory_space<semaphore_mem>>)
      %dma_wait3A_100 = arith.constant 0 : i32
      %dma_wait3A_101 = arith.constant 0 : i32
      %dma_wait3A_102 = tpu.memref_slice %arg4[%dma_wait3A_100, %dma_wait3A_101] : memref<10112x128xf32, #tpu.memory_space<hbm>> -> memref<10112x128xf32, #tpu.memory_space<hbm>>
      tpu.wait_indirect_dma semaphore(%arg24 : memref<!tpu.dma_semaphore, #tpu.memory_space<semaphore_mem>>) src(%dma_wait3A_102 : memref<10112x128xf32, #tpu.memory_space<hbm>>) dst(%arg14 : memref<128x128xf32, #tpu.memory_space<vmem>>)
      %dma_wait3A_103 = tpu.memref_slice %arg3[%mul3A_7] : memref<331776xi32, #tpu.memory_space<hbm>> -> memref<128xi32, #tpu.memory_space<hbm>>
      %dma_wait3A_104 = tpu.memref_slice %arg3[%mul3A_7] : memref<331776xi32, #tpu.memory_space<hbm>> -> memref<128xi32, #tpu.memory_space<hbm>>
      tpu.wait_dma2 semaphore(%arg21 : memref<!tpu.dma_semaphore, #tpu.memory_space<semaphore_mem>>) src(%dma_wait3A_104 : memref<128xi32, #tpu.memory_space<hbm>>) dst(%arg11 : memref<128xi32, #tpu.memory_space<vmem>>)
      "tpu.region"() ({
        %run_scoped3A = tpu.sem_alloc : memref<!tpu.dma_semaphore, #tpu.memory_space<semaphore_mem>>
        %dma_start3A_131 = arith.constant 0 : i32
        %dma_start3A_132 = arith.constant 0 : i32
        %dma_start3A_133 = tpu.memref_slice %arg16[%dma_start3A_131, %dma_start3A_132] : memref<10112x128xf32, #tpu.memory_space<vmem_shared>> -> memref<10112x128xf32, #tpu.memory_space<vmem_shared>>
        tpu.enqueue_indirect_dma source(%arg14 : memref<128x128xf32, #tpu.memory_space<vmem>>) target(%dma_start3A_133 : memref<10112x128xf32, #tpu.memory_space<vmem_shared>>) offsets(%arg11 : memref<128xi32, #tpu.memory_space<vmem>>) semaphore(%run_scoped3A : memref<!tpu.dma_semaphore, #tpu.memory_space<semaphore_mem>>) {add = true}
        %dma_wait3A_134 = arith.constant 0 : i32
        %dma_wait3A_135 = arith.constant 0 : i32
        %dma_wait3A_136 = tpu.memref_slice %arg16[%dma_wait3A_134, %dma_wait3A_135] : memref<10112x128xf32, #tpu.memory_space<vmem_shared>> -> memref<10112x128xf32, #tpu.memory_space<vmem_shared>>
        tpu.wait_indirect_dma semaphore(%run_scoped3A : memref<!tpu.dma_semaphore, #tpu.memory_space<semaphore_mem>>) src(%arg14 : memref<128x128xf32, #tpu.memory_space<vmem>>) dst(%dma_wait3A_136 : memref<10112x128xf32, #tpu.memory_space<vmem_shared>>)
        tpu.yield
      }) : () -> ()
      %add3A_105 = arith.constant 384 : i32
      %add3A_106 = arith.addi %add3A_94, %add3A_105 : i32
      %min3A_107 = arith.minsi %add3A_106, %sub3A_10 : i32
      %dma_start3A_108 = tpu.memref_slice %arg2[%min3A_107] : memref<331776xi32, #tpu.memory_space<hbm>> -> memref<128xi32, #tpu.memory_space<hbm>>
      %dma_start3A_109 = tpu.memref_slice %arg2[%min3A_107] : memref<331776xi32, #tpu.memory_space<hbm>> -> memref<128xi32, #tpu.memory_space<hbm>>
      tpu.enqueue_dma source(%dma_start3A_109 : memref<128xi32, #tpu.memory_space<hbm>>) target(%arg8 : memref<128xi32, #tpu.memory_space<vmem>>) target_semaphore(%arg18 : memref<!tpu.dma_semaphore, #tpu.memory_space<semaphore_mem>>)
      %dma_start3A_110 = tpu.memref_slice %arg3[%min3A_107] : memref<331776xi32, #tpu.memory_space<hbm>> -> memref<128xi32, #tpu.memory_space<hbm>>
      %dma_start3A_111 = tpu.memref_slice %arg3[%min3A_107] : memref<331776xi32, #tpu.memory_space<hbm>> -> memref<128xi32, #tpu.memory_space<hbm>>
      tpu.enqueue_dma source(%dma_start3A_111 : memref<128xi32, #tpu.memory_space<hbm>>) target(%arg11 : memref<128xi32, #tpu.memory_space<vmem>>) target_semaphore(%arg21 : memref<!tpu.dma_semaphore, #tpu.memory_space<semaphore_mem>>)
      %add3A_112 = arith.constant 256 : i32
      %add3A_113 = arith.addi %add3A_75, %add3A_112 : i32
      %dma_wait3A_114 = tpu.memref_slice %arg2[%mul3A_7] : memref<331776xi32, #tpu.memory_space<hbm>> -> memref<128xi32, #tpu.memory_space<hbm>>
      %dma_wait3A_115 = tpu.memref_slice %arg2[%mul3A_7] : memref<331776xi32, #tpu.memory_space<hbm>> -> memref<128xi32, #tpu.memory_space<hbm>>
      tpu.wait_dma2 semaphore(%arg18 : memref<!tpu.dma_semaphore, #tpu.memory_space<semaphore_mem>>) src(%dma_wait3A_115 : memref<128xi32, #tpu.memory_space<hbm>>) dst(%arg8 : memref<128xi32, #tpu.memory_space<vmem>>)
      %dma_start3A_116 = arith.constant 0 : i32
      %dma_start3A_117 = arith.constant 0 : i32
      %dma_start3A_118 = tpu.memref_slice %arg4[%dma_start3A_116, %dma_start3A_117] : memref<10112x128xf32, #tpu.memory_space<hbm>> -> memref<10112x128xf32, #tpu.memory_space<hbm>>
      tpu.enqueue_indirect_dma source(%dma_start3A_118 : memref<10112x128xf32, #tpu.memory_space<hbm>>) target(%arg14 : memref<128x128xf32, #tpu.memory_space<vmem>>) offsets(%arg8 : memref<128xi32, #tpu.memory_space<vmem>>) semaphore(%arg24 : memref<!tpu.dma_semaphore, #tpu.memory_space<semaphore_mem>>)
      %dma_wait3A_119 = arith.constant 0 : i32
      %dma_wait3A_120 = arith.constant 0 : i32
      %dma_wait3A_121 = tpu.memref_slice %arg4[%dma_wait3A_119, %dma_wait3A_120] : memref<10112x128xf32, #tpu.memory_space<hbm>> -> memref<10112x128xf32, #tpu.memory_space<hbm>>
      tpu.wait_indirect_dma semaphore(%arg25 : memref<!tpu.dma_semaphore, #tpu.memory_space<semaphore_mem>>) src(%dma_wait3A_121 : memref<10112x128xf32, #tpu.memory_space<hbm>>) dst(%arg15 : memref<128x128xf32, #tpu.memory_space<vmem>>)
      %dma_wait3A_122 = tpu.memref_slice %arg3[%mul3A_7] : memref<331776xi32, #tpu.memory_space<hbm>> -> memref<128xi32, #tpu.memory_space<hbm>>
      %dma_wait3A_123 = tpu.memref_slice %arg3[%mul3A_7] : memref<331776xi32, #tpu.memory_space<hbm>> -> memref<128xi32, #tpu.memory_space<hbm>>
      tpu.wait_dma2 semaphore(%arg22 : memref<!tpu.dma_semaphore, #tpu.memory_space<semaphore_mem>>) src(%dma_wait3A_123 : memref<128xi32, #tpu.memory_space<hbm>>) dst(%arg12 : memref<128xi32, #tpu.memory_space<vmem>>)
      "tpu.region"() ({
        %run_scoped3A = tpu.sem_alloc : memref<!tpu.dma_semaphore, #tpu.memory_space<semaphore_mem>>
        %dma_start3A_131 = arith.constant 0 : i32
        %dma_start3A_132 = arith.constant 0 : i32
        %dma_start3A_133 = tpu.memref_slice %arg16[%dma_start3A_131, %dma_start3A_132] : memref<10112x128xf32, #tpu.memory_space<vmem_shared>> -> memref<10112x128xf32, #tpu.memory_space<vmem_shared>>
        tpu.enqueue_indirect_dma source(%arg15 : memref<128x128xf32, #tpu.memory_space<vmem>>) target(%dma_start3A_133 : memref<10112x128xf32, #tpu.memory_space<vmem_shared>>) offsets(%arg12 : memref<128xi32, #tpu.memory_space<vmem>>) semaphore(%run_scoped3A : memref<!tpu.dma_semaphore, #tpu.memory_space<semaphore_mem>>) {add = true}
        %dma_wait3A_134 = arith.constant 0 : i32
        %dma_wait3A_135 = arith.constant 0 : i32
        %dma_wait3A_136 = tpu.memref_slice %arg16[%dma_wait3A_134, %dma_wait3A_135] : memref<10112x128xf32, #tpu.memory_space<vmem_shared>> -> memref<10112x128xf32, #tpu.memory_space<vmem_shared>>
        tpu.wait_indirect_dma semaphore(%run_scoped3A : memref<!tpu.dma_semaphore, #tpu.memory_space<semaphore_mem>>) src(%arg15 : memref<128x128xf32, #tpu.memory_space<vmem>>) dst(%dma_wait3A_136 : memref<10112x128xf32, #tpu.memory_space<vmem_shared>>)
        tpu.yield
      }) : () -> ()
      %add3A_124 = arith.constant 384 : i32
      %add3A_125 = arith.addi %add3A_113, %add3A_124 : i32
      %min3A_126 = arith.minsi %add3A_125, %sub3A_10 : i32
      %dma_start3A_127 = tpu.memref_slice %arg2[%min3A_126] : memref<331776xi32, #tpu.memory_space<hbm>> -> memref<128xi32, #tpu.memory_space<hbm>>
      %dma_start3A_128 = tpu.memref_slice %arg2[%min3A_126] : memref<331776xi32, #tpu.memory_space<hbm>> -> memref<128xi32, #tpu.memory_space<hbm>>
      tpu.enqueue_dma source(%dma_start3A_128 : memref<128xi32, #tpu.memory_space<hbm>>) target(%arg9 : memref<128xi32, #tpu.memory_space<vmem>>) target_semaphore(%arg19 : memref<!tpu.dma_semaphore, #tpu.memory_space<semaphore_mem>>)
      %dma_start3A_129 = tpu.memref_slice %arg3[%min3A_126] : memref<331776xi32, #tpu.memory_space<hbm>> -> memref<128xi32, #tpu.memory_space<hbm>>
      %dma_start3A_130 = tpu.memref_slice %arg3[%min3A_126] : memref<331776xi32, #tpu.memory_space<hbm>> -> memref<128xi32, #tpu.memory_space<hbm>>
      tpu.enqueue_dma source(%dma_start3A_130 : memref<128xi32, #tpu.memory_space<hbm>>) target(%arg12 : memref<128xi32, #tpu.memory_space<vmem>>) target_semaphore(%arg22 : memref<!tpu.dma_semaphore, #tpu.memory_space<semaphore_mem>>)
    }
    %scan3A_47 = arith.constant 27 : i32
    %dma_wait3A_48 = tpu.memref_slice %arg2[%mul3A_7] : memref<331776xi32, #tpu.memory_space<hbm>> -> memref<128xi32, #tpu.memory_space<hbm>>
    %dma_wait3A_49 = tpu.memref_slice %arg2[%mul3A_7] : memref<331776xi32, #tpu.memory_space<hbm>> -> memref<128xi32, #tpu.memory_space<hbm>>
    tpu.wait_dma2 semaphore(%arg19 : memref<!tpu.dma_semaphore, #tpu.memory_space<semaphore_mem>>) src(%dma_wait3A_49 : memref<128xi32, #tpu.memory_space<hbm>>) dst(%arg9 : memref<128xi32, #tpu.memory_space<vmem>>)
    %dma_wait3A_50 = tpu.memref_slice %arg3[%mul3A_7] : memref<331776xi32, #tpu.memory_space<hbm>> -> memref<128xi32, #tpu.memory_space<hbm>>
    %dma_wait3A_51 = tpu.memref_slice %arg3[%mul3A_7] : memref<331776xi32, #tpu.memory_space<hbm>> -> memref<128xi32, #tpu.memory_space<hbm>>
    tpu.wait_dma2 semaphore(%arg20 : memref<!tpu.dma_semaphore, #tpu.memory_space<semaphore_mem>>) src(%dma_wait3A_51 : memref<128xi32, #tpu.memory_space<hbm>>) dst(%arg10 : memref<128xi32, #tpu.memory_space<vmem>>)
    %dma_wait3A_52 = tpu.memref_slice %arg3[%mul3A_7] : memref<331776xi32, #tpu.memory_space<hbm>> -> memref<128xi32, #tpu.memory_space<hbm>>
    %dma_wait3A_53 = tpu.memref_slice %arg3[%mul3A_7] : memref<331776xi32, #tpu.memory_space<hbm>> -> memref<128xi32, #tpu.memory_space<hbm>>
    tpu.wait_dma2 semaphore(%arg21 : memref<!tpu.dma_semaphore, #tpu.memory_space<semaphore_mem>>) src(%dma_wait3A_53 : memref<128xi32, #tpu.memory_space<hbm>>) dst(%arg11 : memref<128xi32, #tpu.memory_space<vmem>>)
    %dma_wait3A_54 = tpu.memref_slice %arg3[%mul3A_7] : memref<331776xi32, #tpu.memory_space<hbm>> -> memref<128xi32, #tpu.memory_space<hbm>>
    %dma_wait3A_55 = tpu.memref_slice %arg3[%mul3A_7] : memref<331776xi32, #tpu.memory_space<hbm>> -> memref<128xi32, #tpu.memory_space<hbm>>
    tpu.wait_dma2 semaphore(%arg22 : memref<!tpu.dma_semaphore, #tpu.memory_space<semaphore_mem>>) src(%dma_wait3A_55 : memref<128xi32, #tpu.memory_space<hbm>>) dst(%arg12 : memref<128xi32, #tpu.memory_space<vmem>>)
    %dma_wait3A_56 = arith.constant 0 : i32
    %dma_wait3A_57 = arith.constant 0 : i32
    %dma_wait3A_58 = tpu.memref_slice %arg4[%dma_wait3A_56, %dma_wait3A_57] : memref<10112x128xf32, #tpu.memory_space<hbm>> -> memref<10112x128xf32, #tpu.memory_space<hbm>>
    tpu.wait_indirect_dma semaphore(%arg23 : memref<!tpu.dma_semaphore, #tpu.memory_space<semaphore_mem>>) src(%dma_wait3A_58 : memref<10112x128xf32, #tpu.memory_space<hbm>>) dst(%arg13 : memref<128x128xf32, #tpu.memory_space<vmem>>)
    %dma_wait3A_59 = arith.constant 0 : i32
    %dma_wait3A_60 = arith.constant 0 : i32
    %dma_wait3A_61 = tpu.memref_slice %arg4[%dma_wait3A_59, %dma_wait3A_60] : memref<10112x128xf32, #tpu.memory_space<hbm>> -> memref<10112x128xf32, #tpu.memory_space<hbm>>
    tpu.wait_indirect_dma semaphore(%arg24 : memref<!tpu.dma_semaphore, #tpu.memory_space<semaphore_mem>>) src(%dma_wait3A_61 : memref<10112x128xf32, #tpu.memory_space<hbm>>) dst(%arg14 : memref<128x128xf32, #tpu.memory_space<vmem>>)
    %barrier3A_62 = arith.constant 0 : index
    tpu.barrier barrier_id(%barrier3A_62)
    %mul3A_63 = arith.constant 10112 : i32
    %mul3A_64 = arith.muli %arg0, %mul3A_63 : i32
    %add3A_65 = arith.addi %mul3A_64, %mul3A_2 : i32
    "tpu.region"() ({
      %run_scoped3A = tpu.sem_alloc : memref<!tpu.dma_semaphore, #tpu.memory_space<semaphore_mem>>
      %dma_start3A_66 = arith.constant 0 : i32
      %dma_start3A_67 = tpu.memref_slice %arg6[%add3A_65, %dma_start3A_66] : memref<20224x128xf32, #tpu.memory_space<hbm>> -> memref<632x128xf32, #tpu.memory_space<hbm>>
      %dma_start3A_68 = arith.constant 0 : i32
      %dma_start3A_69 = tpu.memref_slice %arg16[%mul3A_2, %dma_start3A_68] : memref<10112x128xf32, #tpu.memory_space<vmem_shared>> -> memref<632x128xf32, #tpu.memory_space<vmem_shared>>
      tpu.enqueue_dma source(%dma_start3A_69 : memref<632x128xf32, #tpu.memory_space<vmem_shared>>) target(%dma_start3A_67 : memref<632x128xf32, #tpu.memory_space<hbm>>) target_semaphore(%run_scoped3A : memref<!tpu.dma_semaphore, #tpu.memory_space<semaphore_mem>>)
      %dma_wait3A_70 = arith.constant 0 : i32
      %dma_wait3A_71 = tpu.memref_slice %arg6[%add3A_65, %dma_wait3A_70] : memref<20224x128xf32, #tpu.memory_space<hbm>> -> memref<632x128xf32, #tpu.memory_space<hbm>>
      %dma_wait3A_72 = arith.constant 0 : i32
      %dma_wait3A_73 = tpu.memref_slice %arg16[%mul3A_2, %dma_wait3A_72] : memref<10112x128xf32, #tpu.memory_space<vmem_shared>> -> memref<632x128xf32, #tpu.memory_space<vmem_shared>>
      tpu.wait_dma2 semaphore(%run_scoped3A : memref<!tpu.dma_semaphore, #tpu.memory_space<semaphore_mem>>) src(%dma_wait3A_73 : memref<632x128xf32, #tpu.memory_space<vmem_shared>>) dst(%dma_wait3A_71 : memref<632x128xf32, #tpu.memory_space<hbm>>)
      tpu.yield
    }) : () -> ()
    return
  }
}

module attributes {stable_mosaic.version = 14 : i64} {
  func.func @_tc_pre_body(%arg0: i32, %arg1: memref<1264x128xf32, #tpu.memory_space<vmem>>, %arg2: memref<128x128xf32, #tpu.memory_space<vmem>>, %arg3: memref<1x128xf32, #tpu.memory_space<vmem>>, %arg4: memref<1264x128xf32, #tpu.memory_space<vmem>>) attributes {dimension_semantics = [#tpu.dimension_semantics<arbitrary>], iteration_bounds = array<i64: 8>, scalar_prefetch = 0 : i64, scratch_operands = 0 : i64, tpu.core_type = #tpu.core_type<tc>, window_params = [{transform_indices = @transform_0, window_bounds = array<i64: 1264, 128>}, {pipeline_mode = #tpu.pipeline_mode<synchronous>, transform_indices = @transform_1, window_bounds = array<i64: 128, 128>}, {pipeline_mode = #tpu.pipeline_mode<synchronous>, transform_indices = @transform_2, window_bounds = array<i64: 1, 128>}, {transform_indices = @transform_3, window_bounds = array<i64: 1264, 128>}]} {
    %get3A = arith.constant 0 : index
    %get3A_0 = arith.constant 0 : index
    %get3A_1 = vector.load %arg1[%get3A, %get3A_0] : memref<1264x128xf32, #tpu.memory_space<vmem>>, vector<1264x128xf32>
    %get3A_2 = arith.constant 0 : index
    %get3A_3 = arith.constant 0 : index
    %get3A_4 = vector.load %arg2[%get3A_2, %get3A_3] : memref<128x128xf32, #tpu.memory_space<vmem>>, vector<128x128xf32>
    %dot_general3A = arith.constant dense<0.000000e+00> : vector<1264x128xf32>
    %dot_general3A_5 = tpu.matmul %get3A_1, %get3A_4, %dot_general3A {dimension_numbers = #tpu.dot_dimension_numbers<[1], [0], [0], [1], [0, 0, 1, 1], [], []>, transpose_lhs_hint = false} : vector<1264x128xf32>, vector<128x128xf32>, vector<1264x128xf32> -> vector<1264x128xf32>
    %get3A_6 = arith.constant 0 : index
    %get3A_7 = arith.constant 0 : index
    %get3A_8 = vector.load %arg3[%get3A_6, %get3A_7] : memref<1x128xf32, #tpu.memory_space<vmem>>, vector<1x128xf32>
    %add3A = vector.broadcast %get3A_8 : vector<1x128xf32> to vector<1264x128xf32>
    %add3A_9 = arith.addf %dot_general3A_5, %add3A : vector<1264x128xf32>
    %swap3A = arith.constant 0 : index
    %swap3A_10 = arith.constant 0 : index
    %swap3A_11 = vector.load %arg4[%swap3A, %swap3A_10] : memref<1264x128xf32, #tpu.memory_space<vmem>>, vector<1264x128xf32>
    tpu.vector_store %arg4[%swap3A, %swap3A_10], %add3A_9 {strides = array<i32>} : memref<1264x128xf32, #tpu.memory_space<vmem>>, vector<1264x128xf32>,
    return
  }
  func.func @transform_0(%arg0: i32) -> (i32, i32) {
    %c0_i32 = arith.constant 0 : i32
    %c0_i32_0 = arith.constant 0 : i32
    return %arg0, %c0_i32 : i32, i32
  }
  func.func @transform_1(%arg0: i32) -> (i32, i32) {
    %c0_i32 = arith.constant 0 : i32
    %c0_i32_0 = arith.constant 0 : i32
    %c0_i32_1 = arith.constant 0 : i32
    return %c0_i32, %c0_i32_0 : i32, i32
  }
  func.func @transform_2(%arg0: i32) -> (i32, i32) {
    %c0_i32 = arith.constant 0 : i32
    %c0_i32_0 = arith.constant 0 : i32
    %c0_i32_1 = arith.constant 0 : i32
    return %c0_i32, %c0_i32_0 : i32, i32
  }
  func.func @transform_3(%arg0: i32) -> (i32, i32) {
    %c0_i32 = arith.constant 0 : i32
    %c0_i32_0 = arith.constant 0 : i32
    return %arg0, %c0_i32 : i32, i32
  }
}

module attributes {stable_mosaic.version = 14 : i64} {
  func.func @_tc1_body(%arg0: i32, %arg1: memref<1264x128xf32, #tpu.memory_space<vmem>>, %arg2: memref<1264x128xf32, #tpu.memory_space<vmem>>, %arg3: memref<1264x128xf32, #tpu.memory_space<vmem>>, %arg4: memref<1264x1xf32, #tpu.memory_space<vmem>>, %arg5: memref<1264x1xf32, #tpu.memory_space<vmem>>, %arg6: memref<128x128xf32, #tpu.memory_space<vmem>>, %arg7: memref<1264x128xf32, #tpu.memory_space<vmem>>) attributes {dimension_semantics = [#tpu.dimension_semantics<arbitrary>], iteration_bounds = array<i64: 8>, scalar_prefetch = 0 : i64, scratch_operands = 0 : i64, tpu.core_type = #tpu.core_type<tc>, window_params = [{transform_indices = @transform_0, window_bounds = array<i64: 1264, 128>}, {transform_indices = @transform_1, window_bounds = array<i64: 1264, 128>}, {transform_indices = @transform_2, window_bounds = array<i64: 1264, 128>}, {transform_indices = @transform_3, window_bounds = array<i64: 1264, 1>}, {transform_indices = @transform_4, window_bounds = array<i64: 1264, 1>}, {pipeline_mode = #tpu.pipeline_mode<synchronous>, transform_indices = @transform_5, window_bounds = array<i64: 128, 128>}, {transform_indices = @transform_6, window_bounds = array<i64: 1264, 128>}]} {
    %get3A = arith.constant 0 : index
    %get3A_0 = arith.constant 0 : index
    %get3A_1 = vector.load %arg4[%get3A, %get3A_0] : memref<1264x1xf32, #tpu.memory_space<vmem>>, vector<1264x1xf32>
    %get3A_2 = arith.constant 0 : index
    %get3A_3 = arith.constant 0 : index
    %get3A_4 = vector.load %arg5[%get3A_2, %get3A_3] : memref<1264x1xf32, #tpu.memory_space<vmem>>, vector<1264x1xf32>
    %add3A = arith.addf %get3A_1, %get3A_4 : vector<1264x1xf32>
    %max3A = arith.constant 1.000000e+00 : f32
    %max3A_5 = vector.broadcast %max3A : f32 to vector<1264x1xf32>
    %max3A_6 = arith.maximumf %add3A, %max3A_5 : vector<1264x1xf32>
    %get3A_7 = arith.constant 0 : index
    %get3A_8 = arith.constant 0 : index
    %get3A_9 = vector.load %arg2[%get3A_7, %get3A_8] : memref<1264x128xf32, #tpu.memory_space<vmem>>, vector<1264x128xf32>
    %get3A_10 = arith.constant 0 : index
    %get3A_11 = arith.constant 0 : index
    %get3A_12 = vector.load %arg3[%get3A_10, %get3A_11] : memref<1264x128xf32, #tpu.memory_space<vmem>>, vector<1264x128xf32>
    %add3A_13 = arith.addf %get3A_9, %get3A_12 : vector<1264x128xf32>
    %div3A = vector.broadcast %max3A_6 : vector<1264x1xf32> to vector<1264x128xf32>
    %div3A_14 = arith.divf %add3A_13, %div3A : vector<1264x128xf32>
    %get3A_15 = arith.constant 0 : index
    %get3A_16 = arith.constant 0 : index
    %get3A_17 = vector.load %arg1[%get3A_15, %get3A_16] : memref<1264x128xf32, #tpu.memory_space<vmem>>, vector<1264x128xf32>
    %get3A_18 = arith.constant 0 : index
    %get3A_19 = arith.constant 0 : index
    %get3A_20 = vector.load %arg6[%get3A_18, %get3A_19] : memref<128x128xf32, #tpu.memory_space<vmem>>, vector<128x128xf32>
    %dot_general3A = arith.constant dense<0.000000e+00> : vector<1264x128xf32>
    %dot_general3A_21 = tpu.matmul %div3A_14, %get3A_20, %dot_general3A {dimension_numbers = #tpu.dot_dimension_numbers<[1], [0], [0], [1], [0, 0, 1, 1], [], []>, transpose_lhs_hint = false} : vector<1264x128xf32>, vector<128x128xf32>, vector<1264x128xf32> -> vector<1264x128xf32>
    %add3A_22 = arith.addf %get3A_17, %dot_general3A_21 : vector<1264x128xf32>
    %max3A_23 = arith.constant 0.000000e+00 : f32
    %max3A_24 = vector.broadcast %max3A_23 : f32 to vector<1264x128xf32>
    %max3A_25 = arith.maximumf %add3A_22, %max3A_24 : vector<1264x128xf32>
    %swap3A = arith.constant 0 : index
    %swap3A_26 = arith.constant 0 : index
    %swap3A_27 = vector.load %arg7[%swap3A, %swap3A_26] : memref<1264x128xf32, #tpu.memory_space<vmem>>, vector<1264x128xf32>
    tpu.vector_store %arg7[%swap3A, %swap3A_26], %max3A_25 {strides = array<i32>} : memref<1264x128xf32, #tpu.memory_space<vmem>>, vector<1264x128xf32>,
    return
  }
  func.func @transform_0(%arg0: i32) -> (i32, i32) {
    %c0_i32 = arith.constant 0 : i32
    %c0_i32_0 = arith.constant 0 : i32
    return %arg0, %c0_i32 : i32, i32
  }
  func.func @transform_1(%arg0: i32) -> (i32, i32) {
    %c0_i32 = arith.constant 0 : i32
    %c0_i32_0 = arith.constant 0 : i32
    return %arg0, %c0_i32 : i32, i32
  }
  func.func @transform_2(%arg0: i32) -> (i32, i32) {
    %add3A = arith.constant 8 : i32
    %add3A_0 = arith.addi %arg0, %add3A : i32
    %c0_i32 = arith.constant 0 : i32
    %c0_i32_1 = arith.constant 0 : i32
    return %add3A_0, %c0_i32 : i32, i32
  }
  func.func @transform_3(%arg0: i32) -> (i32, i32) {
    %c0_i32 = arith.constant 0 : i32
    %c0_i32_0 = arith.constant 0 : i32
    return %arg0, %c0_i32 : i32, i32
  }
  func.func @transform_4(%arg0: i32) -> (i32, i32) {
    %add3A = arith.constant 8 : i32
    %add3A_0 = arith.addi %arg0, %add3A : i32
    %c0_i32 = arith.constant 0 : i32
    %c0_i32_1 = arith.constant 0 : i32
    return %add3A_0, %c0_i32 : i32, i32
  }
  func.func @transform_5(%arg0: i32) -> (i32, i32) {
    %c0_i32 = arith.constant 0 : i32
    %c0_i32_0 = arith.constant 0 : i32
    %c0_i32_1 = arith.constant 0 : i32
    return %c0_i32, %c0_i32_0 : i32, i32
  }
  func.func @transform_6(%arg0: i32) -> (i32, i32) {
    %c0_i32 = arith.constant 0 : i32
    %c0_i32_0 = arith.constant 0 : i32
    return %arg0, %c0_i32 : i32, i32
  }
}

module attributes {stable_mosaic.version = 14 : i64} {
  func.func @_tc2_body(%arg0: i32, %arg1: memref<1264x128xf32, #tpu.memory_space<vmem>>, %arg2: memref<1264x128xf32, #tpu.memory_space<vmem>>, %arg3: memref<1264x128xf32, #tpu.memory_space<vmem>>, %arg4: memref<1264x1xf32, #tpu.memory_space<vmem>>, %arg5: memref<1264x1xf32, #tpu.memory_space<vmem>>, %arg6: memref<128x128xf32, #tpu.memory_space<vmem>>, %arg7: memref<128x10xf32, #tpu.memory_space<vmem>>, %arg8: memref<1x10xf32, #tpu.memory_space<vmem>>, %arg9: memref<1264x10xf32, #tpu.memory_space<vmem>>) attributes {dimension_semantics = [#tpu.dimension_semantics<arbitrary>], iteration_bounds = array<i64: 8>, scalar_prefetch = 0 : i64, scratch_operands = 0 : i64, tpu.core_type = #tpu.core_type<tc>, window_params = [{transform_indices = @transform_0, window_bounds = array<i64: 1264, 128>}, {transform_indices = @transform_1, window_bounds = array<i64: 1264, 128>}, {transform_indices = @transform_2, window_bounds = array<i64: 1264, 128>}, {transform_indices = @transform_3, window_bounds = array<i64: 1264, 1>}, {transform_indices = @transform_4, window_bounds = array<i64: 1264, 1>}, {pipeline_mode = #tpu.pipeline_mode<synchronous>, transform_indices = @transform_5, window_bounds = array<i64: 128, 128>}, {pipeline_mode = #tpu.pipeline_mode<synchronous>, transform_indices = @transform_6, window_bounds = array<i64: 128, 10>}, {pipeline_mode = #tpu.pipeline_mode<synchronous>, transform_indices = @transform_7, window_bounds = array<i64: 1, 10>}, {transform_indices = @transform_8, window_bounds = array<i64: 1264, 10>}]} {
    %get3A = arith.constant 0 : index
    %get3A_0 = arith.constant 0 : index
    %get3A_1 = vector.load %arg4[%get3A, %get3A_0] : memref<1264x1xf32, #tpu.memory_space<vmem>>, vector<1264x1xf32>
    %get3A_2 = arith.constant 0 : index
    %get3A_3 = arith.constant 0 : index
    %get3A_4 = vector.load %arg5[%get3A_2, %get3A_3] : memref<1264x1xf32, #tpu.memory_space<vmem>>, vector<1264x1xf32>
    %add3A = arith.addf %get3A_1, %get3A_4 : vector<1264x1xf32>
    %max3A = arith.constant 1.000000e+00 : f32
    %max3A_5 = vector.broadcast %max3A : f32 to vector<1264x1xf32>
    %max3A_6 = arith.maximumf %add3A, %max3A_5 : vector<1264x1xf32>
    %get3A_7 = arith.constant 0 : index
    %get3A_8 = arith.constant 0 : index
    %get3A_9 = vector.load %arg2[%get3A_7, %get3A_8] : memref<1264x128xf32, #tpu.memory_space<vmem>>, vector<1264x128xf32>
    %get3A_10 = arith.constant 0 : index
    %get3A_11 = arith.constant 0 : index
    %get3A_12 = vector.load %arg3[%get3A_10, %get3A_11] : memref<1264x128xf32, #tpu.memory_space<vmem>>, vector<1264x128xf32>
    %add3A_13 = arith.addf %get3A_9, %get3A_12 : vector<1264x128xf32>
    %div3A = vector.broadcast %max3A_6 : vector<1264x1xf32> to vector<1264x128xf32>
    %div3A_14 = arith.divf %add3A_13, %div3A : vector<1264x128xf32>
    %get3A_15 = arith.constant 0 : index
    %get3A_16 = arith.constant 0 : index
    %get3A_17 = vector.load %arg1[%get3A_15, %get3A_16] : memref<1264x128xf32, #tpu.memory_space<vmem>>, vector<1264x128xf32>
    %get3A_18 = arith.constant 0 : index
    %get3A_19 = arith.constant 0 : index
    %get3A_20 = vector.load %arg6[%get3A_18, %get3A_19] : memref<128x128xf32, #tpu.memory_space<vmem>>, vector<128x128xf32>
    %dot_general3A = arith.constant dense<0.000000e+00> : vector<1264x128xf32>
    %dot_general3A_21 = tpu.matmul %div3A_14, %get3A_20, %dot_general3A {dimension_numbers = #tpu.dot_dimension_numbers<[1], [0], [0], [1], [0, 0, 1, 1], [], []>, transpose_lhs_hint = false} : vector<1264x128xf32>, vector<128x128xf32>, vector<1264x128xf32> -> vector<1264x128xf32>
    %add3A_22 = arith.addf %get3A_17, %dot_general3A_21 : vector<1264x128xf32>
    %get3A_23 = arith.constant 0 : index
    %get3A_24 = arith.constant 0 : index
    %get3A_25 = vector.load %arg7[%get3A_23, %get3A_24] : memref<128x10xf32, #tpu.memory_space<vmem>>, vector<128x10xf32>
    %dot_general3A_26 = arith.constant dense<0.000000e+00> : vector<1264x10xf32>
    %dot_general3A_27 = tpu.matmul %add3A_22, %get3A_25, %dot_general3A_26 {dimension_numbers = #tpu.dot_dimension_numbers<[1], [0], [0], [1], [0, 0, 1, 1], [], []>, transpose_lhs_hint = false} : vector<1264x128xf32>, vector<128x10xf32>, vector<1264x10xf32> -> vector<1264x10xf32>
    %get3A_28 = arith.constant 0 : index
    %get3A_29 = arith.constant 0 : index
    %get3A_30 = vector.load %arg8[%get3A_28, %get3A_29] : memref<1x10xf32, #tpu.memory_space<vmem>>, vector<1x10xf32>
    %add3A_31 = vector.broadcast %get3A_30 : vector<1x10xf32> to vector<1264x10xf32>
    %add3A_32 = arith.addf %dot_general3A_27, %add3A_31 : vector<1264x10xf32>
    %swap3A = arith.constant 0 : index
    %swap3A_33 = arith.constant 0 : index
    %swap3A_34 = vector.load %arg9[%swap3A, %swap3A_33] : memref<1264x10xf32, #tpu.memory_space<vmem>>, vector<1264x10xf32>
    tpu.vector_store %arg9[%swap3A, %swap3A_33], %add3A_32 {strides = array<i32>} : memref<1264x10xf32, #tpu.memory_space<vmem>>, vector<1264x10xf32>,
    return
  }
  func.func @transform_0(%arg0: i32) -> (i32, i32) {
    %c0_i32 = arith.constant 0 : i32
    %c0_i32_0 = arith.constant 0 : i32
    return %arg0, %c0_i32 : i32, i32
  }
  func.func @transform_1(%arg0: i32) -> (i32, i32) {
    %c0_i32 = arith.constant 0 : i32
    %c0_i32_0 = arith.constant 0 : i32
    return %arg0, %c0_i32 : i32, i32
  }
  func.func @transform_2(%arg0: i32) -> (i32, i32) {
    %add3A = arith.constant 8 : i32
    %add3A_0 = arith.addi %arg0, %add3A : i32
    %c0_i32 = arith.constant 0 : i32
    %c0_i32_1 = arith.constant 0 : i32
    return %add3A_0, %c0_i32 : i32, i32
  }
  func.func @transform_3(%arg0: i32) -> (i32, i32) {
    %c0_i32 = arith.constant 0 : i32
    %c0_i32_0 = arith.constant 0 : i32
    return %arg0, %c0_i32 : i32, i32
  }
  func.func @transform_4(%arg0: i32) -> (i32, i32) {
    %add3A = arith.constant 8 : i32
    %add3A_0 = arith.addi %arg0, %add3A : i32
    %c0_i32 = arith.constant 0 : i32
    %c0_i32_1 = arith.constant 0 : i32
    return %add3A_0, %c0_i32 : i32, i32
  }
  func.func @transform_5(%arg0: i32) -> (i32, i32) {
    %c0_i32 = arith.constant 0 : i32
    %c0_i32_0 = arith.constant 0 : i32
    %c0_i32_1 = arith.constant 0 : i32
    return %c0_i32, %c0_i32_0 : i32, i32
  }
  func.func @transform_6(%arg0: i32) -> (i32, i32) {
    %c0_i32 = arith.constant 0 : i32
    %c0_i32_0 = arith.constant 0 : i32
    %c0_i32_1 = arith.constant 0 : i32
    return %c0_i32, %c0_i32_0 : i32, i32
  }
  func.func @transform_7(%arg0: i32) -> (i32, i32) {
    %c0_i32 = arith.constant 0 : i32
    %c0_i32_0 = arith.constant 0 : i32
    %c0_i32_1 = arith.constant 0 : i32
    return %c0_i32, %c0_i32_0 : i32, i32
  }
  func.func @transform_8(%arg0: i32) -> (i32, i32) {
    %c0_i32 = arith.constant 0 : i32
    %c0_i32_0 = arith.constant 0 : i32
    return %arg0, %c0_i32 : i32, i32
  }
}

</mosaic_0001>

<sc_bundles>
// kernel: kernel.12.cloned.1.call-start
scs
__scs_entry_jumppad:
0x0: {  	(pc) =	sbr.rel $0x88, $3  }
0x1: {  	(tag) =	ssettag $0x0;
	lr =	simm.s32 $0x1  }
0x2: {  	[smem:$0x3F96] =	sst lr;
	_ =	strace $0xD0000000  }
0x3: {  	_ = 	snop  }
0x4: {  	_ = 	snop  }
0x5: {  	_ = 	snop  }
0x6: {  	_ = 	snop  }
0x7: {  	_ = 	snop  }
__scs_overlays_trampoline_lowered:
0x8: {  	[smem:$0x3FA5] =	sst s0  }
0x9: {  	[smem:$0x3FA6] =	sst s1  }
0xa: {  	[smem:$0x3FA7] =	sst s2  }
0xb: {  	[smem:$0x3FA8] =	sst s3  }
0xc: {  	[smem:$0x3FA9] =	sst s4  }
0xd: {  	[smem:$0x3FAA] =	sst s5  }
0xe: {  	[smem:$0x3FAB] =	sst s6  }
0xf: {  	[smem:$0x3FAC] =	sst s7  }
0x10: {  	[smem:$0x3FAD] =	sst s8  }
0x11: {  	[smem:$0x3FAE] =	sst s9;
	s0 =	simm.s32 @!p0 $0x0  }
0x12: {  	s1 =	sld [smem:$0x3F94];
	s0 =	simm.s32 @p0 $0x1  }
0x13: {  	[smem:$0x3FAF] =	sst s0;
	s0 =	simm.s32 @!p1 $0x0  }
0x14: {  	s2 =	sld [smem:$0x3F93];
	s0 =	simm.s32 @p1 $0x1  }
0x15: {  	[smem:$0x3FB0] =	sst s0;
	s0 =	simm.s32 @!p2 $0x0  }
0x16: {  	s3 =	sld [smem:$0x3FDB];
	s0 =	simm.s32 @p2 $0x1  }
0x17: {  	s4 =	simm.s32 $0x1BF5;
	[smem:$0x3FB2] =	sst s0  }
0x18: {  	s0 =	sld [smem:$0x3F95];
	_ =	swait.ge [sflag:s4], $0x0  }
0x19: {  	s7 =	sld [smem:$0x3F96]  }
0x1a: {  	s8 =	sadd.s32 $0xFFFFE003, lr  }
0x1b: {  	s9 =	sadd.s32 $0xFFFFFEF7, lr;
	s5 =	simm.s32 $0xFFFFFFFF;
	p2 =	slt.u32 s8, $0xFFFFF086  }
0x1c: {  	p1 =	slt.u32 s9, $0xF7A;
	s5 =	simm.s32 @!p2 $0x0  }
0x1d: {  	s5 =	simm.s32 @p1 $0x1;
	p0 =	seq.s32 s7, s2  }
0x1e: {  	s7 =	smul.u32 @!p0 $0xF7A, s2;
	p2 =	seq.s32 @!p0 s5, $0x0  }
0x1f: {  	s9 =	smul.u32 $0xF7A, s1;
	s8 =	simm.s32 @!p0 $0x1BF5;
	p2 =	por !p2, p0  }
0x20: {  	[sflag:s8] =	ssyncset.s32 @!p0 $0xFFFFF086;
	s6 =	sadd.s32 @!p0 s3, s7;
	s7 =	simm.s32 @!p0 $0x108  }
0x21: {  	s3 =	sadd.s32 s3, s9;
	s6 =	sadd.s32 @!p0 $0x88, s6;
	s7 =	simm.s32 @p2 $0x1082  }
0x22: {  	[simem:s7], [sflag:s8] =	dma.local @!p0 [hbm:s6], $0xF7A  }
0x23: {  	s9 =	sor.u32 $0xD0000000, s2;
	s6 =	simm.s32 $0x108;
	_ =	swait.ge @!p0 [sflag:s8], $0x0  }
0x24: {  	s3 =	sadd.s32 $0x88, s3;
	s6 =	simm.s32 @!p1 $0x1082;
	[sflag:s4] =	ssyncset.s32 $0xFFFFF086  }
0x25: {  	[simem:s6], [sflag:s4] =	dma.local [hbm:s3], $0xF7A  }
0x26: {  	[smem:$0x3F96] =	sst s1;
	(tag) =	ssettag s2;
	_ =	strace s9  }
0x27: {  	s1 =	sld [smem:$0x3FA6]  }
0x28: {  	s2 =	sld [smem:$0x3FA7]  }
0x29: {  	s4 =	sld [smem:$0x3FA9]  }
0x2a: {  	p0 =	seq.s32 s5, $0x0;
	s5 =	sld [smem:$0x3FAA]  }
0x2b: {  	s6 =	sld [smem:$0x3FAB]  }
0x2c: {  	s7 =	sld [smem:$0x3FAC]  }
0x2d: {  	s3 =	simm.s32 $0x108;
	s8 =	sld [smem:$0x3FAD]  }
0x2e: {  	s3 =	simm.s32 @!p0 $0x1082;
	s9 =	sld [smem:$0x3FAE]  }
0x2f: {  	lr =	sadd.s32 s0, s3;
	s0 =	sld [smem:$0x3FA5]  }
0x30: {  	s3 =	sld [smem:$0x3FA8]  }
0x31: {  	[smem:$0x3FB1] =	sst s10  }
0x32: {  	s10 =	sld [smem:$0x3FAF];
	_ =	sdelay $0x3  }
0x33: {  	p0 =	seq.s32 s10, $0x1;
	s10 =	sld [smem:$0x3FB1];
	_ =	sdelay $0x3  }
0x34: {  	[smem:$0x3FB1] =	sst s10  }
0x35: {  	s10 =	sld [smem:$0x3FB0];
	_ =	sdelay $0x3  }
0x36: {  	p1 =	seq.s32 s10, $0x1;
	s10 =	sld [smem:$0x3FB1];
	_ =	sdelay $0x3  }
0x37: {  	[smem:$0x3FB1] =	sst s10  }
0x38: {  	s10 =	sld [smem:$0x3FB2]  }
0x39: {  	_ = 	snop;
	(pc) =	sbr.ind lr, $3  }
0x3a: {  	_ = 	snop  }
0x3b: {  	_ = 	snop  }
0x3c: {  	p2 =	seq.s32 s10, $0x1;
	s10 =	sld [smem:$0x3FB1]  }
0x3d: {  	_ =	shalt  }
0x3e: {  	_ =	shalt  }
0x3f: {  	_ =	shalt  }
0x40: {  	_ =	shalt  }
0x41: {  	_ =	shalt  }
0x42: {  	_ =	shalt  }
0x43: {  	_ =	shalt  }
0x44: {  	_ =	shalt  }
0x45: {  	_ =	shalt  }
0x46: {  	_ =	shalt  }
0x47: {  	_ =	shalt  }
0x48: {  	_ =	shalt  }
0x49: {  	_ =	shalt  }
0x4a: {  	_ =	shalt  }
0x4b: {  	_ =	shalt  }
0x4c: {  	_ =	shalt  }
0x4d: {  	_ =	shalt  }
0x4e: {  	_ =	shalt  }
0x4f: {  	_ =	shalt  }
0x50: {  	_ =	shalt  }
0x51: {  	_ =	shalt  }
0x52: {  	_ =	shalt  }
0x53: {  	_ =	shalt  }
0x54: {  	_ =	shalt  }
0x55: {  	_ =	shalt  }
0x56: {  	_ =	shalt  }
0x57: {  	_ =	shalt  }
0x58: {  	_ =	shalt  }
0x59: {  	_ =	shalt  }
0x5a: {  	_ =	shalt  }
0x5b: {  	_ =	shalt  }
0x5c: {  	_ =	shalt  }
0x5d: {  	_ =	shalt  }
0x5e: {  	_ =	shalt  }
0x5f: {  	_ =	shalt  }
0x60: {  	_ =	shalt  }
0x61: {  	_ =	shalt  }
0x62: {  	_ =	shalt  }
0x63: {  	_ =	shalt  }
0x64: {  	_ =	shalt  }
0x65: {  	_ =	shalt  }
0x66: {  	_ =	shalt  }
0x67: {  	_ =	shalt  }
0x68: {  	_ =	shalt  }
0x69: {  	_ =	shalt  }
0x6a: {  	_ =	shalt  }
0x6b: {  	_ =	shalt  }
0x6c: {  	_ =	shalt  }
0x6d: {  	_ =	shalt  }
0x6e: {  	_ =	shalt  }
0x6f: {  	_ =	shalt  }
0x70: {  	_ =	shalt  }
0x71: {  	_ =	shalt  }
0x72: {  	_ =	shalt  }
0x73: {  	_ =	shalt  }
0x74: {  	_ =	shalt  }
0x75: {  	_ =	shalt  }
0x76: {  	_ =	shalt  }
0x77: {  	_ =	shalt  }
0x78: {  	_ =	shalt  }
0x79: {  	_ =	shalt  }
0x7a: {  	_ =	shalt  }
0x7b: {  	_ =	shalt  }
0x7c: {  	_ =	shalt  }
0x7d: {  	_ =	shalt  }
0x7e: {  	_ =	shalt  }
0x7f: {  	_ =	shalt  }
0x80: {  	_ =	shalt  }
0x81: {  	_ =	shalt  }
0x82: {  	_ =	shalt  }
0x83: {  	_ =	shalt  }
0x84: {  	_ =	shalt  }
0x85: {  	_ =	shalt  }
0x86: {  	_ =	shalt  }
0x87: {  	_ =	shalt  }
.Lfunc_end0:
.L_simem_size_0:
called_computation.1_lowered:
.L_overlay_start_0:
0x88: {  	s2 =	sld [smem:$0x3FD9]  }
0x89: {  	s3 =	sld [smem:$0x3FFE];
	_ =	sdelay $0x1  }
0x8a: {  	s1 =	srdreg.scid  }
0x8b: {  	s0 =	sand.u32 $0x1, s1  }
0x8c: {  	s16 =	sshll.u32 s0, $0xA;
	s2 =	sadd.s32 s3, s2  }
0x8d: {  	s2 =	sadd.s32 s2, s16  }
0x8e: {  	[smem:$0x3FBD] =	sst s2  }
0x8f: {  	_ = 	snop  }
0x90: {  	(tm) =	ssettm $0x1  }
0x91: {  	s17 =	sld [smem:$0x3FFB];
	_ =	sdelay $0x3  }
0x92: {  	_ =	strace s17  }
0x93: {  	s2 =	sld [smem:$0x3FFC];
	_ =	sdelay $0x3  }
0x94: {  	_ =	strace s2  }
0x95: {  	s2 =	sld [smem:$0x3FFD];
	_ =	sdelay $0x3  }
0x96: {  	_ =	strace s2  }
0x97: {  	_ =	strace $0x8FFFFFFF  }
0x98: {  	s18 =	sld [smem:$0x3FDB];
	_ =	sdelay $0x1  }
0x99: {  	s19 =	simm.s32 $_scs_section_size  }
0x9a: {  	s4 =	simm.s32 $_size__tile_overlayer_lowered;
	s5 =	simm.s32 $_tile_overlayer_lowered  }
0x9b: {  	s22 =	simm.s32 $0x1BFF;
	s21 =	sshll.u32 s5, $0x1;
	s2 =	sadd.s32 s19, s18  }
0x9c: {  	s6 =	simm.s32 $0x0;
	s20 =	sshll.u32 s4, $0x1;
	s4 =	sadd.s32 s21, s2  }
0x9d: {  	[timem:s6], [sflag:s22] =	dma.local [hbm:s4], s20  }
0x9e: {  	_ =	swait.ge [sflag:s22], s20  }
0x9f: {  	s3 =	ssub.s32 $0x0, s20;
	[sflag:s22] =	ssyncset.done $0x0  }
0xa0: {  	[sflag:s22] =	ssyncadd.s32 s3;
	_ =	sdelay $0x1  }
0xa1: {  	s23 =	simm.s32 $0x1B8B  }
0xa2: {  	_ =	swait.ge [sflag:s23], $0x1  }
0xa3: {  	[sflag:s23] =	ssyncset.done $0x0  }
0xa4: {  	s25 =	simm.s32 $0x1B8E;
	s24 =	sld [smem:$0x3FFE];
	[sflag:s23] =	ssyncadd.s32 $0xFFFFFFFF  }
0xa5: {  	s26 =	simm.s32 $execute0_lowered;
	[smem:$0x3FD2] =	sst s25  }
0xa6: {  	s4 =	sshll.u32 s26, $0x1;
	_ =	strace $0x80000049;
	[dreg:$0x1] =	wrdreg $0xFFFFFFFF  }
0xa7: {  	s28 =	simm.s32 $_size_execute0_lowered;
	s2 =	sadd.s32 s2, s4;
	[dreg:$0x0] =	wrdreg $0x0  }
0xa8: {  	s4 =	sshll.u32 s28, $0x1;
	[dreg:$0x2] =	wrdreg s2  }
0xa9: {  	[dreg:$0x3] =	wrdreg s4  }
0xaa: {  	[dreg:$0x4] =	wrdreg $0xC0  }
0xab: {  	_ =	task [dreg:s6], $0x5FFFF  }
0xac: {  	[dreg:$0x1] =	wrdreg $0xFFFFFFFF  }
0xad: {  	[dreg:$0x0] =	wrdreg $0x60  }
0xae: {  	[dreg:$0x2] =	wrdreg s24  }
0xaf: {  	[dreg:$0x3] =	wrdreg $0xC3000  }
0xb0: {  	[dreg:$0x4] =	wrdreg $0x9  }
0xb1: {  	_ =	task.clear_ibuf [dreg:s6], $0x5FFFF;
	_ =	strace $0x90000049  }
0xb2: {  	s29 =	simm.s32 $0x9;
	_ =	strace $0x8000004B  }
0xb3: {  	_ =	swait.ge [sflag:s29], $0x1  }
0xb4: {  	[sflag:s29] =	ssyncadd.s32 $0xFFFFFFFF  }
0xb5: {  	_ =	strace $0x9000004B  }
0xb6: {  	_ =	sfence  }
0xb7: {  	s30 =	sld [smem:$0x0];
	_ =	sdelay $0x2  }
0xb8: {  	s31 =	sshll.u32 s1, $0xD;
	s1 =	sshrl.u32 s1, $0x2  }
0xb9: {  	s3 =	sand.u32 $0x4000, s31;
	s1 =	sadd.s32 s1, s30  }
0xba: {  	s0 =	sor.u32 s3, s0;
	s1 =	sshll.u32 s1, $0x11  }
0xbb: {  	s0 =	sor.u32 s1, s0  }
0xbc: {  	s0 =	sadd.s32 $0x8F2B, s0  }
0xbd: {  	[sflag:s0] =	ssyncadd.remote.s32 $0x1  }
0xbe: {  	_ =	sfence.sel $0xFFFF  }
0xbf: {  	[dreg:$0x0] =	wrdreg $0xFFFFFFFF;
	(pc) =	sbr.abs _section_cstart, $3  }
0xc0: {  	[dreg:$0x1] =	wrdreg $0xFFFFFFFF  }
0xc1: {  	_ =	task.clear_ibuf [dreg:s6], $0x2FFFF;
	_ =	strace $0x9FFFFFFF  }
0xc2: {  	(tm) =	ssettm $0x7FFFFFFF  }
0xc3: {  	_ =	shalt  }
tec
execute0_lowered:
.L_overlay_start_1:
0x0: {  	(tag) =	ssettag $0x1  }
0x1: {  	s0 =	rddreg [dreg:$0x0]  }
0x2: {  	s2 =	rddreg [dreg:$0x1];
	s3 =	simm.s32 $0x0;
	s12 =	stileid.u32  }
0x3: {  	s1 =	srdreg.scid;
	s28 =	simm.s32 $0x2;
	s29 =	simm.s32 $0x4300  }
0x4: {  	s31 =	simm.s32 $0x3;
	s13 =	simm.s32 $0x6;
	[smem:$0x7FF] =	sst s3  }
0x5: {  	s7 =	smul.u32 $0x2780, s12;
	s1 =	sand.u32 $0x1, s1;
	s4 =	sadd.s32 $0xD600, s0  }
0x6: {  	s5 =	sadd.s32 $0x3400, s0;
	s6 =	sadd.s32 $0x17800, s0;
	s14 =	smul.u32 $0x4F000, s12  }
0x7: {  	s10 =	sshll.u32 s12, $0x1;
	s16 =	sshll.u32 s12, $0x6;
	s21 =	smul.u32 $0x5100, s12  }
0x8: {  	s12 =	simm.s32 $0x5;
	_ =	strace $0x8000004A;
	s8 =	smul.u32 $0x27800, s1  }
0x9: {  	s15 =	ssub.s32 $0x2, s1;
	s10 =	sor.u32 s1, s10;
	[dreg:$0x4] =	wrdreg s16  }
0xa: {  	s17 =	sor.u32 $0x1C0A, s16;
	s1 =	smul.u32 $0x2880, s1;
	s9 =	sadd.s32 s7, s0  }
0xb: {  	s11 =	sshrl.u32 s15, $0x1;
	s10 =	smul.u32 $0x2880, s10;
	[dreg:$0x6] =	wrdreg s17  }
0xc: {  	s7 =	sadd.s32 s7, s8;
	s8 =	sshrl.u32 s14, $0x2;
	s9 =	sadd.s32 $0x3F000, s9  }
0xd: {  	s1 =	sadd.s32 s1, s21;
	s21 =	simm.s32 $0x80;
	s14 =	simm.s32 $0x0  }
0xe: {  	s0 =	sadd.s32 s7, s0;
	s7 =	ssub.s32 s15, s11;
	s8 =	sadd.s32 s8, s2  }
0xf: {  	[dreg:$0x5] =	wrdreg s9;
	s18 =	sshrl.u32 s10, $0x3;
	s19 =	sadd.s32 $0x2800, s10  }
0x10: {  	[dreg:$0x3] =	wrdreg s1;
	s1 =	simm.s32 $0x7;
	s20 =	sadd.s32 s4, s18  }
0x11: {  	s11 =	simm.s32 $0x8;
	s22 =	sadd.s32 s5, s18;
	[dreg:$0x7] =	wrdreg s20  }
0x12: {  	s23 =	sadd.s32 $0x10, s18;
	s0 =	sadd.s32 $0x66800, s0;
	[dreg:$0x8] =	wrdreg s22  }
0x13: {  	s9 =	sadd.s32 $0x20, s18;
	s30 =	smax.u32 s7, $0x1;
	[dreg:$0xd] =	wrdreg s0  }
0x14: {  	s16 =	sshrl.u32 s8, $0x3;
	s8 =	simm.s32 $0x4;
	[dreg:$0xe] =	wrdreg s30  }
0x15: {  	s7 =	simm.s32 $0x9;
	s24 =	sadd.s32 s4, s23;
	[dreg:$0xf] =	wrdreg s16  }
0x16: {  	s25 =	sadd.s32 s5, s23;
	s26 =	sadd.s32 s4, s9;
	[dreg:$0x9] =	wrdreg s24  }
0x17: {  	s9 =	sadd.s32 s5, s9;
	s20 =	simm.s32 $0x180;
	[dreg:$0xa] =	wrdreg s25  }
0x18: {  	s22 =	simm.s32 $0x200;
	s23 =	simm.s32 $0x100;
	[dreg:$0xb] =	wrdreg s26  }
0x19: {  	s0 =	simm.s32 $0x8300;
	[dreg:$0xc] =	wrdreg s9;
	s24 =	simm.s32 $0x280  }
0x1a: {  	s25 =	simm.s32 $0x1;
	s26 =	simm.s32 $0x300;
	s9 =	simm.s32 $0xB  }
.LBB2_1:
0x1b: {  	s10 =	rddreg [dreg:$0x5]  }
0x1c: {  	s15 =	rddreg [dreg:$0x6]  }
0x1d: {  	[spmem:s16], [sflag:s15] =	dma.local [hbm:s10], $0x2780  }
0x1e: {  	s10 =	rddreg [dreg:$0x7]  }
0x1f: {  	[tilespmem:s3], [sflag:$0x1] =	stream.linear.gather [hbm4b:s10+s3], $0x80, $0x38;
	[tilespmem:$0x1FF00] =	vst v63  }
0x20: {  	s17 =	rddreg [dreg:$0x8]  }
0x21: {  	[tilespmem:s20], [sflag:$0x4] =	stream.linear.gather [hbm4b:s17+s3], $0x80, $0x38;
	[tilespmem:$0x1FF00] =	vst v63  }
0x22: {  	s18 =	rddreg [dreg:$0x9]  }
0x23: {  	[tilespmem:s21], [sflag:$0x2] =	stream.linear.gather [hbm4b:s18+s3], $0x80, $0x38;
	[tilespmem:$0x1FF00] =	vst v63  }
0x24: {  	s30 =	rddreg [dreg:$0xa]  }
0x25: {  	[tilespmem:s22], [sflag:$0x5] =	stream.linear.gather [hbm4b:s30+s3], $0x80, $0x38;
	[tilespmem:$0x1FF00] =	vst v63  }
0x26: {  	s15 =	rddreg [dreg:$0xb]  }
0x27: {  	[tilespmem:s23], [sflag:$0x3] =	stream.linear.gather [hbm4b:s15+s3], $0x80, $0x38;
	[tilespmem:$0x1FF00] =	vst v63  }
0x28: {  	s16 =	rddreg [dreg:$0xc]  }
0x29: {  	[tilespmem:s24], [sflag:$0x6] =	stream.linear.gather [hbm4b:s16+s3], $0x80, $0x38;
	[tilespmem:$0x1FF00] =	vst v63  }
0x2a: {  	_ =	swait.ge [sflag:s25], $0x80  }
0x2b: {  	[sflag:s25] =	ssyncset.done $0x0  }
0x2c: {  	[sflag:s25] =	ssyncadd.s32 $0xFFFFFF80  }
0x2d: {  	[tilespmem:s26], [sflag:$0x7] =	stream.indirect.gather [hbm4b:s6+s21], $0x80, s3, s21, $0xb8;
	[tilespmem:$0x1FF00] =	vst v63  }
0x2e: {  	_ =	swait.ge [sflag:s28], $0x80  }
0x2f: {  	[sflag:s28] =	ssyncset.done $0x0  }
0x30: {  	s17 =	simm.s32 $0xA;
	[sflag:s28] =	ssyncadd.s32 $0xFFFFFF80  }
0x31: {  	[tilespmem:s29], [sflag:$0x8] =	stream.indirect.gather [hbm4b:s6+s21], $0x80, s21, s21, $0xb8;
	[tilespmem:$0x1FF00] =	vst v63  }
0x32: {  	_ =	swait.ge [sflag:s17], $0x2780  }
0x33: {  	[sflag:s17] =	ssyncset.done $0x0  }
0x34: {  	[sflag:s17] =	ssyncadd.s32 $0xFFFFD880  }
0x35: {  	[bflag:$0x0] =	sbarrier.arrive $0xFFFF  }
0x36: {  	_ =	swait.ge [sflag:s31], $0x80  }
0x37: {  	[sflag:s31] =	ssyncset.done $0x0  }
0x38: {  	[sflag:s31] =	ssyncadd.s32 $0xFFFFFF80  }
0x39: {  	[tilespmem:s0], [sflag:$0x9] =	stream.indirect.gather [hbm4b:s6+s21], $0x80, s23, s21, $0xb8;
	[tilespmem:$0x1FF00] =	vst v63  }
0x3a: {  	_ =	swait.ge [sflag:s1], $0x4000  }
0x3b: {  	[sflag:s1] =	ssyncset.done $0x0  }
0x3c: {  	[sflag:s1] =	ssyncadd.s32 $0xFFFFC000  }
0x3d: {  	_ =	swait.ge [sflag:s8], $0x80  }
0x3e: {  	[sflag:s8] =	ssyncset.done $0x0  }
0x3f: {  	[sflag:s8] =	ssyncadd.s32 $0xFFFFFF80  }
0x40: {  	[spmem:s2] =	stream.indirect.scatter.add.f32 [tilespmem:s26], [sflag:$0xB], $0x80, s20, s21, $0xb8;
	[tilespmem:$0x1FF00] =	vst v63  }
0x41: {  	_ =	swait.ge [sflag:s9], $0x4000  }
0x42: {  	s18 =	rddreg [dreg:$0x3]  }
0x43: {  	s15 =	sadd.s32 $0xFFFFD780, s18  }
0x44: {  	s16 =	sadd.s32 $0x2A00, s15  }
0x45: {  	s17 =	smov.u32 s19;
	p0 =	slt.s32 s16, s19  }
0x46: {  	s17 =	smov.u32 @p0 s16  }
0x47: {  	[sflag:s9] =	ssyncset.done $0x0;
	s16 =	sshrl.u32 s17, $0x3  }
0x48: {  	[sflag:s9] =	ssyncadd.s32 $0xFFFFC000;
	s17 =	sadd.s32 s4, s16  }
0x49: {  	[tilespmem:s3], [sflag:$0x1] =	stream.linear.gather [hbm4b:s17+s3], $0x80, $0x38;
	[tilespmem:$0x1FF00] =	vst v63  }
0x4a: {  	s16 =	sadd.s32 s5, s16  }
0x4b: {  	[tilespmem:s20], [sflag:$0x4] =	stream.linear.gather [hbm4b:s16+s3], $0x80, $0x38;
	[tilespmem:$0x1FF00] =	vst v63  }
0x4c: {  	_ =	swait.ge [sflag:s25], $0x80  }
0x4d: {  	[sflag:s25] =	ssyncset.done $0x0  }
0x4e: {  	[sflag:s25] =	ssyncadd.s32 $0xFFFFFF80  }
0x4f: {  	[tilespmem:s26], [sflag:$0x7] =	stream.indirect.gather [hbm4b:s6+s21], $0x80, s3, s21, $0xb8;
	[tilespmem:$0x1FF00] =	vst v63  }
0x50: {  	_ =	swait.ge [sflag:s11], $0x4000  }
0x51: {  	[sflag:s11] =	ssyncset.done $0x0  }
0x52: {  	[sflag:s11] =	ssyncadd.s32 $0xFFFFC000  }
0x53: {  	_ =	swait.ge [sflag:s12], $0x80  }
0x54: {  	s16 =	sadd.s32 $0x2A80, s15;
	[sflag:s12] =	ssyncset.done $0x0  }
0x55: {  	s17 =	smov.u32 s19;
	p0 =	slt.s32 s16, s19;
	[sflag:s12] =	ssyncadd.s32 $0xFFFFFF80  }
0x56: {  	[spmem:s2] =	stream.indirect.scatter.add.f32 [tilespmem:s29], [sflag:$0xB], $0x80, s22, s21, $0xb8;
	[tilespmem:$0x1FF00] =	vst v63  }
0x57: {  	s17 =	smov.u32 @p0 s16;
	_ =	swait.ge [sflag:s9], $0x4000  }
0x58: {  	s16 =	sshrl.u32 s17, $0x3;
	[sflag:s9] =	ssyncset.done $0x0  }
0x59: {  	s17 =	sadd.s32 s4, s16;
	[sflag:s9] =	ssyncadd.s32 $0xFFFFC000  }
0x5a: {  	[tilespmem:s21], [sflag:$0x2] =	stream.linear.gather [hbm4b:s17+s3], $0x80, $0x38;
	[tilespmem:$0x1FF00] =	vst v63  }
0x5b: {  	s16 =	sadd.s32 s5, s16  }
0x5c: {  	[tilespmem:s22], [sflag:$0x5] =	stream.linear.gather [hbm4b:s16+s3], $0x80, $0x38;
	[tilespmem:$0x1FF00] =	vst v63  }
0x5d: {  	_ =	swait.ge [sflag:s28], $0x80  }
0x5e: {  	[sflag:s28] =	ssyncset.done $0x0  }
0x5f: {  	[sflag:s28] =	ssyncadd.s32 $0xFFFFFF80  }
0x60: {  	[tilespmem:s29], [sflag:$0x8] =	stream.indirect.gather [hbm4b:s6+s21], $0x80, s21, s21, $0xb8;
	[tilespmem:$0x1FF00] =	vst v63  }
0x61: {  	_ =	swait.ge [sflag:s7], $0x4000  }
0x62: {  	[sflag:s7] =	ssyncset.done $0x0  }
0x63: {  	[sflag:s7] =	ssyncadd.s32 $0xFFFFC000  }
0x64: {  	_ =	swait.ge [sflag:s13], $0x80  }
0x65: {  	s15 =	sadd.s32 $0x2B00, s15;
	[sflag:s13] =	ssyncset.done $0x0  }
0x66: {  	p0 =	slt.s32 s15, s19;
	s16 =	smov.u32 s19;
	[sflag:s13] =	ssyncadd.s32 $0xFFFFFF80  }
0x67: {  	[spmem:s2] =	stream.indirect.scatter.add.f32 [tilespmem:s0], [sflag:$0xB], $0x80, s24, s21, $0xb8;
	[tilespmem:$0x1FF00] =	vst v63  }
0x68: {  	s16 =	smov.u32 @p0 s15;
	_ =	swait.ge [sflag:s9], $0x4000  }
0x69: {  	s15 =	simm.s32 $0xFFFFD900;
	s16 =	sshrl.u32 s16, $0x3;
	[sflag:s9] =	ssyncset.done $0x0  }
0x6a: {  	s30 =	sadd.s32 s4, s16;
	s16 =	sadd.s32 s5, s16;
	[sflag:s9] =	ssyncadd.s32 $0xFFFFC000  }
0x6b: {  	[tilespmem:s23], [sflag:$0x3] =	stream.linear.gather [hbm4b:s30+s3], $0x80, $0x38;
	[tilespmem:$0x1FF00] =	vst v63  }
.LBB2_2:
0x6c: {  	[tilespmem:s24], [sflag:$0x6] =	stream.linear.gather [hbm4b:s16+s3], $0x80, $0x38;
	[tilespmem:$0x1FF00] =	vst v63  }
0x6d: {  	_ =	swait.ge [sflag:s31], $0x80  }
0x6e: {  	[sflag:s31] =	ssyncset.done $0x0  }
0x6f: {  	[sflag:s31] =	ssyncadd.s32 $0xFFFFFF80  }
0x70: {  	[tilespmem:s0], [sflag:$0x9] =	stream.indirect.gather [hbm4b:s6+s21], $0x80, s23, s21, $0xb8;
	[tilespmem:$0x1FF00] =	vst v63  }
0x71: {  	_ =	swait.ge [sflag:s1], $0x4000  }
0x72: {  	[sflag:s1] =	ssyncset.done $0x0  }
0x73: {  	[sflag:s1] =	ssyncadd.s32 $0xFFFFC000  }
0x74: {  	_ =	swait.ge [sflag:s8], $0x80  }
0x75: {  	[sflag:s8] =	ssyncset.done $0x0  }
0x76: {  	[sflag:s8] =	ssyncadd.s32 $0xFFFFFF80  }
0x77: {  	[spmem:s2] =	stream.indirect.scatter.add.f32 [tilespmem:s26], [sflag:$0xB], $0x80, s20, s21, $0xb8;
	[tilespmem:$0x1FF00] =	vst v63  }
0x78: {  	_ =	swait.ge [sflag:s9], $0x4000  }
0x79: {  	s18 =	smov.u32 s15;
	s17 =	rddreg [dreg:$0x3]  }
0x7a: {  	s16 =	sadd.s32 s18, s17  }
0x7b: {  	s17 =	sadd.s32 $0x2A00, s16  }
0x7c: {  	s10 =	smov.u32 s19;
	p1 =	slt.s32 s17, s19  }
0x7d: {  	[sflag:s9] =	ssyncset.done $0x0;
	s18 =	sadd.s32 $0x2A80, s16;
	s10 =	smov.u32 @p1 s17  }
0x7e: {  	p2 =	slt.s32 s18, s19;
	s17 =	smov.u32 s19;
	s10 =	sshrl.u32 s10, $0x3  }
0x7f: {  	[sflag:s9] =	ssyncadd.s32 $0xFFFFC000;
	s17 =	smov.u32 @p2 s18;
	s18 =	sadd.s32 s4, s10  }
0x80: {  	[tilespmem:s3], [sflag:$0x1] =	stream.linear.gather [hbm4b:s18+s3], $0x80, $0x38;
	[tilespmem:$0x1FF00] =	vst v63  }
0x81: {  	s10 =	sadd.s32 s5, s10  }
0x82: {  	[tilespmem:s20], [sflag:$0x4] =	stream.linear.gather [hbm4b:s10+s3], $0x80, $0x38;
	[tilespmem:$0x1FF00] =	vst v63  }
0x83: {  	_ =	swait.ge [sflag:s25], $0x80  }
0x84: {  	[sflag:s25] =	ssyncset.done $0x0  }
0x85: {  	[sflag:s25] =	ssyncadd.s32 $0xFFFFFF80  }
0x86: {  	[tilespmem:s26], [sflag:$0x7] =	stream.indirect.gather [hbm4b:s6+s21], $0x80, s3, s21, $0xb8;
	[tilespmem:$0x1FF00] =	vst v63  }
0x87: {  	_ =	swait.ge [sflag:s11], $0x4000  }
0x88: {  	[sflag:s11] =	ssyncset.done $0x0  }
0x89: {  	[sflag:s11] =	ssyncadd.s32 $0xFFFFC000  }
0x8a: {  	_ =	swait.ge [sflag:s12], $0x80  }
0x8b: {  	[sflag:s12] =	ssyncset.done $0x0  }
0x8c: {  	s16 =	sadd.s32 $0x2B00, s16;
	[sflag:s12] =	ssyncadd.s32 $0xFFFFFF80  }
0x8d: {  	[spmem:s2] =	stream.indirect.scatter.add.f32 [tilespmem:s29], [sflag:$0xB], $0x80, s22, s21, $0xb8;
	[tilespmem:$0x1FF00] =	vst v63  }
0x8e: {  	s30 =	smov.u32 s19;
	p3 =	slt.s32 s16, s19;
	_ =	swait.ge [sflag:s9], $0x4000  }
0x8f: {  	s30 =	smov.u32 @p3 s16;
	s17 =	sshrl.u32 s17, $0x3;
	[sflag:s9] =	ssyncset.done $0x0  }
0x90: {  	s16 =	sshrl.u32 s30, $0x3;
	s30 =	sadd.s32 s4, s17;
	[sflag:s9] =	ssyncadd.s32 $0xFFFFC000  }
0x91: {  	[tilespmem:s21], [sflag:$0x2] =	stream.linear.gather [hbm4b:s30+s3], $0x80, $0x38;
	[tilespmem:$0x1FF00] =	vst v63  }
0x92: {  	s18 =	sadd.s32 s5, s17  }
0x93: {  	[tilespmem:s22], [sflag:$0x5] =	stream.linear.gather [hbm4b:s18+s3], $0x80, $0x38;
	[tilespmem:$0x1FF00] =	vst v63  }
0x94: {  	_ =	swait.ge [sflag:s28], $0x80  }
0x95: {  	[sflag:s28] =	ssyncset.done $0x0  }
0x96: {  	[sflag:s28] =	ssyncadd.s32 $0xFFFFFF80  }
0x97: {  	[tilespmem:s29], [sflag:$0x8] =	stream.indirect.gather [hbm4b:s6+s21], $0x80, s21, s21, $0xb8;
	[tilespmem:$0x1FF00] =	vst v63  }
0x98: {  	_ =	swait.ge [sflag:s7], $0x4000  }
0x99: {  	[sflag:s7] =	ssyncset.done $0x0  }
0x9a: {  	[sflag:s7] =	ssyncadd.s32 $0xFFFFC000  }
0x9b: {  	_ =	swait.ge [sflag:s13], $0x80  }
0x9c: {  	[sflag:s13] =	ssyncset.done $0x0  }
0x9d: {  	p0 =	sne.s32 s15, $0xFFFFFE80;
	[sflag:s13] =	ssyncadd.s32 $0xFFFFFF80  }
0x9e: {  	[spmem:s2] =	stream.indirect.scatter.add.f32 [tilespmem:s0], [sflag:$0xB], $0x80, s24, s21, $0xb8;
	[tilespmem:$0x1FF00] =	vst v63  }
.Ltmp0:
0x9f: {  	_ = 	snop;
	(pc) =	sbr.rel @p0 .LBB2_2-.Ltmp0, $4  }
0xa0: {  	_ =	swait.ge [sflag:s9], $0x4000  }
0xa1: {  	s15 =	sadd.s32 $0x180, s15;
	[sflag:s9] =	ssyncset.done $0x0  }
0xa2: {  	s30 =	sadd.s32 s4, s16;
	s16 =	sadd.s32 s5, s16;
	[sflag:s9] =	ssyncadd.s32 $0xFFFFC000  }
0xa3: {  	[tilespmem:s23], [sflag:$0x3] =	stream.linear.gather [hbm4b:s30+s3], $0x80, $0x38;
	[tilespmem:$0x1FF00] =	vst v63  }
0xa4: {  	[tilespmem:s24], [sflag:$0x6] =	stream.linear.gather [hbm4b:s16+s3], $0x80, $0x38;
	[tilespmem:$0x1FF00] =	vst v63  }
0xa5: {  	_ =	swait.ge [sflag:s31], $0x80  }
0xa6: {  	[sflag:s31] =	ssyncset.done $0x0  }
0xa7: {  	[sflag:s31] =	ssyncadd.s32 $0xFFFFFF80  }
0xa8: {  	_ =	swait.ge [sflag:s8], $0x80  }
0xa9: {  	[sflag:s8] =	ssyncset.done $0x0  }
0xaa: {  	[sflag:s8] =	ssyncadd.s32 $0xFFFFFF80  }
0xab: {  	_ =	swait.ge [sflag:s12], $0x80  }
0xac: {  	[sflag:s12] =	ssyncset.done $0x0  }
0xad: {  	[sflag:s12] =	ssyncadd.s32 $0xFFFFFF80  }
0xae: {  	_ =	swait.ge [sflag:s13], $0x80  }
0xaf: {  	[sflag:s13] =	ssyncset.done $0x0  }
0xb0: {  	[sflag:s13] =	ssyncadd.s32 $0xFFFFFF80  }
0xb1: {  	_ =	swait.ge [sflag:s1], $0x4000  }
0xb2: {  	[sflag:s1] =	ssyncset.done $0x0  }
0xb3: {  	[sflag:s1] =	ssyncadd.s32 $0xFFFFC000  }
0xb4: {  	_ =	swait.ge [sflag:s11], $0x4000  }
0xb5: {  	[sflag:s11] =	ssyncset.done $0x0  }
0xb6: {  	[sflag:s11] =	ssyncadd.s32 $0xFFFFC000  }
0xb7: {  	[bflag:$0x0] =	sbarrier.arrive $0xFFFF  }
0xb8: {  	s10 =	rddreg [dreg:$0x4]  }
0xb9: {  	s15 =	rddreg [dreg:$0xd]  }
0xba: {  	s16 =	rddreg [dreg:$0xf];
	s10 =	sor.u32 $0x1C0B, s10  }
0xbb: {  	[hbm:s15], [sflag:s10] =	dma.local [spmem:s16], $0x2780  }
0xbc: {  	_ =	swait.ge [sflag:s9], $0x2780  }
0xbd: {  	s14 =	sadd.s32 $0x1, s14;
	s30 =	rddreg [dreg:$0xe]  }
0xbe: {  	p0 =	sne.s32 s14, s30  }
.Ltmp1:
0xbf: {  	_ = 	snop;
	(pc) =	sbr.rel @p0 .LBB2_1-.Ltmp1, $3  }
0xc0: {  	_ =	sdelay $0x1  }
0xc1: {  	[sflag:s9] =	ssyncset.done $0x0  }
0xc2: {  	[sflag:s9] =	ssyncadd.s32 $0xFFFFD880  }
0xc3: {  	_ =	sfence.sel $0x180000  }
0xc4: {  	[bflag:$0x0] =	sbarrier.arrive $0xFFFF  }
0xc5: {  	_ =	strace $0x9000004A  }
0xc6: {  	s0 =	stileid.u32;
	[bflag:$0x2] =	sbarrier.arrive $0xFFFF  }
0xc7: {  	p0 =	sne.s32 s0, $0x0;
	s0 =	rddreg [dreg:$0x2]  }
0xc8: {  	s0 =	sadd.s32 @!p0 $0x100000, s0  }
0xc9: {  	[sflag:s0] =	ssyncadd.tile.s32 @!p0 $0x1;
	_ =	shalt  }
.Lfunc_end2:
_tile_overlayer_lowered:
.L_overlay_start_2:
0xca: {  	(tag) =	ssettag $0x2  }
0xcb: {  	s0 =	rddreg [dreg:$0x0];
	s2 =	stileid.u32  }
0xcc: {  	s1 =	rddreg [dreg:$0x1];
	p0 =	sne.s32 s2, $0x0  }
0xcd: {  	s3 =	rddreg [dreg:$0x2];
	[bflag:$0x3] =	sbarrier.arrive $0xFFFF;
	s2 =	simm.s32 @!p0 $0x1C0B  }
0xce: {  	[timem:s3], [sflag:s2] =	dma.local @!p0 [hbm:s0], s1  }
0xcf: {  	s0 =	simm.s32 @!p0 $0xB  }
0xd0: {  	_ =	swait.ge @!p0 [sflag:s0], s1  }
0xd1: {  	s1 =	ssub.s32 @!p0 $0x0, s1;
	[sflag:s0] =	ssyncset.done @!p0 $0x0  }
0xd2: {  	[sflag:s0] =	ssyncadd.s32 @!p0 s1  }
0xd3: {  	[bflag:$0x3] =	sbarrier.arrive $0xFFFF  }
0xd4: {  	_ =	shalt  }

// kernel: kernel.15.cloned.1.call-start
scs
__scs_entry_jumppad:
0x0: {  	(pc) =	sbr.rel $0x88, $3  }
0x1: {  	(tag) =	ssettag $0x0;
	lr =	simm.s32 $0x1  }
0x2: {  	[smem:$0x3F96] =	sst lr;
	_ =	strace $0xD0000000  }
0x3: {  	_ = 	snop  }
0x4: {  	_ = 	snop  }
0x5: {  	_ = 	snop  }
0x6: {  	_ = 	snop  }
0x7: {  	_ = 	snop  }
__scs_overlays_trampoline_lowered:
0x8: {  	[smem:$0x3FA5] =	sst s0  }
0x9: {  	[smem:$0x3FA6] =	sst s1  }
0xa: {  	[smem:$0x3FA7] =	sst s2  }
0xb: {  	[smem:$0x3FA8] =	sst s3  }
0xc: {  	[smem:$0x3FA9] =	sst s4  }
0xd: {  	[smem:$0x3FAA] =	sst s5  }
0xe: {  	[smem:$0x3FAB] =	sst s6  }
0xf: {  	[smem:$0x3FAC] =	sst s7  }
0x10: {  	[smem:$0x3FAD] =	sst s8  }
0x11: {  	[smem:$0x3FAE] =	sst s9;
	s0 =	simm.s32 @!p0 $0x0  }
0x12: {  	s1 =	sld [smem:$0x3F94];
	s0 =	simm.s32 @p0 $0x1  }
0x13: {  	[smem:$0x3FAF] =	sst s0;
	s0 =	simm.s32 @!p1 $0x0  }
0x14: {  	s2 =	sld [smem:$0x3F93];
	s0 =	simm.s32 @p1 $0x1  }
0x15: {  	[smem:$0x3FB0] =	sst s0;
	s0 =	simm.s32 @!p2 $0x0  }
0x16: {  	s3 =	sld [smem:$0x3FDB];
	s0 =	simm.s32 @p2 $0x1  }
0x17: {  	s4 =	simm.s32 $0x1BF5;
	[smem:$0x3FB2] =	sst s0  }
0x18: {  	s0 =	sld [smem:$0x3F95];
	_ =	swait.ge [sflag:s4], $0x0  }
0x19: {  	s7 =	sld [smem:$0x3F96]  }
0x1a: {  	s8 =	sadd.s32 $0xFFFFE003, lr  }
0x1b: {  	s9 =	sadd.s32 $0xFFFFFEF7, lr;
	s5 =	simm.s32 $0xFFFFFFFF;
	p2 =	slt.u32 s8, $0xFFFFF086  }
0x1c: {  	p1 =	slt.u32 s9, $0xF7A;
	s5 =	simm.s32 @!p2 $0x0  }
0x1d: {  	s5 =	simm.s32 @p1 $0x1;
	p0 =	seq.s32 s7, s2  }
0x1e: {  	s7 =	smul.u32 @!p0 $0xF7A, s2;
	p2 =	seq.s32 @!p0 s5, $0x0  }
0x1f: {  	s9 =	smul.u32 $0xF7A, s1;
	s8 =	simm.s32 @!p0 $0x1BF5;
	p2 =	por !p2, p0  }
0x20: {  	[sflag:s8] =	ssyncset.s32 @!p0 $0xFFFFF086;
	s6 =	sadd.s32 @!p0 s3, s7;
	s7 =	simm.s32 @!p0 $0x108  }
0x21: {  	s3 =	sadd.s32 s3, s9;
	s6 =	sadd.s32 @!p0 $0x88, s6;
	s7 =	simm.s32 @p2 $0x1082  }
0x22: {  	[simem:s7], [sflag:s8] =	dma.local @!p0 [hbm:s6], $0xF7A  }
0x23: {  	s9 =	sor.u32 $0xD0000000, s2;
	s6 =	simm.s32 $0x108;
	_ =	swait.ge @!p0 [sflag:s8], $0x0  }
0x24: {  	s3 =	sadd.s32 $0x88, s3;
	s6 =	simm.s32 @!p1 $0x1082;
	[sflag:s4] =	ssyncset.s32 $0xFFFFF086  }
0x25: {  	[simem:s6], [sflag:s4] =	dma.local [hbm:s3], $0xF7A  }
0x26: {  	[smem:$0x3F96] =	sst s1;
	(tag) =	ssettag s2;
	_ =	strace s9  }
0x27: {  	s1 =	sld [smem:$0x3FA6]  }
0x28: {  	s2 =	sld [smem:$0x3FA7]  }
0x29: {  	s4 =	sld [smem:$0x3FA9]  }
0x2a: {  	p0 =	seq.s32 s5, $0x0;
	s5 =	sld [smem:$0x3FAA]  }
0x2b: {  	s6 =	sld [smem:$0x3FAB]  }
0x2c: {  	s7 =	sld [smem:$0x3FAC]  }
0x2d: {  	s3 =	simm.s32 $0x108;
	s8 =	sld [smem:$0x3FAD]  }
0x2e: {  	s3 =	simm.s32 @!p0 $0x1082;
	s9 =	sld [smem:$0x3FAE]  }
0x2f: {  	lr =	sadd.s32 s0, s3;
	s0 =	sld [smem:$0x3FA5]  }
0x30: {  	s3 =	sld [smem:$0x3FA8]  }
0x31: {  	[smem:$0x3FB1] =	sst s10  }
0x32: {  	s10 =	sld [smem:$0x3FAF];
	_ =	sdelay $0x3  }
0x33: {  	p0 =	seq.s32 s10, $0x1;
	s10 =	sld [smem:$0x3FB1];
	_ =	sdelay $0x3  }
0x34: {  	[smem:$0x3FB1] =	sst s10  }
0x35: {  	s10 =	sld [smem:$0x3FB0];
	_ =	sdelay $0x3  }
0x36: {  	p1 =	seq.s32 s10, $0x1;
	s10 =	sld [smem:$0x3FB1];
	_ =	sdelay $0x3  }
0x37: {  	[smem:$0x3FB1] =	sst s10  }
0x38: {  	s10 =	sld [smem:$0x3FB2]  }
0x39: {  	_ = 	snop;
	(pc) =	sbr.ind lr, $3  }
0x3a: {  	_ = 	snop  }
0x3b: {  	_ = 	snop  }
0x3c: {  	p2 =	seq.s32 s10, $0x1;
	s10 =	sld [smem:$0x3FB1]  }
0x3d: {  	_ =	shalt  }
0x3e: {  	_ =	shalt  }
0x3f: {  	_ =	shalt  }
0x40: {  	_ =	shalt  }
0x41: {  	_ =	shalt  }
0x42: {  	_ =	shalt  }
0x43: {  	_ =	shalt  }
0x44: {  	_ =	shalt  }
0x45: {  	_ =	shalt  }
0x46: {  	_ =	shalt  }
0x47: {  	_ =	shalt  }
0x48: {  	_ =	shalt  }
0x49: {  	_ =	shalt  }
0x4a: {  	_ =	shalt  }
0x4b: {  	_ =	shalt  }
0x4c: {  	_ =	shalt  }
0x4d: {  	_ =	shalt  }
0x4e: {  	_ =	shalt  }
0x4f: {  	_ =	shalt  }
0x50: {  	_ =	shalt  }
0x51: {  	_ =	shalt  }
0x52: {  	_ =	shalt  }
0x53: {  	_ =	shalt  }
0x54: {  	_ =	shalt  }
0x55: {  	_ =	shalt  }
0x56: {  	_ =	shalt  }
0x57: {  	_ =	shalt  }
0x58: {  	_ =	shalt  }
0x59: {  	_ =	shalt  }
0x5a: {  	_ =	shalt  }
0x5b: {  	_ =	shalt  }
0x5c: {  	_ =	shalt  }
0x5d: {  	_ =	shalt  }
0x5e: {  	_ =	shalt  }
0x5f: {  	_ =	shalt  }
0x60: {  	_ =	shalt  }
0x61: {  	_ =	shalt  }
0x62: {  	_ =	shalt  }
0x63: {  	_ =	shalt  }
0x64: {  	_ =	shalt  }
0x65: {  	_ =	shalt  }
0x66: {  	_ =	shalt  }
0x67: {  	_ =	shalt  }
0x68: {  	_ =	shalt  }
0x69: {  	_ =	shalt  }
0x6a: {  	_ =	shalt  }
0x6b: {  	_ =	shalt  }
0x6c: {  	_ =	shalt  }
0x6d: {  	_ =	shalt  }
0x6e: {  	_ =	shalt  }
0x6f: {  	_ =	shalt  }
0x70: {  	_ =	shalt  }
0x71: {  	_ =	shalt  }
0x72: {  	_ =	shalt  }
0x73: {  	_ =	shalt  }
0x74: {  	_ =	shalt  }
0x75: {  	_ =	shalt  }
0x76: {  	_ =	shalt  }
0x77: {  	_ =	shalt  }
0x78: {  	_ =	shalt  }
0x79: {  	_ =	shalt  }
0x7a: {  	_ =	shalt  }
0x7b: {  	_ =	shalt  }
0x7c: {  	_ =	shalt  }
0x7d: {  	_ =	shalt  }
0x7e: {  	_ =	shalt  }
0x7f: {  	_ =	shalt  }
0x80: {  	_ =	shalt  }
0x81: {  	_ =	shalt  }
0x82: {  	_ =	shalt  }
0x83: {  	_ =	shalt  }
0x84: {  	_ =	shalt  }
0x85: {  	_ =	shalt  }
0x86: {  	_ =	shalt  }
0x87: {  	_ =	shalt  }
.Lfunc_end0:
.L_simem_size_0:
called_computation.2_lowered:
.L_overlay_start_0:
0x88: {  	s2 =	sld [smem:$0x3FD9]  }
0x89: {  	s3 =	sld [smem:$0x3FFE];
	_ =	sdelay $0x1  }
0x8a: {  	s1 =	srdreg.scid  }
0x8b: {  	s0 =	sand.u32 $0x1, s1  }
0x8c: {  	s16 =	sshll.u32 s0, $0xA;
	s2 =	sadd.s32 s3, s2  }
0x8d: {  	s2 =	sadd.s32 s2, s16  }
0x8e: {  	[smem:$0x3FBD] =	sst s2  }
0x8f: {  	_ = 	snop  }
0x90: {  	(tm) =	ssettm $0x1  }
0x91: {  	s17 =	sld [smem:$0x3FFB];
	_ =	sdelay $0x3  }
0x92: {  	_ =	strace s17  }
0x93: {  	s2 =	sld [smem:$0x3FFC];
	_ =	sdelay $0x3  }
0x94: {  	_ =	strace s2  }
0x95: {  	s2 =	sld [smem:$0x3FFD];
	_ =	sdelay $0x3  }
0x96: {  	_ =	strace s2  }
0x97: {  	_ =	strace $0x8FFFFFFF  }
0x98: {  	s18 =	sld [smem:$0x3FDB];
	_ =	sdelay $0x1  }
0x99: {  	s19 =	simm.s32 $_scs_section_size  }
0x9a: {  	s4 =	simm.s32 $_size__tile_overlayer_lowered;
	s5 =	simm.s32 $_tile_overlayer_lowered  }
0x9b: {  	s22 =	simm.s32 $0x1BFF;
	s21 =	sshll.u32 s5, $0x1;
	s2 =	sadd.s32 s19, s18  }
0x9c: {  	s6 =	simm.s32 $0x0;
	s20 =	sshll.u32 s4, $0x1;
	s4 =	sadd.s32 s21, s2  }
0x9d: {  	[timem:s6], [sflag:s22] =	dma.local [hbm:s4], s20  }
0x9e: {  	_ =	swait.ge [sflag:s22], s20  }
0x9f: {  	s3 =	ssub.s32 $0x0, s20;
	[sflag:s22] =	ssyncset.done $0x0  }
0xa0: {  	[sflag:s22] =	ssyncadd.s32 s3;
	_ =	sdelay $0x1  }
0xa1: {  	s23 =	simm.s32 $0x1B8B  }
0xa2: {  	_ =	swait.ge [sflag:s23], $0x1  }
0xa3: {  	[sflag:s23] =	ssyncset.done $0x0  }
0xa4: {  	s25 =	simm.s32 $0x1B8E;
	s24 =	sld [smem:$0x3FFE];
	[sflag:s23] =	ssyncadd.s32 $0xFFFFFFFF  }
0xa5: {  	s26 =	simm.s32 $execute0_lowered;
	[smem:$0x3FD2] =	sst s25  }
0xa6: {  	s4 =	sshll.u32 s26, $0x1;
	_ =	strace $0x8000004C;
	[dreg:$0x1] =	wrdreg $0xFFFFFFFF  }
0xa7: {  	s28 =	simm.s32 $_size_execute0_lowered;
	s2 =	sadd.s32 s2, s4;
	[dreg:$0x0] =	wrdreg $0x0  }
0xa8: {  	s4 =	sshll.u32 s28, $0x1;
	[dreg:$0x2] =	wrdreg s2  }
0xa9: {  	[dreg:$0x3] =	wrdreg s4  }
0xaa: {  	[dreg:$0x4] =	wrdreg $0xC0  }
0xab: {  	_ =	task [dreg:s6], $0x5FFFF  }
0xac: {  	[dreg:$0x1] =	wrdreg $0xFFFFFFFF  }
0xad: {  	[dreg:$0x0] =	wrdreg $0x60  }
0xae: {  	[dreg:$0x2] =	wrdreg s24  }
0xaf: {  	[dreg:$0x3] =	wrdreg $0xC3000  }
0xb0: {  	[dreg:$0x4] =	wrdreg $0x9  }
0xb1: {  	_ =	task.clear_ibuf [dreg:s6], $0x5FFFF;
	_ =	strace $0x9000004C  }
0xb2: {  	s29 =	simm.s32 $0x9;
	_ =	strace $0x8000004E  }
0xb3: {  	_ =	swait.ge [sflag:s29], $0x1  }
0xb4: {  	[sflag:s29] =	ssyncadd.s32 $0xFFFFFFFF  }
0xb5: {  	_ =	strace $0x9000004E  }
0xb6: {  	_ =	sfence  }
0xb7: {  	s30 =	sld [smem:$0x0];
	_ =	sdelay $0x2  }
0xb8: {  	s31 =	sshll.u32 s1, $0xD;
	s1 =	sshrl.u32 s1, $0x2  }
0xb9: {  	s3 =	sand.u32 $0x4000, s31;
	s1 =	sadd.s32 s1, s30  }
0xba: {  	s0 =	sor.u32 s3, s0;
	s1 =	sshll.u32 s1, $0x11  }
0xbb: {  	s0 =	sor.u32 s1, s0  }
0xbc: {  	s0 =	sadd.s32 $0x8F2B, s0  }
0xbd: {  	[sflag:s0] =	ssyncadd.remote.s32 $0x1  }
0xbe: {  	_ =	sfence.sel $0xFFFF  }
0xbf: {  	[dreg:$0x0] =	wrdreg $0xFFFFFFFF;
	(pc) =	sbr.abs _section_cstart, $3  }
0xc0: {  	[dreg:$0x1] =	wrdreg $0xFFFFFFFF  }
0xc1: {  	_ =	task.clear_ibuf [dreg:s6], $0x2FFFF;
	_ =	strace $0x9FFFFFFF  }
0xc2: {  	(tm) =	ssettm $0x7FFFFFFF  }
0xc3: {  	_ =	shalt  }
tec
execute0_lowered:
.L_overlay_start_1:
0x0: {  	(tag) =	ssettag $0x1  }
0x1: {  	s0 =	rddreg [dreg:$0x0]  }
0x2: {  	s2 =	rddreg [dreg:$0x1];
	s3 =	simm.s32 $0x0;
	s12 =	stileid.u32  }
0x3: {  	s1 =	srdreg.scid;
	s28 =	simm.s32 $0x2;
	s29 =	simm.s32 $0x4300  }
0x4: {  	s31 =	simm.s32 $0x3;
	s13 =	simm.s32 $0x6;
	[smem:$0x7FF] =	sst s3  }
0x5: {  	s7 =	smul.u32 $0x2780, s12;
	s1 =	sand.u32 $0x1, s1;
	s4 =	sadd.s32 $0xD600, s0  }
0x6: {  	s5 =	sadd.s32 $0x3400, s0;
	s6 =	sadd.s32 $0x17800, s0;
	s14 =	smul.u32 $0x4F000, s12  }
0x7: {  	s10 =	sshll.u32 s12, $0x1;
	s16 =	sshll.u32 s12, $0x6;
	s21 =	smul.u32 $0x5100, s12  }
0x8: {  	s12 =	simm.s32 $0x5;
	_ =	strace $0x8000004D;
	s8 =	smul.u32 $0x27800, s1  }
0x9: {  	s15 =	ssub.s32 $0x2, s1;
	s10 =	sor.u32 s1, s10;
	[dreg:$0x4] =	wrdreg s16  }
0xa: {  	s17 =	sor.u32 $0x1C0A, s16;
	s1 =	smul.u32 $0x2880, s1;
	s9 =	sadd.s32 s7, s0  }
0xb: {  	s11 =	sshrl.u32 s15, $0x1;
	s10 =	smul.u32 $0x2880, s10;
	[dreg:$0x6] =	wrdreg s17  }
0xc: {  	s7 =	sadd.s32 s7, s8;
	s8 =	sshrl.u32 s14, $0x2;
	s9 =	sadd.s32 $0x3F000, s9  }
0xd: {  	s1 =	sadd.s32 s1, s21;
	s21 =	simm.s32 $0x80;
	s14 =	simm.s32 $0x0  }
0xe: {  	s0 =	sadd.s32 s7, s0;
	s7 =	ssub.s32 s15, s11;
	s8 =	sadd.s32 s8, s2  }
0xf: {  	[dreg:$0x5] =	wrdreg s9;
	s18 =	sshrl.u32 s10, $0x3;
	s19 =	sadd.s32 $0x2800, s10  }
0x10: {  	[dreg:$0x3] =	wrdreg s1;
	s1 =	simm.s32 $0x7;
	s20 =	sadd.s32 s4, s18  }
0x11: {  	s11 =	simm.s32 $0x8;
	s22 =	sadd.s32 s5, s18;
	[dreg:$0x7] =	wrdreg s20  }
0x12: {  	s23 =	sadd.s32 $0x10, s18;
	s0 =	sadd.s32 $0x66800, s0;
	[dreg:$0x8] =	wrdreg s22  }
0x13: {  	s9 =	sadd.s32 $0x20, s18;
	s30 =	smax.u32 s7, $0x1;
	[dreg:$0xd] =	wrdreg s0  }
0x14: {  	s16 =	sshrl.u32 s8, $0x3;
	s8 =	simm.s32 $0x4;
	[dreg:$0xe] =	wrdreg s30  }
0x15: {  	s7 =	simm.s32 $0x9;
	s24 =	sadd.s32 s4, s23;
	[dreg:$0xf] =	wrdreg s16  }
0x16: {  	s25 =	sadd.s32 s5, s23;
	s26 =	sadd.s32 s4, s9;
	[dreg:$0x9] =	wrdreg s24  }
0x17: {  	s9 =	sadd.s32 s5, s9;
	s20 =	simm.s32 $0x180;
	[dreg:$0xa] =	wrdreg s25  }
0x18: {  	s22 =	simm.s32 $0x200;
	s23 =	simm.s32 $0x100;
	[dreg:$0xb] =	wrdreg s26  }
0x19: {  	s0 =	simm.s32 $0x8300;
	[dreg:$0xc] =	wrdreg s9;
	s24 =	simm.s32 $0x280  }
0x1a: {  	s25 =	simm.s32 $0x1;
	s26 =	simm.s32 $0x300;
	s9 =	simm.s32 $0xB  }
.LBB2_1:
0x1b: {  	s10 =	rddreg [dreg:$0x5]  }
0x1c: {  	s15 =	rddreg [dreg:$0x6]  }
0x1d: {  	[spmem:s16], [sflag:s15] =	dma.local [hbm:s10], $0x2780  }
0x1e: {  	s10 =	rddreg [dreg:$0x7]  }
0x1f: {  	[tilespmem:s3], [sflag:$0x1] =	stream.linear.gather [hbm4b:s10+s3], $0x80, $0x38;
	[tilespmem:$0x1FF00] =	vst v63  }
0x20: {  	s17 =	rddreg [dreg:$0x8]  }
0x21: {  	[tilespmem:s20], [sflag:$0x4] =	stream.linear.gather [hbm4b:s17+s3], $0x80, $0x38;
	[tilespmem:$0x1FF00] =	vst v63  }
0x22: {  	s18 =	rddreg [dreg:$0x9]  }
0x23: {  	[tilespmem:s21], [sflag:$0x2] =	stream.linear.gather [hbm4b:s18+s3], $0x80, $0x38;
	[tilespmem:$0x1FF00] =	vst v63  }
0x24: {  	s30 =	rddreg [dreg:$0xa]  }
0x25: {  	[tilespmem:s22], [sflag:$0x5] =	stream.linear.gather [hbm4b:s30+s3], $0x80, $0x38;
	[tilespmem:$0x1FF00] =	vst v63  }
0x26: {  	s15 =	rddreg [dreg:$0xb]  }
0x27: {  	[tilespmem:s23], [sflag:$0x3] =	stream.linear.gather [hbm4b:s15+s3], $0x80, $0x38;
	[tilespmem:$0x1FF00] =	vst v63  }
0x28: {  	s16 =	rddreg [dreg:$0xc]  }
0x29: {  	[tilespmem:s24], [sflag:$0x6] =	stream.linear.gather [hbm4b:s16+s3], $0x80, $0x38;
	[tilespmem:$0x1FF00] =	vst v63  }
0x2a: {  	_ =	swait.ge [sflag:s25], $0x80  }
0x2b: {  	[sflag:s25] =	ssyncset.done $0x0  }
0x2c: {  	[sflag:s25] =	ssyncadd.s32 $0xFFFFFF80  }
0x2d: {  	[tilespmem:s26], [sflag:$0x7] =	stream.indirect.gather [hbm4b:s6+s21], $0x80, s3, s21, $0xb8;
	[tilespmem:$0x1FF00] =	vst v63  }
0x2e: {  	_ =	swait.ge [sflag:s28], $0x80  }
0x2f: {  	[sflag:s28] =	ssyncset.done $0x0  }
0x30: {  	s17 =	simm.s32 $0xA;
	[sflag:s28] =	ssyncadd.s32 $0xFFFFFF80  }
0x31: {  	[tilespmem:s29], [sflag:$0x8] =	stream.indirect.gather [hbm4b:s6+s21], $0x80, s21, s21, $0xb8;
	[tilespmem:$0x1FF00] =	vst v63  }
0x32: {  	_ =	swait.ge [sflag:s17], $0x2780  }
0x33: {  	[sflag:s17] =	ssyncset.done $0x0  }
0x34: {  	[sflag:s17] =	ssyncadd.s32 $0xFFFFD880  }
0x35: {  	[bflag:$0x0] =	sbarrier.arrive $0xFFFF  }
0x36: {  	_ =	swait.ge [sflag:s31], $0x80  }
0x37: {  	[sflag:s31] =	ssyncset.done $0x0  }
0x38: {  	[sflag:s31] =	ssyncadd.s32 $0xFFFFFF80  }
0x39: {  	[tilespmem:s0], [sflag:$0x9] =	stream.indirect.gather [hbm4b:s6+s21], $0x80, s23, s21, $0xb8;
	[tilespmem:$0x1FF00] =	vst v63  }
0x3a: {  	_ =	swait.ge [sflag:s1], $0x4000  }
0x3b: {  	[sflag:s1] =	ssyncset.done $0x0  }
0x3c: {  	[sflag:s1] =	ssyncadd.s32 $0xFFFFC000  }
0x3d: {  	_ =	swait.ge [sflag:s8], $0x80  }
0x3e: {  	[sflag:s8] =	ssyncset.done $0x0  }
0x3f: {  	[sflag:s8] =	ssyncadd.s32 $0xFFFFFF80  }
0x40: {  	[spmem:s2] =	stream.indirect.scatter.add.f32 [tilespmem:s26], [sflag:$0xB], $0x80, s20, s21, $0xb8;
	[tilespmem:$0x1FF00] =	vst v63  }
0x41: {  	_ =	swait.ge [sflag:s9], $0x4000  }
0x42: {  	s18 =	rddreg [dreg:$0x3]  }
0x43: {  	s15 =	sadd.s32 $0xFFFFD780, s18  }
0x44: {  	s16 =	sadd.s32 $0x2A00, s15  }
0x45: {  	s17 =	smov.u32 s19;
	p0 =	slt.s32 s16, s19  }
0x46: {  	s17 =	smov.u32 @p0 s16  }
0x47: {  	[sflag:s9] =	ssyncset.done $0x0;
	s16 =	sshrl.u32 s17, $0x3  }
0x48: {  	[sflag:s9] =	ssyncadd.s32 $0xFFFFC000;
	s17 =	sadd.s32 s4, s16  }
0x49: {  	[tilespmem:s3], [sflag:$0x1] =	stream.linear.gather [hbm4b:s17+s3], $0x80, $0x38;
	[tilespmem:$0x1FF00] =	vst v63  }
0x4a: {  	s16 =	sadd.s32 s5, s16  }
0x4b: {  	[tilespmem:s20], [sflag:$0x4] =	stream.linear.gather [hbm4b:s16+s3], $0x80, $0x38;
	[tilespmem:$0x1FF00] =	vst v63  }
0x4c: {  	_ =	swait.ge [sflag:s25], $0x80  }
0x4d: {  	[sflag:s25] =	ssyncset.done $0x0  }
0x4e: {  	[sflag:s25] =	ssyncadd.s32 $0xFFFFFF80  }
0x4f: {  	[tilespmem:s26], [sflag:$0x7] =	stream.indirect.gather [hbm4b:s6+s21], $0x80, s3, s21, $0xb8;
	[tilespmem:$0x1FF00] =	vst v63  }
0x50: {  	_ =	swait.ge [sflag:s11], $0x4000  }
0x51: {  	[sflag:s11] =	ssyncset.done $0x0  }
0x52: {  	[sflag:s11] =	ssyncadd.s32 $0xFFFFC000  }
0x53: {  	_ =	swait.ge [sflag:s12], $0x80  }
0x54: {  	s16 =	sadd.s32 $0x2A80, s15;
	[sflag:s12] =	ssyncset.done $0x0  }
0x55: {  	s17 =	smov.u32 s19;
	p0 =	slt.s32 s16, s19;
	[sflag:s12] =	ssyncadd.s32 $0xFFFFFF80  }
0x56: {  	[spmem:s2] =	stream.indirect.scatter.add.f32 [tilespmem:s29], [sflag:$0xB], $0x80, s22, s21, $0xb8;
	[tilespmem:$0x1FF00] =	vst v63  }
0x57: {  	s17 =	smov.u32 @p0 s16;
	_ =	swait.ge [sflag:s9], $0x4000  }
0x58: {  	s16 =	sshrl.u32 s17, $0x3;
	[sflag:s9] =	ssyncset.done $0x0  }
0x59: {  	s17 =	sadd.s32 s4, s16;
	[sflag:s9] =	ssyncadd.s32 $0xFFFFC000  }
0x5a: {  	[tilespmem:s21], [sflag:$0x2] =	stream.linear.gather [hbm4b:s17+s3], $0x80, $0x38;
	[tilespmem:$0x1FF00] =	vst v63  }
0x5b: {  	s16 =	sadd.s32 s5, s16  }
0x5c: {  	[tilespmem:s22], [sflag:$0x5] =	stream.linear.gather [hbm4b:s16+s3], $0x80, $0x38;
	[tilespmem:$0x1FF00] =	vst v63  }
0x5d: {  	_ =	swait.ge [sflag:s28], $0x80  }
0x5e: {  	[sflag:s28] =	ssyncset.done $0x0  }
0x5f: {  	[sflag:s28] =	ssyncadd.s32 $0xFFFFFF80  }
0x60: {  	[tilespmem:s29], [sflag:$0x8] =	stream.indirect.gather [hbm4b:s6+s21], $0x80, s21, s21, $0xb8;
	[tilespmem:$0x1FF00] =	vst v63  }
0x61: {  	_ =	swait.ge [sflag:s7], $0x4000  }
0x62: {  	[sflag:s7] =	ssyncset.done $0x0  }
0x63: {  	[sflag:s7] =	ssyncadd.s32 $0xFFFFC000  }
0x64: {  	_ =	swait.ge [sflag:s13], $0x80  }
0x65: {  	s15 =	sadd.s32 $0x2B00, s15;
	[sflag:s13] =	ssyncset.done $0x0  }
0x66: {  	p0 =	slt.s32 s15, s19;
	s16 =	smov.u32 s19;
	[sflag:s13] =	ssyncadd.s32 $0xFFFFFF80  }
0x67: {  	[spmem:s2] =	stream.indirect.scatter.add.f32 [tilespmem:s0], [sflag:$0xB], $0x80, s24, s21, $0xb8;
	[tilespmem:$0x1FF00] =	vst v63  }
0x68: {  	s16 =	smov.u32 @p0 s15;
	_ =	swait.ge [sflag:s9], $0x4000  }
0x69: {  	s15 =	simm.s32 $0xFFFFD900;
	s16 =	sshrl.u32 s16, $0x3;
	[sflag:s9] =	ssyncset.done $0x0  }
0x6a: {  	s30 =	sadd.s32 s4, s16;
	s16 =	sadd.s32 s5, s16;
	[sflag:s9] =	ssyncadd.s32 $0xFFFFC000  }
0x6b: {  	[tilespmem:s23], [sflag:$0x3] =	stream.linear.gather [hbm4b:s30+s3], $0x80, $0x38;
	[tilespmem:$0x1FF00] =	vst v63  }
.LBB2_2:
0x6c: {  	[tilespmem:s24], [sflag:$0x6] =	stream.linear.gather [hbm4b:s16+s3], $0x80, $0x38;
	[tilespmem:$0x1FF00] =	vst v63  }
0x6d: {  	_ =	swait.ge [sflag:s31], $0x80  }
0x6e: {  	[sflag:s31] =	ssyncset.done $0x0  }
0x6f: {  	[sflag:s31] =	ssyncadd.s32 $0xFFFFFF80  }
0x70: {  	[tilespmem:s0], [sflag:$0x9] =	stream.indirect.gather [hbm4b:s6+s21], $0x80, s23, s21, $0xb8;
	[tilespmem:$0x1FF00] =	vst v63  }
0x71: {  	_ =	swait.ge [sflag:s1], $0x4000  }
0x72: {  	[sflag:s1] =	ssyncset.done $0x0  }
0x73: {  	[sflag:s1] =	ssyncadd.s32 $0xFFFFC000  }
0x74: {  	_ =	swait.ge [sflag:s8], $0x80  }
0x75: {  	[sflag:s8] =	ssyncset.done $0x0  }
0x76: {  	[sflag:s8] =	ssyncadd.s32 $0xFFFFFF80  }
0x77: {  	[spmem:s2] =	stream.indirect.scatter.add.f32 [tilespmem:s26], [sflag:$0xB], $0x80, s20, s21, $0xb8;
	[tilespmem:$0x1FF00] =	vst v63  }
0x78: {  	_ =	swait.ge [sflag:s9], $0x4000  }
0x79: {  	s18 =	smov.u32 s15;
	s17 =	rddreg [dreg:$0x3]  }
0x7a: {  	s16 =	sadd.s32 s18, s17  }
0x7b: {  	s17 =	sadd.s32 $0x2A00, s16  }
0x7c: {  	s10 =	smov.u32 s19;
	p1 =	slt.s32 s17, s19  }
0x7d: {  	[sflag:s9] =	ssyncset.done $0x0;
	s18 =	sadd.s32 $0x2A80, s16;
	s10 =	smov.u32 @p1 s17  }
0x7e: {  	p2 =	slt.s32 s18, s19;
	s17 =	smov.u32 s19;
	s10 =	sshrl.u32 s10, $0x3  }
0x7f: {  	[sflag:s9] =	ssyncadd.s32 $0xFFFFC000;
	s17 =	smov.u32 @p2 s18;
	s18 =	sadd.s32 s4, s10  }
0x80: {  	[tilespmem:s3], [sflag:$0x1] =	stream.linear.gather [hbm4b:s18+s3], $0x80, $0x38;
	[tilespmem:$0x1FF00] =	vst v63  }
0x81: {  	s10 =	sadd.s32 s5, s10  }
0x82: {  	[tilespmem:s20], [sflag:$0x4] =	stream.linear.gather [hbm4b:s10+s3], $0x80, $0x38;
	[tilespmem:$0x1FF00] =	vst v63  }
0x83: {  	_ =	swait.ge [sflag:s25], $0x80  }
0x84: {  	[sflag:s25] =	ssyncset.done $0x0  }
0x85: {  	[sflag:s25] =	ssyncadd.s32 $0xFFFFFF80  }
0x86: {  	[tilespmem:s26], [sflag:$0x7] =	stream.indirect.gather [hbm4b:s6+s21], $0x80, s3, s21, $0xb8;
	[tilespmem:$0x1FF00] =	vst v63  }
0x87: {  	_ =	swait.ge [sflag:s11], $0x4000  }
0x88: {  	[sflag:s11] =	ssyncset.done $0x0  }
0x89: {  	[sflag:s11] =	ssyncadd.s32 $0xFFFFC000  }
0x8a: {  	_ =	swait.ge [sflag:s12], $0x80  }
0x8b: {  	[sflag:s12] =	ssyncset.done $0x0  }
0x8c: {  	s16 =	sadd.s32 $0x2B00, s16;
	[sflag:s12] =	ssyncadd.s32 $0xFFFFFF80  }
0x8d: {  	[spmem:s2] =	stream.indirect.scatter.add.f32 [tilespmem:s29], [sflag:$0xB], $0x80, s22, s21, $0xb8;
	[tilespmem:$0x1FF00] =	vst v63  }
0x8e: {  	s30 =	smov.u32 s19;
	p3 =	slt.s32 s16, s19;
	_ =	swait.ge [sflag:s9], $0x4000  }
0x8f: {  	s30 =	smov.u32 @p3 s16;
	s17 =	sshrl.u32 s17, $0x3;
	[sflag:s9] =	ssyncset.done $0x0  }
0x90: {  	s16 =	sshrl.u32 s30, $0x3;
	s30 =	sadd.s32 s4, s17;
	[sflag:s9] =	ssyncadd.s32 $0xFFFFC000  }
0x91: {  	[tilespmem:s21], [sflag:$0x2] =	stream.linear.gather [hbm4b:s30+s3], $0x80, $0x38;
	[tilespmem:$0x1FF00] =	vst v63  }
0x92: {  	s18 =	sadd.s32 s5, s17  }
0x93: {  	[tilespmem:s22], [sflag:$0x5] =	stream.linear.gather [hbm4b:s18+s3], $0x80, $0x38;
	[tilespmem:$0x1FF00] =	vst v63  }
0x94: {  	_ =	swait.ge [sflag:s28], $0x80  }
0x95: {  	[sflag:s28] =	ssyncset.done $0x0  }
0x96: {  	[sflag:s28] =	ssyncadd.s32 $0xFFFFFF80  }
0x97: {  	[tilespmem:s29], [sflag:$0x8] =	stream.indirect.gather [hbm4b:s6+s21], $0x80, s21, s21, $0xb8;
	[tilespmem:$0x1FF00] =	vst v63  }
0x98: {  	_ =	swait.ge [sflag:s7], $0x4000  }
0x99: {  	[sflag:s7] =	ssyncset.done $0x0  }
0x9a: {  	[sflag:s7] =	ssyncadd.s32 $0xFFFFC000  }
0x9b: {  	_ =	swait.ge [sflag:s13], $0x80  }
0x9c: {  	[sflag:s13] =	ssyncset.done $0x0  }
0x9d: {  	p0 =	sne.s32 s15, $0xFFFFFE80;
	[sflag:s13] =	ssyncadd.s32 $0xFFFFFF80  }
0x9e: {  	[spmem:s2] =	stream.indirect.scatter.add.f32 [tilespmem:s0], [sflag:$0xB], $0x80, s24, s21, $0xb8;
	[tilespmem:$0x1FF00] =	vst v63  }
.Ltmp0:
0x9f: {  	_ = 	snop;
	(pc) =	sbr.rel @p0 .LBB2_2-.Ltmp0, $4  }
0xa0: {  	_ =	swait.ge [sflag:s9], $0x4000  }
0xa1: {  	s15 =	sadd.s32 $0x180, s15;
	[sflag:s9] =	ssyncset.done $0x0  }
0xa2: {  	s30 =	sadd.s32 s4, s16;
	s16 =	sadd.s32 s5, s16;
	[sflag:s9] =	ssyncadd.s32 $0xFFFFC000  }
0xa3: {  	[tilespmem:s23], [sflag:$0x3] =	stream.linear.gather [hbm4b:s30+s3], $0x80, $0x38;
	[tilespmem:$0x1FF00] =	vst v63  }
0xa4: {  	[tilespmem:s24], [sflag:$0x6] =	stream.linear.gather [hbm4b:s16+s3], $0x80, $0x38;
	[tilespmem:$0x1FF00] =	vst v63  }
0xa5: {  	_ =	swait.ge [sflag:s31], $0x80  }
0xa6: {  	[sflag:s31] =	ssyncset.done $0x0  }
0xa7: {  	[sflag:s31] =	ssyncadd.s32 $0xFFFFFF80  }
0xa8: {  	_ =	swait.ge [sflag:s8], $0x80  }
0xa9: {  	[sflag:s8] =	ssyncset.done $0x0  }
0xaa: {  	[sflag:s8] =	ssyncadd.s32 $0xFFFFFF80  }
0xab: {  	_ =	swait.ge [sflag:s12], $0x80  }
0xac: {  	[sflag:s12] =	ssyncset.done $0x0  }
0xad: {  	[sflag:s12] =	ssyncadd.s32 $0xFFFFFF80  }
0xae: {  	_ =	swait.ge [sflag:s13], $0x80  }
0xaf: {  	[sflag:s13] =	ssyncset.done $0x0  }
0xb0: {  	[sflag:s13] =	ssyncadd.s32 $0xFFFFFF80  }
0xb1: {  	_ =	swait.ge [sflag:s1], $0x4000  }
0xb2: {  	[sflag:s1] =	ssyncset.done $0x0  }
0xb3: {  	[sflag:s1] =	ssyncadd.s32 $0xFFFFC000  }
0xb4: {  	_ =	swait.ge [sflag:s11], $0x4000  }
0xb5: {  	[sflag:s11] =	ssyncset.done $0x0  }
0xb6: {  	[sflag:s11] =	ssyncadd.s32 $0xFFFFC000  }
0xb7: {  	[bflag:$0x0] =	sbarrier.arrive $0xFFFF  }
0xb8: {  	s10 =	rddreg [dreg:$0x4]  }
0xb9: {  	s15 =	rddreg [dreg:$0xd]  }
0xba: {  	s16 =	rddreg [dreg:$0xf];
	s10 =	sor.u32 $0x1C0B, s10  }
0xbb: {  	[hbm:s15], [sflag:s10] =	dma.local [spmem:s16], $0x2780  }
0xbc: {  	_ =	swait.ge [sflag:s9], $0x2780  }
0xbd: {  	s14 =	sadd.s32 $0x1, s14;
	s30 =	rddreg [dreg:$0xe]  }
0xbe: {  	p0 =	sne.s32 s14, s30  }
.Ltmp1:
0xbf: {  	_ = 	snop;
	(pc) =	sbr.rel @p0 .LBB2_1-.Ltmp1, $3  }
0xc0: {  	_ =	sdelay $0x1  }
0xc1: {  	[sflag:s9] =	ssyncset.done $0x0  }
0xc2: {  	[sflag:s9] =	ssyncadd.s32 $0xFFFFD880  }
0xc3: {  	_ =	sfence.sel $0x180000  }
0xc4: {  	[bflag:$0x0] =	sbarrier.arrive $0xFFFF  }
0xc5: {  	_ =	strace $0x9000004D  }
0xc6: {  	s0 =	stileid.u32;
	[bflag:$0x2] =	sbarrier.arrive $0xFFFF  }
0xc7: {  	p0 =	sne.s32 s0, $0x0;
	s0 =	rddreg [dreg:$0x2]  }
0xc8: {  	s0 =	sadd.s32 @!p0 $0x100000, s0  }
0xc9: {  	[sflag:s0] =	ssyncadd.tile.s32 @!p0 $0x1;
	_ =	shalt  }
.Lfunc_end2:
_tile_overlayer_lowered:
.L_overlay_start_2:
0xca: {  	(tag) =	ssettag $0x2  }
0xcb: {  	s0 =	rddreg [dreg:$0x0];
	s2 =	stileid.u32  }
0xcc: {  	s1 =	rddreg [dreg:$0x1];
	p0 =	sne.s32 s2, $0x0  }
0xcd: {  	s3 =	rddreg [dreg:$0x2];
	[bflag:$0x3] =	sbarrier.arrive $0xFFFF;
	s2 =	simm.s32 @!p0 $0x1C0B  }
0xce: {  	[timem:s3], [sflag:s2] =	dma.local @!p0 [hbm:s0], s1  }
0xcf: {  	s0 =	simm.s32 @!p0 $0xB  }
0xd0: {  	_ =	swait.ge @!p0 [sflag:s0], s1  }
0xd1: {  	s1 =	ssub.s32 @!p0 $0x0, s1;
	[sflag:s0] =	ssyncset.done @!p0 $0x0  }
0xd2: {  	[sflag:s0] =	ssyncadd.s32 @!p0 s1  }
0xd3: {  	[bflag:$0x3] =	sbarrier.arrive $0xFFFF  }
0xd4: {  	_ =	shalt  }

// kernel: kernel.9.cloned.1.call-start
scs
__scs_entry_jumppad:
0x0: {  	(pc) =	sbr.rel $0x88, $3  }
0x1: {  	(tag) =	ssettag $0x0;
	lr =	simm.s32 $0x1  }
0x2: {  	[smem:$0x3F96] =	sst lr;
	_ =	strace $0xD0000000  }
0x3: {  	_ = 	snop  }
0x4: {  	_ = 	snop  }
0x5: {  	_ = 	snop  }
0x6: {  	_ = 	snop  }
0x7: {  	_ = 	snop  }
__scs_overlays_trampoline_lowered:
0x8: {  	[smem:$0x3FA5] =	sst s0  }
0x9: {  	[smem:$0x3FA6] =	sst s1  }
0xa: {  	[smem:$0x3FA7] =	sst s2  }
0xb: {  	[smem:$0x3FA8] =	sst s3  }
0xc: {  	[smem:$0x3FA9] =	sst s4  }
0xd: {  	[smem:$0x3FAA] =	sst s5  }
0xe: {  	[smem:$0x3FAB] =	sst s6  }
0xf: {  	[smem:$0x3FAC] =	sst s7  }
0x10: {  	[smem:$0x3FAD] =	sst s8  }
0x11: {  	[smem:$0x3FAE] =	sst s9;
	s0 =	simm.s32 @!p0 $0x0  }
0x12: {  	s1 =	sld [smem:$0x3F94];
	s0 =	simm.s32 @p0 $0x1  }
0x13: {  	[smem:$0x3FAF] =	sst s0;
	s0 =	simm.s32 @!p1 $0x0  }
0x14: {  	s2 =	sld [smem:$0x3F93];
	s0 =	simm.s32 @p1 $0x1  }
0x15: {  	[smem:$0x3FB0] =	sst s0;
	s0 =	simm.s32 @!p2 $0x0  }
0x16: {  	s3 =	sld [smem:$0x3FDB];
	s0 =	simm.s32 @p2 $0x1  }
0x17: {  	s4 =	simm.s32 $0x1BF5;
	[smem:$0x3FB2] =	sst s0  }
0x18: {  	s0 =	sld [smem:$0x3F95];
	_ =	swait.ge [sflag:s4], $0x0  }
0x19: {  	s7 =	sld [smem:$0x3F96]  }
0x1a: {  	s8 =	sadd.s32 $0xFFFFE003, lr  }
0x1b: {  	s9 =	sadd.s32 $0xFFFFFEF7, lr;
	s5 =	simm.s32 $0xFFFFFFFF;
	p2 =	slt.u32 s8, $0xFFFFF086  }
0x1c: {  	p1 =	slt.u32 s9, $0xF7A;
	s5 =	simm.s32 @!p2 $0x0  }
0x1d: {  	s5 =	simm.s32 @p1 $0x1;
	p0 =	seq.s32 s7, s2  }
0x1e: {  	s7 =	smul.u32 @!p0 $0xF7A, s2;
	p2 =	seq.s32 @!p0 s5, $0x0  }
0x1f: {  	s9 =	smul.u32 $0xF7A, s1;
	s8 =	simm.s32 @!p0 $0x1BF5;
	p2 =	por !p2, p0  }
0x20: {  	[sflag:s8] =	ssyncset.s32 @!p0 $0xFFFFF086;
	s6 =	sadd.s32 @!p0 s3, s7;
	s7 =	simm.s32 @!p0 $0x108  }
0x21: {  	s3 =	sadd.s32 s3, s9;
	s6 =	sadd.s32 @!p0 $0x88, s6;
	s7 =	simm.s32 @p2 $0x1082  }
0x22: {  	[simem:s7], [sflag:s8] =	dma.local @!p0 [hbm:s6], $0xF7A  }
0x23: {  	s9 =	sor.u32 $0xD0000000, s2;
	s6 =	simm.s32 $0x108;
	_ =	swait.ge @!p0 [sflag:s8], $0x0  }
0x24: {  	s3 =	sadd.s32 $0x88, s3;
	s6 =	simm.s32 @!p1 $0x1082;
	[sflag:s4] =	ssyncset.s32 $0xFFFFF086  }
0x25: {  	[simem:s6], [sflag:s4] =	dma.local [hbm:s3], $0xF7A  }
0x26: {  	[smem:$0x3F96] =	sst s1;
	(tag) =	ssettag s2;
	_ =	strace s9  }
0x27: {  	s1 =	sld [smem:$0x3FA6]  }
0x28: {  	s2 =	sld [smem:$0x3FA7]  }
0x29: {  	s4 =	sld [smem:$0x3FA9]  }
0x2a: {  	p0 =	seq.s32 s5, $0x0;
	s5 =	sld [smem:$0x3FAA]  }
0x2b: {  	s6 =	sld [smem:$0x3FAB]  }
0x2c: {  	s7 =	sld [smem:$0x3FAC]  }
0x2d: {  	s3 =	simm.s32 $0x108;
	s8 =	sld [smem:$0x3FAD]  }
0x2e: {  	s3 =	simm.s32 @!p0 $0x1082;
	s9 =	sld [smem:$0x3FAE]  }
0x2f: {  	lr =	sadd.s32 s0, s3;
	s0 =	sld [smem:$0x3FA5]  }
0x30: {  	s3 =	sld [smem:$0x3FA8]  }
0x31: {  	[smem:$0x3FB1] =	sst s10  }
0x32: {  	s10 =	sld [smem:$0x3FAF];
	_ =	sdelay $0x3  }
0x33: {  	p0 =	seq.s32 s10, $0x1;
	s10 =	sld [smem:$0x3FB1];
	_ =	sdelay $0x3  }
0x34: {  	[smem:$0x3FB1] =	sst s10  }
0x35: {  	s10 =	sld [smem:$0x3FB0];
	_ =	sdelay $0x3  }
0x36: {  	p1 =	seq.s32 s10, $0x1;
	s10 =	sld [smem:$0x3FB1];
	_ =	sdelay $0x3  }
0x37: {  	[smem:$0x3FB1] =	sst s10  }
0x38: {  	s10 =	sld [smem:$0x3FB2]  }
0x39: {  	_ = 	snop;
	(pc) =	sbr.ind lr, $3  }
0x3a: {  	_ = 	snop  }
0x3b: {  	_ = 	snop  }
0x3c: {  	p2 =	seq.s32 s10, $0x1;
	s10 =	sld [smem:$0x3FB1]  }
0x3d: {  	_ =	shalt  }
0x3e: {  	_ =	shalt  }
0x3f: {  	_ =	shalt  }
0x40: {  	_ =	shalt  }
0x41: {  	_ =	shalt  }
0x42: {  	_ =	shalt  }
0x43: {  	_ =	shalt  }
0x44: {  	_ =	shalt  }
0x45: {  	_ =	shalt  }
0x46: {  	_ =	shalt  }
0x47: {  	_ =	shalt  }
0x48: {  	_ =	shalt  }
0x49: {  	_ =	shalt  }
0x4a: {  	_ =	shalt  }
0x4b: {  	_ =	shalt  }
0x4c: {  	_ =	shalt  }
0x4d: {  	_ =	shalt  }
0x4e: {  	_ =	shalt  }
0x4f: {  	_ =	shalt  }
0x50: {  	_ =	shalt  }
0x51: {  	_ =	shalt  }
0x52: {  	_ =	shalt  }
0x53: {  	_ =	shalt  }
0x54: {  	_ =	shalt  }
0x55: {  	_ =	shalt  }
0x56: {  	_ =	shalt  }
0x57: {  	_ =	shalt  }
0x58: {  	_ =	shalt  }
0x59: {  	_ =	shalt  }
0x5a: {  	_ =	shalt  }
0x5b: {  	_ =	shalt  }
0x5c: {  	_ =	shalt  }
0x5d: {  	_ =	shalt  }
0x5e: {  	_ =	shalt  }
0x5f: {  	_ =	shalt  }
0x60: {  	_ =	shalt  }
0x61: {  	_ =	shalt  }
0x62: {  	_ =	shalt  }
0x63: {  	_ =	shalt  }
0x64: {  	_ =	shalt  }
0x65: {  	_ =	shalt  }
0x66: {  	_ =	shalt  }
0x67: {  	_ =	shalt  }
0x68: {  	_ =	shalt  }
0x69: {  	_ =	shalt  }
0x6a: {  	_ =	shalt  }
0x6b: {  	_ =	shalt  }
0x6c: {  	_ =	shalt  }
0x6d: {  	_ =	shalt  }
0x6e: {  	_ =	shalt  }
0x6f: {  	_ =	shalt  }
0x70: {  	_ =	shalt  }
0x71: {  	_ =	shalt  }
0x72: {  	_ =	shalt  }
0x73: {  	_ =	shalt  }
0x74: {  	_ =	shalt  }
0x75: {  	_ =	shalt  }
0x76: {  	_ =	shalt  }
0x77: {  	_ =	shalt  }
0x78: {  	_ =	shalt  }
0x79: {  	_ =	shalt  }
0x7a: {  	_ =	shalt  }
0x7b: {  	_ =	shalt  }
0x7c: {  	_ =	shalt  }
0x7d: {  	_ =	shalt  }
0x7e: {  	_ =	shalt  }
0x7f: {  	_ =	shalt  }
0x80: {  	_ =	shalt  }
0x81: {  	_ =	shalt  }
0x82: {  	_ =	shalt  }
0x83: {  	_ =	shalt  }
0x84: {  	_ =	shalt  }
0x85: {  	_ =	shalt  }
0x86: {  	_ =	shalt  }
0x87: {  	_ =	shalt  }
.Lfunc_end0:
.L_simem_size_0:
called_computation_lowered:
.L_overlay_start_0:
0x88: {  	s2 =	sld [smem:$0x3FD9]  }
0x89: {  	s3 =	sld [smem:$0x3FFE];
	_ =	sdelay $0x1  }
0x8a: {  	s1 =	srdreg.scid  }
0x8b: {  	s0 =	sand.u32 $0x1, s1  }
0x8c: {  	s17 =	sshll.u32 s0, $0xA;
	s2 =	sadd.s32 s3, s2  }
0x8d: {  	s2 =	sadd.s32 s2, s17  }
0x8e: {  	[smem:$0x3FBD] =	sst s2  }
0x8f: {  	_ = 	snop  }
0x90: {  	s2 =	sld [smem:$0x3FC9]  }
0x91: {  	s18 =	sld [smem:$0x3FD0];
	(tm) =	ssettm $0x1  }
0x92: {  	s4 =	sld [smem:$0x3FFB];
	_ =	sdelay $0x3  }
0x93: {  	_ =	strace s4  }
0x94: {  	s4 =	sld [smem:$0x3FFC];
	_ =	sdelay $0x3  }
0x95: {  	_ =	strace s4  }
0x96: {  	s4 =	sld [smem:$0x3FFD];
	_ =	sdelay $0x3  }
0x97: {  	_ =	strace s4  }
0x98: {  	_ =	strace $0x8FFFFFFF  }
0x99: {  	s19 =	sld [smem:$0x3FDB];
	_ =	sdelay $0x1  }
0x9a: {  	s5 =	simm.s32 $_scs_section_size  }
0x9b: {  	s6 =	simm.s32 $_size__tile_overlayer_lowered;
	s7 =	simm.s32 $_tile_overlayer_lowered  }
0x9c: {  	s22 =	simm.s32 $0x1BFF;
	s21 =	sshll.u32 s7, $0x1;
	s4 =	sadd.s32 s5, s19  }
0x9d: {  	s8 =	simm.s32 $0x0;
	s20 =	sshll.u32 s6, $0x1;
	s6 =	sadd.s32 s21, s4  }
0x9e: {  	[timem:s8], [sflag:s22] =	dma.local [hbm:s6], s20  }
0x9f: {  	_ =	swait.ge [sflag:s22], s20  }
0xa0: {  	s5 =	ssub.s32 $0x0, s20;
	[sflag:s22] =	ssyncset.done $0x0  }
0xa1: {  	[sflag:s22] =	ssyncadd.s32 s5;
	_ =	sdelay $0x1  }
0xa2: {  	s23 =	simm.s32 $0x1B8B  }
0xa3: {  	_ =	swait.ge [sflag:s23], $0x1  }
0xa4: {  	[sflag:s23] =	ssyncset.done $0x0  }
0xa5: {  	s25 =	simm.s32 $0x1B8E;
	s24 =	sld [smem:$0x3FFE];
	[sflag:s23] =	ssyncadd.s32 $0xFFFFFFFF  }
0xa6: {  	s26 =	simm.s32 $execute0_lowered;
	[smem:$0x3FD2] =	sst s25  }
0xa7: {  	s6 =	sshll.u32 s26, $0x1;
	_ =	strace $0x80000046;
	[dreg:$0x1] =	wrdreg $0xFFFFFFFF  }
0xa8: {  	s28 =	simm.s32 $_size_execute0_lowered;
	s4 =	sadd.s32 s4, s6;
	[dreg:$0x0] =	wrdreg $0x0  }
0xa9: {  	s6 =	sshll.u32 s28, $0x1;
	[dreg:$0x2] =	wrdreg s4  }
0xaa: {  	[dreg:$0x3] =	wrdreg s6  }
0xab: {  	[dreg:$0x4] =	wrdreg $0xC0  }
0xac: {  	_ =	task [dreg:s8], $0x5FFFF  }
0xad: {  	[dreg:$0x1] =	wrdreg $0xFFFFFFFF  }
0xae: {  	[dreg:$0x0] =	wrdreg $0x60  }
0xaf: {  	[dreg:$0x2] =	wrdreg s2  }
0xb0: {  	[dreg:$0x3] =	wrdreg s24  }
0xb1: {  	[dreg:$0x4] =	wrdreg s18  }
0xb2: {  	[dreg:$0x5] =	wrdreg $0x6E000  }
0xb3: {  	[dreg:$0x6] =	wrdreg $0x9  }
0xb4: {  	_ =	task.clear_ibuf [dreg:s8], $0x7FFFF;
	_ =	strace $0x90000046  }
0xb5: {  	s29 =	simm.s32 $0x9;
	_ =	strace $0x80000048  }
0xb6: {  	_ =	swait.ge [sflag:s29], $0x1  }
0xb7: {  	[sflag:s29] =	ssyncadd.s32 $0xFFFFFFFF  }
0xb8: {  	_ =	strace $0x90000048  }
0xb9: {  	_ =	sfence  }
0xba: {  	s30 =	sld [smem:$0x0];
	_ =	sdelay $0x2  }
0xbb: {  	s31 =	sshll.u32 s1, $0xD;
	s1 =	sshrl.u32 s1, $0x2  }
0xbc: {  	s3 =	sand.u32 $0x4000, s31;
	s1 =	sadd.s32 s1, s30  }
0xbd: {  	s0 =	sor.u32 s3, s0;
	s1 =	sshll.u32 s1, $0x11  }
0xbe: {  	s0 =	sor.u32 s1, s0  }
0xbf: {  	s0 =	sadd.s32 $0x8F2B, s0  }
0xc0: {  	[sflag:s0] =	ssyncadd.remote.s32 $0x1  }
0xc1: {  	_ =	sfence.sel $0xFFFF  }
0xc2: {  	[dreg:$0x0] =	wrdreg $0xFFFFFFFF;
	(pc) =	sbr.abs _section_cstart, $3  }
0xc3: {  	[dreg:$0x1] =	wrdreg $0xFFFFFFFF  }
0xc4: {  	_ =	task.clear_ibuf [dreg:s8], $0x2FFFF;
	_ =	strace $0x9FFFFFFF  }
0xc5: {  	(tm) =	ssettm $0x7FFFFFFF  }
tec
execute0_lowered:
.L_overlay_start_1:
0x0: {  	(tag) =	ssettag $0x1  }
0x1: {  	s1 =	rddreg [dreg:$0x0]  }
0x2: {  	s0 =	rddreg [dreg:$0x1]  }
0x3: {  	s2 =	rddreg [dreg:$0x2]  }
0x4: {  	s15 =	rddreg [dreg:$0x3];
	s3 =	simm.s32 $0x0;
	s4 =	srdreg.scid  }
0x5: {  	s20 =	stileid.u32;
	s28 =	simm.s32 $0x3;
	s29 =	simm.s32 $0x6900  }
0x6: {  	s31 =	simm.s32 $0x0;
	[smem:$0x7FF] =	sst s3;
	s9 =	sadd.s32 $0x2E00, s0  }
0x7: {  	s11 =	sand.u32 $0x1, s4;
	s5 =	sshll.u32 s20, $0x1;
	s14 =	smul.u32 $0x9E00, s20  }
0x8: {  	s4 =	sadd.s32 $0x3400, s0;
	s0 =	sadd.s32 $0x17800, s0;
	s16 =	smul.u32 $0x278, s20  }
0x9: {  	s20 =	smul.u32 $0x5100, s20;
	s6 =	ssub.s32 $0x2, s11;
	s18 =	sor.u32 s11, s5  }
0xa: {  	_ =	strace $0x80000047;
	s17 =	sshrl.u32 s6, $0x1;
	s7 =	sshll.u32 s18, $0x4  }
0xb: {  	s8 =	sor.u32 $0x20, s18;
	s21 =	sshll.u32 s18, $0xB;
	s12 =	smul.u32 $0x2880, s18  }
0xc: {  	s10 =	sor.u32 $0x40, s18;
	s24 =	sshrl.u32 s14, $0x2;
	p0 =	sgt.u32 s18, $0xE  }
0xd: {  	s17 =	ssub.s32 s6, s17;
	s19 =	sadd.s32 s9, s7;
	s22 =	sshll.u32 s8, $0x4  }
0xe: {  	s6 =	sadd.s32 s0, s21;
	s8 =	sshll.u32 s8, $0xB;
	s13 =	sshll.u32 s10, $0x4  }
0xf: {  	s21 =	sshll.u32 s10, $0xB;
	s14 =	sadd.s32 s24, s15;
	s15 =	sadd.s32 s16, s15  }
0x10: {  	s24 =	simm.s32 $0x4100;
	[dreg:$0x5] =	wrdreg s19;
	s7 =	sadd.s32 s9, s22  }
0x11: {  	s8 =	sadd.s32 s0, s8;
	s19 =	smul.u32 $0x2780, s11;
	s9 =	sadd.s32 s9, s13  }
0x12: {  	s23 =	sshrl.u32 s12, $0x3;
	s22 =	smul.u32 $0x2880, s11;
	s11 =	sadd.s32 s0, s21  }
0x13: {  	s12 =	sadd.s32 $0x2800, s12;
	s17 =	smax.u32 s17, $0x1;
	s21 =	simm.s32 $0x80  }
0x14: {  	s10 =	sadd.s32 s4, s23;
	s23 =	simm.s32 $0x4080;
	s19 =	sadd.s32 s16, s19  }
0x15: {  	s13 =	sadd.s32 $0x10, s10;
	s20 =	sadd.s32 s22, s20;
	s25 =	sshrl.u32 s19, $0x3  }
0x16: {  	s22 =	simm.s32 $0x1;
	s26 =	sadd.s32 $0x100, s20;
	s16 =	sadd.s32 s2, s25  }
0x17: {  	s30 =	sshrl.u32 s26, $0x3;
	s2 =	sadd.s32 $0x200, s20;
	s20 =	simm.s32 $0x4  }
0x18: {  	v0 =	vimm.f32 $0.0e+00;
	v1 =	vimm.f32 $1.000000000e+00;
	s25 =	simm.s32 $0x2;
	s26 =	simm.s32 $0x4180;
	s19 =	sadd.s32 s30, s4  }
.LBB2_1:
0x19: {  	s0 =	simm.s32 $0x40;
	s18 =	simm.s32 $0x0  }
.LBB2_2:
0x1a: {  	p1 =	sne.s32 s0, $0x9DC0;
	[tilespmem:s18+$0x4180] =	vst v0;
	s18 =	smov.u32 s0;
	s0 =	sadd.s32 $0x40, s0  }
.Ltmp0:
0x1b: {  	(pc) =	sbr.rel @p1 .LBB2_2-.Ltmp0, $2  }
0x1c: {  	_ =	sdelay $0x2  }
0x1d: {  	s18 =	sshra.s32 s18, $0x2  }
0x1e: {  	[tilespmem:s18+$0x4180] =	vst v0;
	s0 =	rddreg [dreg:$0x5]  }
0x1f: {  	[tilespmem:s3], [sflag:$0x4] =	stream.linear.gather [hbm4b:s0+s3], $0x80, $0x38;
	[tilespmem:$0x9580] =	vst v63  }
0x20: {  	_ =	swait.ge [sflag:s20], $0x80  }
0x21: {  	[sflag:s20] =	ssyncset.done $0x0  }
0x22: {  	[sflag:s20] =	ssyncadd.s32 $0xFFFFFF80  }
0x23: {  	[tilespmem:s21], [sflag:$0x1] =	stream.indirect.gather [hbm4b:s1+s21], $0x80, s3, s21, $0xb8;
	[tilespmem:$0x9580] =	vst v63  }
0x24: {  	_ =	swait.ge [sflag:s22], $0x4000  }
0x25: {  	[sflag:s22] =	ssyncset.done $0x0  }
0x26: {  	[sflag:s22] =	ssyncadd.s32 $0xFFFFC000  }
0x27: {  	[hbm4b:s6+s3] =	stream.linear.scatter [tilespmem:s21], [sflag:$0x4], $0x4000, $0x38;
	[tilespmem:$0x9580] =	vst v63  }
0x28: {  	_ =	swait.ge [sflag:s20], $0x4000  }
0x29: {  	[sflag:s20] =	ssyncset.done $0x0  }
0x2a: {  	[sflag:s20] =	ssyncadd.s32 $0xFFFFC000  }
0x2b: {  	[tilespmem:s3], [sflag:$0x4] =	stream.linear.gather [hbm4b:s7+s3], $0x80, $0x38;
	[tilespmem:$0x9580] =	vst v63  }
0x2c: {  	_ =	swait.ge [sflag:s20], $0x80  }
0x2d: {  	[sflag:s20] =	ssyncset.done $0x0  }
0x2e: {  	[sflag:s20] =	ssyncadd.s32 $0xFFFFFF80  }
0x2f: {  	[tilespmem:s21], [sflag:$0x1] =	stream.indirect.gather [hbm4b:s1+s21], $0x80, s3, s21, $0xb8;
	[tilespmem:$0x9580] =	vst v63  }
0x30: {  	_ =	swait.ge [sflag:s22], $0x4000  }
0x31: {  	[sflag:s22] =	ssyncset.done $0x0  }
0x32: {  	[sflag:s22] =	ssyncadd.s32 $0xFFFFC000  }
0x33: {  	[hbm4b:s8+s3] =	stream.linear.scatter [tilespmem:s21], [sflag:$0x4], $0x4000, $0x38;
	[tilespmem:$0x9580] =	vst v63  }
0x34: {  	_ =	swait.ge [sflag:s20], $0x4000  }
0x35: {  	[sflag:s20] =	ssyncset.done $0x0  }
0x36: {  	s18 =	simm.s32 @!p0 $0x4;
	s0 =	simm.s32 @!p0 $0x0;
	[sflag:s20] =	ssyncadd.s32 $0xFFFFC000  }
0x37: {  	[tilespmem:s0], [sflag:$0x4] =	stream.linear.gather @!p0 [hbm4b:s9+s0], $0x80, $0x38;
	[tilespmem:$0x9580] =	vst v63  }
0x38: {  	_ =	swait.ge @!p0 [sflag:s18], $0x80  }
0x39: {  	[sflag:s18] =	ssyncset.done @!p0 $0x0  }
0x3a: {  	s30 =	simm.s32 @!p0 $0x80;
	s5 =	simm.s32 @!p0 $0x1;
	[sflag:s18] =	ssyncadd.s32 @!p0 $0xFFFFFF80  }
0x3b: {  	[tilespmem:s30], [sflag:$0x1] =	stream.indirect.gather @!p0 [hbm4b:s1+s30], $0x80, s0, s30, $0xb8;
	[tilespmem:$0x9580] =	vst v63  }
0x3c: {  	_ =	swait.ge @!p0 [sflag:s5], $0x4000  }
0x3d: {  	[sflag:s5] =	ssyncset.done @!p0 $0x0  }
0x3e: {  	[sflag:s5] =	ssyncadd.s32 @!p0 $0xFFFFC000  }
0x3f: {  	[hbm4b:s11+s0] =	stream.linear.scatter @!p0 [tilespmem:s30], [sflag:$0x4], $0x4000, $0x38;
	[tilespmem:$0x9580] =	vst v63  }
0x40: {  	_ =	swait.ge @!p0 [sflag:s18], $0x4000  }
0x41: {  	[sflag:s18] =	ssyncset.done @!p0 $0x0  }
0x42: {  	s0 =	simm.s32 $0x0;
	[sflag:s18] =	ssyncadd.s32 @!p0 $0xFFFFC000  }
0x43: {  	[tilespmem:s23], [sflag:$0x2] =	stream.linear.gather [hbm4b:s10+s0], $0x80, $0x38;
	[tilespmem:$0x9580] =	vst v63  }
0x44: {  	s18 =	smov.u32 s2  }
0x45: {  	[tilespmem:s24], [sflag:$0x3] =	stream.linear.gather [hbm4b:s13+s0], $0x80, $0x38;
	[tilespmem:$0x9580] =	vst v63  }
.LBB2_4:
0x46: {  	_ =	swait.ge [sflag:s25], $0x80  }
0x47: {  	[sflag:s25] =	ssyncset.done $0x0  }
0x48: {  	[sflag:s25] =	ssyncadd.s32 $0xFFFFFF80  }
0x49: {  	v2 =	vld [tilespmem:$0x4080];
	_ =	sdelay $0x7  }
0x4a: {  	[tilespmem:v2+s26+$0x0] =	vst.idx.add.f32.msk $0xffff, v1  }
0x4b: {  	v2 =	vld [tilespmem:$0x4090];
	_ =	sdelay $0x7  }
0x4c: {  	[tilespmem:v2+s26+$0x0] =	vst.idx.add.f32.msk $0xffff, v1  }
0x4d: {  	v2 =	vld [tilespmem:$0x40A0];
	_ =	sdelay $0x7  }
0x4e: {  	[tilespmem:v2+s26+$0x0] =	vst.idx.add.f32.msk $0xffff, v1  }
0x4f: {  	v2 =	vld [tilespmem:$0x40B0];
	_ =	sdelay $0x7  }
0x50: {  	[tilespmem:v2+s26+$0x0] =	vst.idx.add.f32.msk $0xffff, v1  }
0x51: {  	v2 =	vld [tilespmem:$0x40C0];
	_ =	sdelay $0x7  }
0x52: {  	[tilespmem:v2+s26+$0x0] =	vst.idx.add.f32.msk $0xffff, v1  }
0x53: {  	v2 =	vld [tilespmem:$0x40D0];
	_ =	sdelay $0x7  }
0x54: {  	[tilespmem:v2+s26+$0x0] =	vst.idx.add.f32.msk $0xffff, v1  }
0x55: {  	v2 =	vld [tilespmem:$0x40E0];
	_ =	sdelay $0x7  }
0x56: {  	[tilespmem:v2+s26+$0x0] =	vst.idx.add.f32.msk $0xffff, v1  }
0x57: {  	v2 =	vld [tilespmem:$0x40F0];
	_ =	sdelay $0x7  }
0x58: {  	s5 =	sadd.s32 s0, s19;
	[tilespmem:v2+s26+$0x0] =	vst.idx.add.f32.msk $0xffff, v1  }
0x59: {  	[tilespmem:s23], [sflag:$0x2] =	stream.linear.gather [hbm4b:s5+s3], $0x80, $0x38;
	[tilespmem:$0x9580] =	vst v63  }
0x5a: {  	_ =	swait.ge [sflag:s28], $0x80  }
0x5b: {  	[sflag:s28] =	ssyncset.done $0x0  }
0x5c: {  	[sflag:s28] =	ssyncadd.s32 $0xFFFFFF80  }
0x5d: {  	v2 =	vld [tilespmem:$0x4100];
	_ =	sdelay $0x7  }
0x5e: {  	[tilespmem:v2+s26+$0x0] =	vst.idx.add.f32.msk $0xffff, v1  }
0x5f: {  	v2 =	vld [tilespmem:$0x4110];
	_ =	sdelay $0x7  }
0x60: {  	[tilespmem:v2+s26+$0x0] =	vst.idx.add.f32.msk $0xffff, v1  }
0x61: {  	v2 =	vld [tilespmem:$0x4120];
	_ =	sdelay $0x7  }
0x62: {  	[tilespmem:v2+s26+$0x0] =	vst.idx.add.f32.msk $0xffff, v1  }
0x63: {  	v2 =	vld [tilespmem:$0x4130];
	_ =	sdelay $0x7  }
0x64: {  	[tilespmem:v2+s26+$0x0] =	vst.idx.add.f32.msk $0xffff, v1  }
0x65: {  	v2 =	vld [tilespmem:$0x4140];
	_ =	sdelay $0x7  }
0x66: {  	[tilespmem:v2+s26+$0x0] =	vst.idx.add.f32.msk $0xffff, v1  }
0x67: {  	v2 =	vld [tilespmem:$0x4150];
	_ =	sdelay $0x7  }
0x68: {  	[tilespmem:v2+s26+$0x0] =	vst.idx.add.f32.msk $0xffff, v1  }
0x69: {  	v2 =	vld [tilespmem:$0x4160];
	_ =	sdelay $0x7  }
0x6a: {  	[tilespmem:v2+s26+$0x0] =	vst.idx.add.f32.msk $0xffff, v1  }
0x6b: {  	v2 =	vld [tilespmem:$0x4170];
	_ =	sdelay $0x3  }
0x6c: {  	s5 =	sadd.s32 $0xFFFFFF80, s18  }
0x6d: {  	s30 =	smov.u32 s12;
	p1 =	slt.s32 s5, s12  }
0x6e: {  	s30 =	smov.u32 @p1 s5  }
0x6f: {  	s5 =	sshrl.u32 s30, $0x3  }
0x70: {  	s5 =	sadd.s32 s4, s5;
	[tilespmem:v2+s26+$0x0] =	vst.idx.add.f32.msk $0xffff, v1  }
0x71: {  	[tilespmem:s24], [sflag:$0x3] =	stream.linear.gather [hbm4b:s5+s3], $0x80, $0x38;
	[tilespmem:$0x9580] =	vst v63  }
0x72: {  	_ =	swait.ge [sflag:s25], $0x80  }
0x73: {  	[sflag:s25] =	ssyncset.done $0x0  }
0x74: {  	[sflag:s25] =	ssyncadd.s32 $0xFFFFFF80  }
0x75: {  	v2 =	vld [tilespmem:$0x4080];
	_ =	sdelay $0x7  }
0x76: {  	[tilespmem:v2+s26+$0x0] =	vst.idx.add.f32.msk $0xffff, v1  }
0x77: {  	v2 =	vld [tilespmem:$0x4090];
	_ =	sdelay $0x7  }
0x78: {  	[tilespmem:v2+s26+$0x0] =	vst.idx.add.f32.msk $0xffff, v1  }
0x79: {  	v2 =	vld [tilespmem:$0x40A0];
	_ =	sdelay $0x7  }
0x7a: {  	[tilespmem:v2+s26+$0x0] =	vst.idx.add.f32.msk $0xffff, v1  }
0x7b: {  	v2 =	vld [tilespmem:$0x40B0];
	_ =	sdelay $0x7  }
0x7c: {  	[tilespmem:v2+s26+$0x0] =	vst.idx.add.f32.msk $0xffff, v1  }
0x7d: {  	v2 =	vld [tilespmem:$0x40C0];
	_ =	sdelay $0x7  }
0x7e: {  	[tilespmem:v2+s26+$0x0] =	vst.idx.add.f32.msk $0xffff, v1  }
0x7f: {  	v2 =	vld [tilespmem:$0x40D0];
	_ =	sdelay $0x7  }
0x80: {  	[tilespmem:v2+s26+$0x0] =	vst.idx.add.f32.msk $0xffff, v1  }
0x81: {  	v2 =	vld [tilespmem:$0x40E0];
	_ =	sdelay $0x7  }
0x82: {  	[tilespmem:v2+s26+$0x0] =	vst.idx.add.f32.msk $0xffff, v1  }
0x83: {  	v2 =	vld [tilespmem:$0x40F0];
	_ =	sdelay $0x2  }
0x84: {  	p1 =	slt.s32 s18, s12;
	s5 =	smov.u32 s12  }
0x85: {  	s5 =	smov.u32 @p1 s18;
	p1 =	sne.s32 s0, $0x4E0  }
.Ltmp1:
0x86: {  	_ = 	snop;
	(pc) =	sbr.rel @p1 .LBB2_4-.Ltmp1, $4  }
0x87: {  	_ = 	snop  }
0x88: {  	s5 =	sshrl.u32 s5, $0x3  }
0x89: {  	s18 =	sadd.s32 $0x180, s18;
	s0 =	sadd.s32 $0x30, s0;
	s5 =	sadd.s32 s4, s5;
	[tilespmem:v2+s26+$0x0] =	vst.idx.add.f32.msk $0xffff, v1  }
0x8a: {  	[tilespmem:s23], [sflag:$0x2] =	stream.linear.gather [hbm4b:s5+s3], $0x80, $0x38;
	[tilespmem:$0x9580] =	vst v63  }
0x8b: {  	_ =	swait.ge [sflag:s25], $0x80  }
0x8c: {  	[sflag:s25] =	ssyncset.done $0x0  }
0x8d: {  	[sflag:s25] =	ssyncadd.s32 $0xFFFFFF80  }
0x8e: {  	_ =	swait.ge [sflag:s28], $0x80  }
0x8f: {  	[sflag:s28] =	ssyncset.done $0x0  }
0x90: {  	[sflag:s28] =	ssyncadd.s32 $0xFFFFFF80  }
0x91: {  	[spmem:s14] =	stream.linear.scatter [tilespmem:s26], [sflag:$0x4], $0x2780, $0x38;
	[tilespmem:$0x9580] =	vst v63  }
0x92: {  	_ =	swait.ge [sflag:s20], $0x2780  }
0x93: {  	[sflag:s20] =	ssyncset.done $0x0  }
0x94: {  	[sflag:s20] =	ssyncadd.s32 $0xFFFFD880  }
0x95: {  	[bflag:$0x0] =	sbarrier.arrive $0xFFFF  }
0x96: {  	[tilespmem:$0x6B80] =	vst v0  }
0x97: {  	[tilespmem:$0x6B90] =	vst v0  }
0x98: {  	[tilespmem:$0x6BA0] =	vst v0  }
0x99: {  	[tilespmem:$0x6BB0] =	vst v0  }
0x9a: {  	[tilespmem:$0x6BC0] =	vst v0  }
0x9b: {  	[tilespmem:$0x6BD0] =	vst v0  }
0x9c: {  	[tilespmem:$0x6BE0] =	vst v0  }
0x9d: {  	[tilespmem:$0x6BF0] =	vst v0  }
0x9e: {  	[tilespmem:$0x6C00] =	vst v0  }
0x9f: {  	[tilespmem:$0x6C10] =	vst v0  }
0xa0: {  	[tilespmem:$0x6C20] =	vst v0  }
0xa1: {  	[tilespmem:$0x6C30] =	vst v0  }
0xa2: {  	[tilespmem:$0x6C40] =	vst v0  }
0xa3: {  	[tilespmem:$0x6C50] =	vst v0  }
0xa4: {  	[tilespmem:$0x6C60] =	vst v0  }
0xa5: {  	[tilespmem:$0x6C70] =	vst v0  }
0xa6: {  	[tilespmem:$0x6C80] =	vst v0  }
0xa7: {  	[tilespmem:$0x6C90] =	vst v0  }
0xa8: {  	[tilespmem:$0x6CA0] =	vst v0  }
0xa9: {  	[tilespmem:$0x6CB0] =	vst v0  }
0xaa: {  	[tilespmem:$0x6CC0] =	vst v0  }
0xab: {  	[tilespmem:$0x6CD0] =	vst v0  }
0xac: {  	[tilespmem:$0x6CE0] =	vst v0  }
0xad: {  	[tilespmem:$0x6CF0] =	vst v0  }
0xae: {  	[tilespmem:$0x6D00] =	vst v0  }
0xaf: {  	[tilespmem:$0x6D10] =	vst v0  }
0xb0: {  	[tilespmem:$0x6D20] =	vst v0  }
0xb1: {  	[tilespmem:$0x6D30] =	vst v0  }
0xb2: {  	[tilespmem:$0x6D40] =	vst v0  }
0xb3: {  	[tilespmem:$0x6D50] =	vst v0  }
0xb4: {  	[tilespmem:$0x6D60] =	vst v0  }
0xb5: {  	[tilespmem:$0x6D70] =	vst v0  }
0xb6: {  	[tilespmem:$0x6D80] =	vst v0  }
0xb7: {  	[tilespmem:$0x6D90] =	vst v0  }
0xb8: {  	[tilespmem:$0x6DA0] =	vst v0  }
0xb9: {  	[tilespmem:$0x6DB0] =	vst v0  }
0xba: {  	[tilespmem:$0x6DC0] =	vst v0  }
0xbb: {  	[tilespmem:$0x6DD0] =	vst v0  }
0xbc: {  	s0 =	simm.s32 $0x0;
	[tilespmem:$0x6DE0] =	vst v0  }
.LBB2_6:
0xbd: {  	s5 =	sshra.s32 s0, $0x2  }
0xbe: {  	s5 =	sadd.s32 s5, s15  }
0xbf: {  	[tilespmem:s29], [sflag:$0x4] =	stream.linear.gather [spmem:s5], $0x278, $0x38;
	[tilespmem:$0x9580] =	vst v63  }
0xc0: {  	_ =	swait.ge [sflag:s20], $0x278  }
0xc1: {  	[sflag:s20] =	ssyncset.done $0x0  }
0xc2: {  	[sflag:s20] =	ssyncadd.s32 $0xFFFFFD88  }
0xc3: {  	v2 =	vld [tilespmem:$0x6B80]  }
0xc4: {  	v3 =	vld [tilespmem:$0x6900]  }
0xc5: {  	v4 =	vld [tilespmem:$0x6B90]  }
0xc6: {  	v5 =	vld [tilespmem:$0x6910]  }
0xc7: {  	v6 =	vld [tilespmem:$0x6BA0]  }
0xc8: {  	v7 =	vld [tilespmem:$0x6920]  }
0xc9: {  	v8 =	vld [tilespmem:$0x6BB0]  }
0xca: {  	v9 =	vld [tilespmem:$0x6930]  }
0xcb: {  	v10 =	vld [tilespmem:$0x6BC0]  }
0xcc: {  	v11 =	vld [tilespmem:$0x6940]  }
0xcd: {  	v12 =	vld [tilespmem:$0x6BD0]  }
0xce: {  	v13 =	vld [tilespmem:$0x6950]  }
0xcf: {  	v14 =	vld [tilespmem:$0x6BE0]  }
0xd0: {  	v15 =	vld [tilespmem:$0x6960]  }
0xd1: {  	v16 =	vld [tilespmem:$0x6BF0]  }
0xd2: {  	v17 =	vld [tilespmem:$0x6970]  }
0xd3: {  	v18 =	vld [tilespmem:$0x6C00]  }
0xd4: {  	v19 =	vld [tilespmem:$0x6980]  }
0xd5: {  	v20 =	vld [tilespmem:$0x6C10]  }
0xd6: {  	v21 =	vld [tilespmem:$0x6990]  }
0xd7: {  	v22 =	vld [tilespmem:$0x6C20]  }
0xd8: {  	v23 =	vld [tilespmem:$0x69A0]  }
0xd9: {  	v24 =	vld [tilespmem:$0x6C30]  }
0xda: {  	v25 =	vld [tilespmem:$0x69B0]  }
0xdb: {  	v26 =	vld [tilespmem:$0x6C40]  }
0xdc: {  	v27 =	vld [tilespmem:$0x69C0]  }
0xdd: {  	v28 =	vld [tilespmem:$0x6C50]  }
0xde: {  	v29 =	vld [tilespmem:$0x69D0]  }
0xdf: {  	v30 =	vld [tilespmem:$0x6C60]  }
0xe0: {  	v31 =	vld [tilespmem:$0x69E0]  }
0xe1: {  	v32 =	vld [tilespmem:$0x6C70]  }
0xe2: {  	v33 =	vld [tilespmem:$0x69F0]  }
0xe3: {  	v34 =	vld [tilespmem:$0x6C80]  }
0xe4: {  	v35 =	vld [tilespmem:$0x6A00]  }
0xe5: {  	v36 =	vld [tilespmem:$0x6C90]  }
0xe6: {  	v37 =	vld [tilespmem:$0x6A10]  }
0xe7: {  	v38 =	vld [tilespmem:$0x6CA0]  }
0xe8: {  	v39 =	vld [tilespmem:$0x6A20]  }
0xe9: {  	v40 =	vld [tilespmem:$0x6CB0]  }
0xea: {  	v41 =	vld [tilespmem:$0x6A30]  }
0xeb: {  	v42 =	vld [tilespmem:$0x6CC0]  }
0xec: {  	v43 =	vld [tilespmem:$0x6A40]  }
0xed: {  	v44 =	vld [tilespmem:$0x6CD0]  }
0xee: {  	v45 =	vld [tilespmem:$0x6A50]  }
0xef: {  	v48 =	vld [tilespmem:$0x6CF0];
	v2 =	vadd.f32 v3, v2  }
0xf0: {  	v50 =	vld [tilespmem:$0x6A70];
	v4 =	vadd.f32 v5, v4  }
0xf1: {  	v51 =	vld [tilespmem:$0x6D00];
	[tilespmem:$0x6B80] =	vst v2;
	v2 =	vadd.f32 v7, v6  }
0xf2: {  	v53 =	vld [tilespmem:$0x6A80];
	v49 =	vadd.f32 v9, v8;
	[tilespmem:$0x6B90] =	vst v4  }
0xf3: {  	v54 =	vld [tilespmem:$0x6D10];
	[tilespmem:$0x6BA0] =	vst v2;
	v2 =	vadd.f32 v11, v10  }
0xf4: {  	v56 =	vld [tilespmem:$0x6A90];
	v52 =	vadd.f32 v13, v12;
	[tilespmem:$0x6BB0] =	vst v49  }
0xf5: {  	v57 =	vld [tilespmem:$0x6D20];
	[tilespmem:$0x6BC0] =	vst v2;
	v2 =	vadd.f32 v15, v14  }
0xf6: {  	v59 =	vld [tilespmem:$0x6AA0];
	v55 =	vadd.f32 v17, v16;
	[tilespmem:$0x6BD0] =	vst v52  }
0xf7: {  	v60 =	vld [tilespmem:$0x6D30];
	[tilespmem:$0x6BE0] =	vst v2;
	v2 =	vadd.f32 v19, v18  }
0xf8: {  	v62 =	vld [tilespmem:$0x6AB0];
	v58 =	vadd.f32 v21, v20;
	[tilespmem:$0x6BF0] =	vst v55  }
0xf9: {  	v63 =	vld [tilespmem:$0x6D40];
	[tilespmem:$0x6C00] =	vst v2;
	v2 =	vadd.f32 v23, v22  }
0xfa: {  	v47 =	vld [tilespmem:$0x6B00];
	v61 =	vadd.f32 v25, v24;
	[tilespmem:$0x6C10] =	vst v58  }
0xfb: {  	v3 =	vld [tilespmem:$0x6CE0];
	[tilespmem:$0x6C20] =	vst v2;
	v2 =	vadd.f32 v27, v26  }
0xfc: {  	v5 =	vld [tilespmem:$0x6A60];
	v28 =	vadd.f32 v29, v28;
	[tilespmem:$0x6C30] =	vst v61  }
0xfd: {  	v29 =	vld [tilespmem:$0x6AC0];
	[tilespmem:$0x6C40] =	vst v2;
	v2 =	vadd.f32 v31, v30  }
0xfe: {  	v32 =	vadd.f32 v33, v32;
	v33 =	vld [tilespmem:$0x6AD0];
	[tilespmem:$0x6C50] =	vst v28  }
0xff: {  	v36 =	vadd.f32 v37, v36;
	v37 =	vld [tilespmem:$0x6AE0];
	[tilespmem:$0x6C60] =	vst v2;
	v2 =	vadd.f32 v35, v34  }
0x100: {  	v40 =	vadd.f32 v41, v40;
	v41 =	vld [tilespmem:$0x6AF0];
	[tilespmem:$0x6C70] =	vst v32  }
0x101: {  	v48 =	vadd.f32 v50, v48;
	v50 =	vld [tilespmem:$0x6DA0];
	[tilespmem:$0x6C80] =	vst v2;
	v2 =	vadd.f32 v39, v38  }
0x102: {  	[tilespmem:$0x6C90] =	vst v36;
	v49 =	vld [tilespmem:$0x6B10]  }
0x103: {  	v52 =	vld [tilespmem:$0x6B20];
	[tilespmem:$0x6CA0] =	vst v2;
	v2 =	vadd.f32 v43, v42  }
0x104: {  	v46 =	vadd.f32 v45, v44;
	[tilespmem:$0x6CB0] =	vst v40;
	v55 =	vld [tilespmem:$0x6B30]  }
0x105: {  	v58 =	vld [tilespmem:$0x6B40];
	[tilespmem:$0x6CC0] =	vst v2;
	v2 =	vadd.f32 v5, v3  }
0x106: {  	[tilespmem:$0x6CD0] =	vst v46;
	v61 =	vld [tilespmem:$0x6B50]  }
0x107: {  	v39 =	vld [tilespmem:$0x6D70];
	[tilespmem:$0x6CE0] =	vst v2;
	v2 =	vadd.f32 v53, v51  }
0x108: {  	[tilespmem:$0x6CF0] =	vst v48;
	v35 =	vld [tilespmem:$0x6D60];
	v51 =	vadd.f32 v56, v54  }
0x109: {  	v31 =	vld [tilespmem:$0x6D50];
	[tilespmem:$0x6D00] =	vst v2;
	v2 =	vadd.f32 v59, v57  }
0x10a: {  	v43 =	vld [tilespmem:$0x6D80];
	v54 =	vadd.f32 v62, v60;
	[tilespmem:$0x6D10] =	vst v51  }
0x10b: {  	v3 =	vld [tilespmem:$0x6D90];
	[tilespmem:$0x6D20] =	vst v2;
	v2 =	vadd.f32 v29, v63  }
0x10c: {  	v53 =	vld [tilespmem:$0x6DB0];
	v60 =	vadd.f32 v41, v39;
	[tilespmem:$0x6D30] =	vst v54  }
0x10d: {  	v56 =	vld [tilespmem:$0x6DC0];
	[tilespmem:$0x6D40] =	vst v2;
	v2 =	vadd.f32 v37, v35  }
0x10e: {  	v62 =	vld [tilespmem:$0x6DE0];
	v57 =	vadd.f32 v33, v31;
	[tilespmem:$0x6D70] =	vst v60  }
0x10f: {  	v59 =	vld [tilespmem:$0x6DD0];
	[tilespmem:$0x6D60] =	vst v2;
	v2 =	vadd.f32 v47, v43  }
0x110: {  	v3 =	vadd.f32 v49, v3;
	[tilespmem:$0x6D50] =	vst v57;
	v63 =	vld [tilespmem:$0x6B60]  }
0x111: {  	[tilespmem:$0x6D80] =	vst v2;
	v2 =	vadd.f32 v52, v50  }
0x112: {  	p1 =	sne.s32 s0, $0x94200;
	[tilespmem:$0x6D90] =	vst v3;
	v3 =	vadd.f32 v55, v53  }
.Ltmp2:
0x113: {  	[tilespmem:$0x6DA0] =	vst v2;
	v2 =	vadd.f32 v58, v56;
	(pc) =	sbr.rel @p1 .LBB2_6-.Ltmp2, $4  }
0x114: {  	[tilespmem:$0x6DB0] =	vst v3;
	v3 =	vadd.f32 v61, v59  }
0x115: {  	[tilespmem:$0x6DC0] =	vst v2;
	v2 =	vadd.f32 v63, v62  }
0x116: {  	[tilespmem:$0x6DD0] =	vst v3  }
0x117: {  	s0 =	sadd.s32 $0x9E00, s0;
	[tilespmem:$0x6DE0] =	vst v2  }
0x118: {  	s31 =	sadd.s32 $0x1, s31  }
0x119: {  	p1 =	sne.s32 s31, s17  }
.Ltmp3:
0x11a: {  	s0 =	simm.s32 $0x6B80;
	(pc) =	sbr.rel @p1 .LBB2_1-.Ltmp3, $4  }
0x11b: {  	[hbm4b:s16+s3] =	stream.linear.scatter [tilespmem:s0], [sflag:$0x4], $0x278, $0x38;
	[tilespmem:$0x9580] =	vst v63  }
0x11c: {  	_ =	swait.ge [sflag:s20], $0x278  }
0x11d: {  	[sflag:s20] =	ssyncset.done $0x0  }
0x11e: {  	[sflag:s20] =	ssyncadd.s32 $0xFFFFFD88  }
0x11f: {  	_ =	sfence.sel $0x180000  }
0x120: {  	[bflag:$0x0] =	sbarrier.arrive $0xFFFF  }
0x121: {  	_ =	strace $0x90000047  }
0x122: {  	s0 =	stileid.u32;
	[bflag:$0x2] =	sbarrier.arrive $0xFFFF  }
0x123: {  	p0 =	sne.s32 s0, $0x0;
	s0 =	rddreg [dreg:$0x4]  }
0x124: {  	s0 =	sadd.s32 @!p0 $0x100000, s0  }
0x125: {  	[sflag:s0] =	ssyncadd.tile.s32 @!p0 $0x1;
	_ =	shalt  }
.Lfunc_end2:
_tile_overlayer_lowered:
.L_overlay_start_2:
0x126: {  	(tag) =	ssettag $0x2  }
0x127: {  	s0 =	rddreg [dreg:$0x0];
	s2 =	stileid.u32  }
0x128: {  	s1 =	rddreg [dreg:$0x1];
	p0 =	sne.s32 s2, $0x0  }
0x129: {  	s3 =	rddreg [dreg:$0x2];
	[bflag:$0x3] =	sbarrier.arrive $0xFFFF;
	s2 =	simm.s32 @!p0 $0x1C04  }
0x12a: {  	[timem:s3], [sflag:s2] =	dma.local @!p0 [hbm:s0], s1  }
0x12b: {  	s0 =	simm.s32 @!p0 $0x4  }
0x12c: {  	_ =	swait.ge @!p0 [sflag:s0], s1  }
0x12d: {  	s1 =	ssub.s32 @!p0 $0x0, s1;
	[sflag:s0] =	ssyncset.done @!p0 $0x0  }
0x12e: {  	[sflag:s0] =	ssyncadd.s32 @!p0 s1  }
0x12f: {  	[bflag:$0x3] =	sbarrier.arrive $0xFFFF  }
0x130: {  	_ =	shalt  }

</sc_bundles>
